<compile_context>
chip_gen: v7x
topology: tpu7x:2x2x1
jax: 0.10.2.dev20260603
libtpu: 0.0.44.dev20260713+nightly
codegen_flags: <defaults>
</compile_context>

<pallas_src>
import functools

import jax
import jax.numpy as jnp
from jax import lax
from jax.experimental import pallas as pl
from jax.experimental.pallas import tpu as pltpu
from jax.experimental.pallas import tpu_sc as plsc

NUM_HEADS = 6
N = 256
C = 192
HD = C // NUM_HEADS
SCALE = HD ** (-0.5)
BW = 12


def _attn_kernel(x_ref, bias_ref, masks_ref, masksf_ref, ones_ref, w_ref,
                 b_ref, o_ref, vblk_ref):
    bias = bias_ref[...]
    w = w_ref[...]
    b = b_ref[...]
    masksf = masksf_ref[...]
    ones_blk = ones_ref[...]
    for widx in range(BW):
        xw = x_ref[widx]
        q = (xw[:, :C] * SCALE).astype(jnp.bfloat16)
        k = xw[:, C:2 * C].astype(jnp.bfloat16)
        v = xw[:, 2 * C:3 * C].astype(jnp.bfloat16)
        lepe = xw[:, 3 * C:]
        es = []
        for h in range(NUM_HEADS):
            mask = masks_ref[h:h + 1, :]
            logits = lax.dot_general(
                q, k * mask, (((1,), (1,)), ((), ())),
                preferred_element_type=jnp.float32)
            es.append(jnp.exp(logits + bias[h]).astype(jnp.bfloat16))
            vblk_ref[widx, h * N:(h + 1) * N, :] = v * mask
        e_cat = jnp.concatenate(es, axis=1)
        out_u = jnp.dot(e_cat, vblk_ref[widx],
                        preferred_element_type=jnp.float32)
        s = jnp.dot(e_cat, ones_blk,
                    preferred_element_type=jnp.float32)
        recip = lax.dot_general(1.0 / s, masksf, (((1,), (0,)), ((), ())),
                                preferred_element_type=jnp.float32)
        acc = lepe + out_u * recip
        y = lax.dot_general(acc, w, (((1,), (1,)), ((), ())),
                            preferred_element_type=jnp.float32) + b
        o_ref[widx] = y


def _fused_attention(qkvp, bias, proj_w, proj_b):
    b_ = qkvp.shape[0]
    grid = (b_ // BW,)
    masks = (jnp.arange(C)[None, :] // HD ==
             jnp.arange(NUM_HEADS)[:, None]).astype(jnp.float32)
    masksf = jnp.pad(masks, ((0, 16 - NUM_HEADS), (0, 0)))
    col = jnp.arange(16)[None, :]
    row_h = (jnp.arange(NUM_HEADS * N)[:, None] // N)
    ones_blk = ((col == row_h) | (col >= NUM_HEADS)).astype(jnp.bfloat16)
    return pl.pallas_call(
        _attn_kernel,
        grid=grid,
        in_specs=[
            pl.BlockSpec((BW, N, 4 * C), lambda i: (i, 0, 0)),
            pl.BlockSpec((NUM_HEADS, N, N), lambda i: (0, 0, 0)),
            pl.BlockSpec((16, C), lambda i: (0, 0)),
            pl.BlockSpec((16, C), lambda i: (0, 0)),
            pl.BlockSpec((NUM_HEADS * N, 16), lambda i: (0, 0)),
            pl.BlockSpec((C, C), lambda i: (0, 0)),
            pl.BlockSpec((1, C), lambda i: (0, 0)),
        ],
        out_specs=pl.BlockSpec((BW, N, C), lambda i: (i, 0, 0)),
        out_shape=jax.ShapeDtypeStruct((b_, N, C), jnp.float32),
        scratch_shapes=[
            pltpu.VMEM((BW, NUM_HEADS * N, C), jnp.bfloat16),
        ],
        compiler_params=pltpu.CompilerParams(
            vmem_limit_bytes=100 * 1024 * 1024),
    )(qkvp, bias, masksf.astype(jnp.bfloat16), masksf, ones_blk,
      proj_w, proj_b)


def _sc_bias_gather(table16, idx):
    info = plsc.get_sparse_core_info()
    nc, ns, nl = info.num_cores, info.num_subcores, info.num_lanes
    nw = nc * ns
    b = idx.shape[0]
    b_per_w = b // nw
    mesh = plsc.VectorSubcoreMesh(core_axis_name="c", subcore_axis_name="s")

    @functools.partial(
        pl.kernel, mesh=mesh,
        out_type=jax.ShapeDtypeStruct((b, nl), jnp.float32),
        scratch_types=[
            pltpu.VMEM_SHARED(table16.shape, jnp.float32),
            pltpu.VMEM((b_per_w,), jnp.int32),
            pltpu.VMEM((b_per_w, nl), jnp.float32),
            pltpu.SemaphoreType.DMA,
        ],
        compiler_params=pltpu.CompilerParams(use_tc_tiling_on_sc=False),
    )
    def gather_kernel(table_hbm, idx_hbm, out_hbm, table_v, idx_v, rows_v,
                      sem):
        sid = lax.axis_index("s")
        wid = sid * nc + lax.axis_index("c")
        base = wid * b_per_w

        @pl.when(sid == 0)
        def _():
            pltpu.sync_copy(table_hbm, table_v)

        plsc.subcore_barrier()
        pltpu.sync_copy(idx_hbm.at[pl.ds(base, b_per_w)], idx_v)
        pltpu.async_copy(table_v.at[idx_v], rows_v, sem).wait()
        pltpu.sync_copy(rows_v, out_hbm.at[pl.ds(base, b_per_w)])

    return gather_kernel(table16, idx)


def kernel(qkvp, pfa_values, pfa_indices, rpi, shift, rpb_table, proj_w, proj_b):
    table16 = jnp.pad(rpb_table, ((0, 0), (0, 16 - NUM_HEADS)))
    rows = _sc_bias_gather(table16, rpi.reshape(-1))
    bias = rows.T[:NUM_HEADS].reshape(NUM_HEADS, N, N)
    return _fused_attention(qkvp, bias, proj_w, proj_b.reshape(1, C))

# --- scband reference (transcript-rebuilt; emitter-appended) ---
"""Pipeline reference for scband-window-attention-41738492182688 (READ-ONLY COPY).

The authoritative reference and input builder live on the scoring server;
editing this copy changes nothing except your own understanding.
"""

import jax, jax.numpy as jnp
import numpy as np

NUM_HEADS = 6
WINDOW = (16, 16)


def setup_inputs(seed: int = 0) -> dict:
    key = jax.random.key(seed)
    ks = jax.random.split(key, 6)
    b_, n, c = 576, 256, 192
    n_bias = (2 * WINDOW[0] - 1) * (2 * WINDOW[1] - 1)
    qkvp = jax.random.normal(ks[0], (b_, n, 4 * c), dtype=jnp.float32)
    pfa_values = jnp.zeros((2, 0), dtype=jnp.float32)
    pfa_indices = jnp.zeros((2, 0), dtype=jnp.int32)
    rpi = jax.random.randint(ks[1], (n, n), 0, n_bias, dtype=jnp.int32)
    rpb_table = 0.02 * jax.random.normal(ks[2], (n_bias, NUM_HEADS), dtype=jnp.float32)
    proj_w = jax.random.normal(ks[3], (c, c), dtype=jnp.float32) / np.sqrt(c)
    proj_b = jnp.zeros((c,), dtype=jnp.float32)
    return {"qkvp": qkvp, "pfa_values": pfa_values, "pfa_indices": pfa_indices,
            "rpi": rpi, "shift": 0, "rpb_table": rpb_table,
            "proj_w": proj_w, "proj_b": proj_b}


def reference(qkvp, pfa_values, pfa_indices, rpi, shift, rpb_table, proj_w, proj_b):
    b_, n, c4 = qkvp.shape
    c = c4 // 4
    h = NUM_HEADS
    hd = c // h
    scale = hd ** (-0.5)
    x = qkvp.reshape(b_, n, 4, h, hd).transpose(2, 0, 3, 1, 4)
    q, k, v, v_lepe = x[0], x[1], x[2], x[3]
    q = q * scale
    # dense branch: pfa_indices[shift] is empty
    attn = jnp.einsum('bhnd,bhmd->bhnm', q, k)
    bias = jnp.take(rpb_table, rpi.reshape(-1), axis=0)
    bias = bias.reshape(n, n, h).transpose(2, 0, 1)
    attn = attn + bias[None]
    # shift == 0 -> no shifted-window mask
    attn = jax.nn.softmax(attn, axis=-1)
    # pfa_values[shift] empty -> no progressive reweighting; topk == n -> identity selection
    out = jnp.einsum('bhnm,bhmd->bhnd', attn, v) + v_lepe
    out = out.transpose(0, 2, 1, 3).reshape(b_, n, c)
    out = out @ proj_w.T + proj_b
    return out

if __name__ == "__main__":
    import jax
    _d = setup_inputs()
    print(jax.jit(kernel)(*tuple(_d.values())))

</pallas_src>

<mosaic_0001>
#map = affine_map<(d0, d1) -> (0, 0)>
#map1 = affine_map<(d0, d1) -> (0)>
module attributes {stable_mosaic.version = 14 : i64} {
  func.func @gather_kernel(%arg0: i32, %arg1: i32, %arg2: memref<961x16xf32, #tpu.memory_space<hbm>>, %arg3: memref<65536xi32, #tpu.memory_space<hbm>>, %arg4: memref<65536x16xf32, #tpu.memory_space<hbm>>, %arg5: memref<961x16xf32, #tpu.memory_space<vmem_shared>>, %arg6: memref<2048xi32, #tpu.memory_space<vmem>>, %arg7: memref<2048x16xf32, #tpu.memory_space<vmem>>, %arg8: memref<!tpu.dma_semaphore, #tpu.memory_space<semaphore_mem>>) attributes {dimension_semantics = [#tpu.dimension_semantics<core_parallel>, #tpu.dimension_semantics<subcore_parallel>], iteration_bounds = array<i64: 2, 16>, scalar_prefetch = 0 : i64, scratch_operands = 4 : i64, tpu.core_type = #tpu.core_type<sc_vector_subcore>, window_params = [{transform_indices = #map}, {transform_indices = #map1}, {transform_indices = #map}]} {
    %mul3A = arith.constant 2 : i32
    %mul3A_0 = arith.muli %arg1, %mul3A : i32
    %add3A = arith.addi %mul3A_0, %arg0 : i32
    %mul3A_1 = arith.constant 2048 : i32
    %mul3A_2 = arith.muli %add3A, %mul3A_1 : i32
    %eq3A = arith.constant 0 : i32
    %eq3A_3 = arith.cmpi eq, %arg1, %eq3A : i32
    %convert_element_type3A = arith.extui %eq3A_3 : i1 to i32
    %cond3A = arith.constant 0 : i32
    %cond3A_4 = arith.cmpi ne, %convert_element_type3A, %cond3A : i32
    scf.if %cond3A_4 {
      "tpu.region"() ({
        %run_scoped3A = tpu.sem_alloc : memref<!tpu.dma_semaphore, #tpu.memory_space<semaphore_mem>>
        tpu.enqueue_dma source(%arg2 : memref<961x16xf32, #tpu.memory_space<hbm>>) target(%arg5 : memref<961x16xf32, #tpu.memory_space<vmem_shared>>) target_semaphore(%run_scoped3A : memref<!tpu.dma_semaphore, #tpu.memory_space<semaphore_mem>>)
        tpu.wait_dma2 semaphore(%run_scoped3A : memref<!tpu.dma_semaphore, #tpu.memory_space<semaphore_mem>>) src(%arg2 : memref<961x16xf32, #tpu.memory_space<hbm>>) dst(%arg5 : memref<961x16xf32, #tpu.memory_space<vmem_shared>>)
        tpu.yield
      }) : () -> ()
    } else {
    }
    %barrier3A = arith.constant 0 : index
    tpu.barrier barrier_id(%barrier3A)
    "tpu.region"() ({
      %run_scoped3A = tpu.sem_alloc : memref<!tpu.dma_semaphore, #tpu.memory_space<semaphore_mem>>
      %dma_start3A_9 = tpu.memref_slice %arg3[%mul3A_2] : memref<65536xi32, #tpu.memory_space<hbm>> -> memref<2048xi32, #tpu.memory_space<hbm>>
      %dma_start3A_10 = tpu.memref_slice %arg3[%mul3A_2] : memref<65536xi32, #tpu.memory_space<hbm>> -> memref<2048xi32, #tpu.memory_space<hbm>>
      tpu.enqueue_dma source(%dma_start3A_10 : memref<2048xi32, #tpu.memory_space<hbm>>) target(%arg6 : memref<2048xi32, #tpu.memory_space<vmem>>) target_semaphore(%run_scoped3A : memref<!tpu.dma_semaphore, #tpu.memory_space<semaphore_mem>>)
      %dma_wait3A_11 = tpu.memref_slice %arg3[%mul3A_2] : memref<65536xi32, #tpu.memory_space<hbm>> -> memref<2048xi32, #tpu.memory_space<hbm>>
      %dma_wait3A_12 = tpu.memref_slice %arg3[%mul3A_2] : memref<65536xi32, #tpu.memory_space<hbm>> -> memref<2048xi32, #tpu.memory_space<hbm>>
      tpu.wait_dma2 semaphore(%run_scoped3A : memref<!tpu.dma_semaphore, #tpu.memory_space<semaphore_mem>>) src(%dma_wait3A_12 : memref<2048xi32, #tpu.memory_space<hbm>>) dst(%arg6 : memref<2048xi32, #tpu.memory_space<vmem>>)
      tpu.yield
    }) : () -> ()
    %dma_start3A = arith.constant 0 : i32
    %dma_start3A_5 = arith.constant 0 : i32
    %dma_start3A_6 = tpu.memref_slice %arg5[%dma_start3A, %dma_start3A_5] : memref<961x16xf32, #tpu.memory_space<vmem_shared>> -> memref<961x16xf32, #tpu.memory_space<vmem_shared>>
    tpu.enqueue_indirect_dma source(%dma_start3A_6 : memref<961x16xf32, #tpu.memory_space<vmem_shared>>) target(%arg7 : memref<2048x16xf32, #tpu.memory_space<vmem>>) offsets(%arg6 : memref<2048xi32, #tpu.memory_space<vmem>>) semaphore(%arg8 : memref<!tpu.dma_semaphore, #tpu.memory_space<semaphore_mem>>)
    %dma_wait3A = arith.constant 0 : i32
    %dma_wait3A_7 = arith.constant 0 : i32
    %dma_wait3A_8 = tpu.memref_slice %arg5[%dma_wait3A, %dma_wait3A_7] : memref<961x16xf32, #tpu.memory_space<vmem_shared>> -> memref<961x16xf32, #tpu.memory_space<vmem_shared>>
    tpu.wait_indirect_dma semaphore(%arg8 : memref<!tpu.dma_semaphore, #tpu.memory_space<semaphore_mem>>) src(%dma_wait3A_8 : memref<961x16xf32, #tpu.memory_space<vmem_shared>>) dst(%arg7 : memref<2048x16xf32, #tpu.memory_space<vmem>>)
    "tpu.region"() ({
      %run_scoped3A = tpu.sem_alloc : memref<!tpu.dma_semaphore, #tpu.memory_space<semaphore_mem>>
      %dma_start3A_9 = arith.constant 0 : i32
      %dma_start3A_10 = tpu.memref_slice %arg4[%mul3A_2, %dma_start3A_9] : memref<65536x16xf32, #tpu.memory_space<hbm>> -> memref<2048x16xf32, #tpu.memory_space<hbm>>
      %dma_start3A_11 = arith.constant 0 : i32
      %dma_start3A_12 = tpu.memref_slice %arg4[%mul3A_2, %dma_start3A_11] : memref<65536x16xf32, #tpu.memory_space<hbm>> -> memref<2048x16xf32, #tpu.memory_space<hbm>>
      tpu.enqueue_dma source(%arg7 : memref<2048x16xf32, #tpu.memory_space<vmem>>) target(%dma_start3A_12 : memref<2048x16xf32, #tpu.memory_space<hbm>>) target_semaphore(%run_scoped3A : memref<!tpu.dma_semaphore, #tpu.memory_space<semaphore_mem>>)
      %dma_wait3A_13 = arith.constant 0 : i32
      %dma_wait3A_14 = tpu.memref_slice %arg4[%mul3A_2, %dma_wait3A_13] : memref<65536x16xf32, #tpu.memory_space<hbm>> -> memref<2048x16xf32, #tpu.memory_space<hbm>>
      %dma_wait3A_15 = arith.constant 0 : i32
      %dma_wait3A_16 = tpu.memref_slice %arg4[%mul3A_2, %dma_wait3A_15] : memref<65536x16xf32, #tpu.memory_space<hbm>> -> memref<2048x16xf32, #tpu.memory_space<hbm>>
      tpu.wait_dma2 semaphore(%run_scoped3A : memref<!tpu.dma_semaphore, #tpu.memory_space<semaphore_mem>>) src(%arg7 : memref<2048x16xf32, #tpu.memory_space<vmem>>) dst(%dma_wait3A_16 : memref<2048x16xf32, #tpu.memory_space<hbm>>)
      tpu.yield
    }) : () -> ()
    return
  }
}

module attributes {stable_mosaic.version = 14 : i64} {
  func.func @_attn_kernel(%arg0: i32, %arg1: memref<12x256x768xf32, #tpu.memory_space<vmem>>, %arg2: memref<6x256x256xf32, #tpu.memory_space<vmem>>, %arg3: memref<16x192xbf16, #tpu.memory_space<vmem>>, %arg4: memref<16x192xf32, #tpu.memory_space<vmem>>, %arg5: memref<1536x16xbf16, #tpu.memory_space<vmem>>, %arg6: memref<192x192xf32, #tpu.memory_space<vmem>>, %arg7: memref<1x192xf32, #tpu.memory_space<vmem>>, %arg8: memref<12x256x192xf32, #tpu.memory_space<vmem>>, %arg9: memref<12x1536x192xbf16, #tpu.memory_space<vmem>>) attributes {dimension_semantics = [#tpu.dimension_semantics<arbitrary>], iteration_bounds = array<i64: 48>, scalar_prefetch = 0 : i64, scratch_operands = 1 : i64, tpu.core_type = #tpu.core_type<tc>, window_params = [{transform_indices = @transform_0, window_bounds = array<i64: 12, 256, 768>}, {pipeline_mode = #tpu.pipeline_mode<synchronous>, transform_indices = @transform_1, window_bounds = array<i64: 6, 256, 256>}, {pipeline_mode = #tpu.pipeline_mode<synchronous>, transform_indices = @transform_2, window_bounds = array<i64: 16, 192>}, {pipeline_mode = #tpu.pipeline_mode<synchronous>, transform_indices = @transform_3, window_bounds = array<i64: 16, 192>}, {pipeline_mode = #tpu.pipeline_mode<synchronous>, transform_indices = @transform_4, window_bounds = array<i64: 1536, 16>}, {pipeline_mode = #tpu.pipeline_mode<synchronous>, transform_indices = @transform_5, window_bounds = array<i64: 192, 192>}, {pipeline_mode = #tpu.pipeline_mode<synchronous>, transform_indices = @transform_6, window_bounds = array<i64: 1, 192>}, {transform_indices = @transform_7, window_bounds = array<i64: 12, 256, 192>}]} {
    %get3A = arith.constant 0 : index
    %get3A_0 = arith.constant 0 : index
    %get3A_1 = arith.constant 0 : index
    %get3A_2 = vector.load %arg2[%get3A, %get3A_0, %get3A_1] : memref<6x256x256xf32, #tpu.memory_space<vmem>>, vector<6x256x256xf32>
    %get3A_3 = arith.constant 0 : index
    %get3A_4 = arith.constant 0 : index
    %get3A_5 = vector.load %arg6[%get3A_3, %get3A_4] : memref<192x192xf32, #tpu.memory_space<vmem>>, vector<192x192xf32>
    %get3A_6 = arith.constant 0 : index
    %get3A_7 = arith.constant 0 : index
    %get3A_8 = vector.load %arg7[%get3A_6, %get3A_7] : memref<1x192xf32, #tpu.memory_space<vmem>>, vector<1x192xf32>
    %get3A_9 = arith.constant 0 : index
    %get3A_10 = arith.constant 0 : index
    %get3A_11 = vector.load %arg4[%get3A_9, %get3A_10] : memref<16x192xf32, #tpu.memory_space<vmem>>, vector<16x192xf32>
    %get3A_12 = arith.constant 0 : index
    %get3A_13 = arith.constant 0 : index
    %get3A_14 = vector.load %arg5[%get3A_12, %get3A_13] : memref<1536x16xbf16, #tpu.memory_space<vmem>>, vector<1536x16xbf16>
    %get3A_15 = arith.constant 0 : index
    %get3A_16 = arith.constant 0 : index
    %get3A_17 = arith.constant 0 : index
    %get3A_18 = vector.load %arg1[%get3A_15, %get3A_16, %get3A_17] : memref<12x256x768xf32, #tpu.memory_space<vmem>>, vector<1x256x768xf32>
    %get3A_19 = vector.shape_cast %get3A_18 : vector<1x256x768xf32> to vector<256x768xf32>
    %slice3A = vector.extract_strided_slice %get3A_19 {offsets = [0, 0], sizes = [256, 192], strides = [1, 1]} : vector<256x768xf32> to vector<256x192xf32>
    %mul3A = arith.constant 0.176776692 : f32
    %mul3A_20 = vector.broadcast %mul3A : f32 to vector<256x192xf32>
    %mul3A_21 = arith.mulf %slice3A, %mul3A_20 : vector<256x192xf32>
    %convert_element_type3A = arith.truncf %mul3A_21 : vector<256x192xf32> to vector<256x192xbf16>
    %slice3A_22 = vector.extract_strided_slice %get3A_19 {offsets = [0, 192], sizes = [256, 192], strides = [1, 1]} : vector<256x768xf32> to vector<256x192xf32>
    %convert_element_type3A_23 = arith.truncf %slice3A_22 : vector<256x192xf32> to vector<256x192xbf16>
    %slice3A_24 = vector.extract_strided_slice %get3A_19 {offsets = [0, 384], sizes = [256, 192], strides = [1, 1]} : vector<256x768xf32> to vector<256x192xf32>
    %convert_element_type3A_25 = arith.truncf %slice3A_24 : vector<256x192xf32> to vector<256x192xbf16>
    %slice3A_26 = vector.extract_strided_slice %get3A_19 {offsets = [0, 576], sizes = [256, 192], strides = [1, 1]} : vector<256x768xf32> to vector<256x192xf32>
    %get3A_27 = arith.constant 0 : index
    %get3A_28 = arith.constant 0 : index
    %get3A_29 = vector.load %arg3[%get3A_27, %get3A_28] : memref<16x192xbf16, #tpu.memory_space<vmem>>, vector<1x192xbf16>
    %mul3A_30 = vector.broadcast %get3A_29 : vector<1x192xbf16> to vector<256x192xbf16>
    %mul3A_31 = arith.mulf %convert_element_type3A_23, %mul3A_30 : vector<256x192xbf16>
    %dot_general3A = arith.constant dense<0.000000e+00> : vector<256x256xf32>
    %dot_general3A_32 = tpu.matmul %convert_element_type3A, %mul3A_31, %dot_general3A {dimension_numbers = #tpu.dot_dimension_numbers<[1], [1], [0], [0], [0, 0, 1, 0], [], []>, transpose_lhs_hint = false} : vector<256x192xbf16>, vector<256x192xbf16>, vector<256x256xf32> -> vector<256x256xf32>
    %slice3A_33 = vector.extract_strided_slice %get3A_2 {offsets = [0, 0, 0], sizes = [1, 256, 256], strides = [1, 1, 1]} : vector<6x256x256xf32> to vector<1x256x256xf32>
    %squeeze3A = vector.shape_cast %slice3A_33 : vector<1x256x256xf32> to vector<256x256xf32>
    %add3A = arith.addf %dot_general3A_32, %squeeze3A : vector<256x256xf32>
    %exp3A = math.exp %add3A : vector<256x256xf32>
    %convert_element_type3A_34 = arith.truncf %exp3A : vector<256x256xf32> to vector<256x256xbf16>
    %mul3A_35 = vector.broadcast %get3A_29 : vector<1x192xbf16> to vector<256x192xbf16>
    %mul3A_36 = arith.mulf %convert_element_type3A_25, %mul3A_35 : vector<256x192xbf16>
    %swap3A = arith.constant 0 : index
    %swap3A_37 = arith.constant 0 : index
    %swap3A_38 = arith.constant 0 : index
    %swap3A_39 = vector.load %arg9[%swap3A, %swap3A_37, %swap3A_38] : memref<12x1536x192xbf16, #tpu.memory_space<vmem>>, vector<1x256x192xbf16>
    %swap3A_40 = vector.shape_cast %swap3A_39 : vector<1x256x192xbf16> to vector<256x192xbf16>
    %swap3A_41 = vector.shape_cast %mul3A_36 : vector<256x192xbf16> to vector<1x256x192xbf16>
    tpu.vector_store %arg9[%swap3A, %swap3A_37, %swap3A_38], %swap3A_41 {strides = array<i32>} : memref<12x1536x192xbf16, #tpu.memory_space<vmem>>, vector<1x256x192xbf16>,
    %get3A_42 = arith.constant 1 : index
    %get3A_43 = arith.constant 0 : index
    %get3A_44 = vector.load %arg3[%get3A_42, %get3A_43] : memref<16x192xbf16, #tpu.memory_space<vmem>>, vector<1x192xbf16>
    %mul3A_45 = vector.broadcast %get3A_44 : vector<1x192xbf16> to vector<256x192xbf16>
    %mul3A_46 = arith.mulf %convert_element_type3A_23, %mul3A_45 : vector<256x192xbf16>
    %dot_general3A_47 = arith.constant dense<0.000000e+00> : vector<256x256xf32>
    %dot_general3A_48 = tpu.matmul %convert_element_type3A, %mul3A_46, %dot_general3A_47 {dimension_numbers = #tpu.dot_dimension_numbers<[1], [1], [0], [0], [0, 0, 1, 0], [], []>, transpose_lhs_hint = false} : vector<256x192xbf16>, vector<256x192xbf16>, vector<256x256xf32> -> vector<256x256xf32>
    %slice3A_49 = vector.extract_strided_slice %get3A_2 {offsets = [1, 0, 0], sizes = [1, 256, 256], strides = [1, 1, 1]} : vector<6x256x256xf32> to vector<1x256x256xf32>
    %squeeze3A_50 = vector.shape_cast %slice3A_49 : vector<1x256x256xf32> to vector<256x256xf32>
    %add3A_51 = arith.addf %dot_general3A_48, %squeeze3A_50 : vector<256x256xf32>
    %exp3A_52 = math.exp %add3A_51 : vector<256x256xf32>
    %convert_element_type3A_53 = arith.truncf %exp3A_52 : vector<256x256xf32> to vector<256x256xbf16>
    %mul3A_54 = vector.broadcast %get3A_44 : vector<1x192xbf16> to vector<256x192xbf16>
    %mul3A_55 = arith.mulf %convert_element_type3A_25, %mul3A_54 : vector<256x192xbf16>
    %swap3A_56 = arith.constant 0 : index
    %swap3A_57 = arith.constant 256 : index
    %swap3A_58 = arith.constant 0 : index
    %swap3A_59 = vector.load %arg9[%swap3A_56, %swap3A_57, %swap3A_58] : memref<12x1536x192xbf16, #tpu.memory_space<vmem>>, vector<1x256x192xbf16>
    %swap3A_60 = vector.shape_cast %swap3A_59 : vector<1x256x192xbf16> to vector<256x192xbf16>
    %swap3A_61 = vector.shape_cast %mul3A_55 : vector<256x192xbf16> to vector<1x256x192xbf16>
    tpu.vector_store %arg9[%swap3A_56, %swap3A_57, %swap3A_58], %swap3A_61 {strides = array<i32>} : memref<12x1536x192xbf16, #tpu.memory_space<vmem>>, vector<1x256x192xbf16>,
    %get3A_62 = arith.constant 2 : index
    %get3A_63 = arith.constant 0 : index
    %get3A_64 = vector.load %arg3[%get3A_62, %get3A_63] : memref<16x192xbf16, #tpu.memory_space<vmem>>, vector<1x192xbf16>
    %mul3A_65 = vector.broadcast %get3A_64 : vector<1x192xbf16> to vector<256x192xbf16>
    %mul3A_66 = arith.mulf %convert_element_type3A_23, %mul3A_65 : vector<256x192xbf16>
    %dot_general3A_67 = arith.constant dense<0.000000e+00> : vector<256x256xf32>
    %dot_general3A_68 = tpu.matmul %convert_element_type3A, %mul3A_66, %dot_general3A_67 {dimension_numbers = #tpu.dot_dimension_numbers<[1], [1], [0], [0], [0, 0, 1, 0], [], []>, transpose_lhs_hint = false} : vector<256x192xbf16>, vector<256x192xbf16>, vector<256x256xf32> -> vector<256x256xf32>
    %slice3A_69 = vector.extract_strided_slice %get3A_2 {offsets = [2, 0, 0], sizes = [1, 256, 256], strides = [1, 1, 1]} : vector<6x256x256xf32> to vector<1x256x256xf32>
    %squeeze3A_70 = vector.shape_cast %slice3A_69 : vector<1x256x256xf32> to vector<256x256xf32>
    %add3A_71 = arith.addf %dot_general3A_68, %squeeze3A_70 : vector<256x256xf32>
    %exp3A_72 = math.exp %add3A_71 : vector<256x256xf32>
    %convert_element_type3A_73 = arith.truncf %exp3A_72 : vector<256x256xf32> to vector<256x256xbf16>
    %mul3A_74 = vector.broadcast %get3A_64 : vector<1x192xbf16> to vector<256x192xbf16>
    %mul3A_75 = arith.mulf %convert_element_type3A_25, %mul3A_74 : vector<256x192xbf16>
    %swap3A_76 = arith.constant 0 : index
    %swap3A_77 = arith.constant 512 : index
    %swap3A_78 = arith.constant 0 : index
    %swap3A_79 = vector.load %arg9[%swap3A_76, %swap3A_77, %swap3A_78] : memref<12x1536x192xbf16, #tpu.memory_space<vmem>>, vector<1x256x192xbf16>
    %swap3A_80 = vector.shape_cast %swap3A_79 : vector<1x256x192xbf16> to vector<256x192xbf16>
    %swap3A_81 = vector.shape_cast %mul3A_75 : vector<256x192xbf16> to vector<1x256x192xbf16>
    tpu.vector_store %arg9[%swap3A_76, %swap3A_77, %swap3A_78], %swap3A_81 {strides = array<i32>} : memref<12x1536x192xbf16, #tpu.memory_space<vmem>>, vector<1x256x192xbf16>,
    %get3A_82 = arith.constant 3 : index
    %get3A_83 = arith.constant 0 : index
    %get3A_84 = vector.load %arg3[%get3A_82, %get3A_83] : memref<16x192xbf16, #tpu.memory_space<vmem>>, vector<1x192xbf16>
    %mul3A_85 = vector.broadcast %get3A_84 : vector<1x192xbf16> to vector<256x192xbf16>
    %mul3A_86 = arith.mulf %convert_element_type3A_23, %mul3A_85 : vector<256x192xbf16>
    %dot_general3A_87 = arith.constant dense<0.000000e+00> : vector<256x256xf32>
    %dot_general3A_88 = tpu.matmul %convert_element_type3A, %mul3A_86, %dot_general3A_87 {dimension_numbers = #tpu.dot_dimension_numbers<[1], [1], [0], [0], [0, 0, 1, 0], [], []>, transpose_lhs_hint = false} : vector<256x192xbf16>, vector<256x192xbf16>, vector<256x256xf32> -> vector<256x256xf32>
    %slice3A_89 = vector.extract_strided_slice %get3A_2 {offsets = [3, 0, 0], sizes = [1, 256, 256], strides = [1, 1, 1]} : vector<6x256x256xf32> to vector<1x256x256xf32>
    %squeeze3A_90 = vector.shape_cast %slice3A_89 : vector<1x256x256xf32> to vector<256x256xf32>
    %add3A_91 = arith.addf %dot_general3A_88, %squeeze3A_90 : vector<256x256xf32>
    %exp3A_92 = math.exp %add3A_91 : vector<256x256xf32>
    %convert_element_type3A_93 = arith.truncf %exp3A_92 : vector<256x256xf32> to vector<256x256xbf16>
    %mul3A_94 = vector.broadcast %get3A_84 : vector<1x192xbf16> to vector<256x192xbf16>
    %mul3A_95 = arith.mulf %convert_element_type3A_25, %mul3A_94 : vector<256x192xbf16>
    %swap3A_96 = arith.constant 0 : index
    %swap3A_97 = arith.constant 768 : index
    %swap3A_98 = arith.constant 0 : index
    %swap3A_99 = vector.load %arg9[%swap3A_96, %swap3A_97, %swap3A_98] : memref<12x1536x192xbf16, #tpu.memory_space<vmem>>, vector<1x256x192xbf16>
    %swap3A_100 = vector.shape_cast %swap3A_99 : vector<1x256x192xbf16> to vector<256x192xbf16>
    %swap3A_101 = vector.shape_cast %mul3A_95 : vector<256x192xbf16> to vector<1x256x192xbf16>
    tpu.vector_store %arg9[%swap3A_96, %swap3A_97, %swap3A_98], %swap3A_101 {strides = array<i32>} : memref<12x1536x192xbf16, #tpu.memory_space<vmem>>, vector<1x256x192xbf16>,
    %get3A_102 = arith.constant 4 : index
    %get3A_103 = arith.constant 0 : index
    %get3A_104 = vector.load %arg3[%get3A_102, %get3A_103] : memref<16x192xbf16, #tpu.memory_space<vmem>>, vector<1x192xbf16>
    %mul3A_105 = vector.broadcast %get3A_104 : vector<1x192xbf16> to vector<256x192xbf16>
    %mul3A_106 = arith.mulf %convert_element_type3A_23, %mul3A_105 : vector<256x192xbf16>
    %dot_general3A_107 = arith.constant dense<0.000000e+00> : vector<256x256xf32>
    %dot_general3A_108 = tpu.matmul %convert_element_type3A, %mul3A_106, %dot_general3A_107 {dimension_numbers = #tpu.dot_dimension_numbers<[1], [1], [0], [0], [0, 0, 1, 0], [], []>, transpose_lhs_hint = false} : vector<256x192xbf16>, vector<256x192xbf16>, vector<256x256xf32> -> vector<256x256xf32>
    %slice3A_109 = vector.extract_strided_slice %get3A_2 {offsets = [4, 0, 0], sizes = [1, 256, 256], strides = [1, 1, 1]} : vector<6x256x256xf32> to vector<1x256x256xf32>
    %squeeze3A_110 = vector.shape_cast %slice3A_109 : vector<1x256x256xf32> to vector<256x256xf32>
    %add3A_111 = arith.addf %dot_general3A_108, %squeeze3A_110 : vector<256x256xf32>
    %exp3A_112 = math.exp %add3A_111 : vector<256x256xf32>
    %convert_element_type3A_113 = arith.truncf %exp3A_112 : vector<256x256xf32> to vector<256x256xbf16>
    %mul3A_114 = vector.broadcast %get3A_104 : vector<1x192xbf16> to vector<256x192xbf16>
    %mul3A_115 = arith.mulf %convert_element_type3A_25, %mul3A_114 : vector<256x192xbf16>
    %swap3A_116 = arith.constant 0 : index
    %swap3A_117 = arith.constant 1024 : index
    %swap3A_118 = arith.constant 0 : index
    %swap3A_119 = vector.load %arg9[%swap3A_116, %swap3A_117, %swap3A_118] : memref<12x1536x192xbf16, #tpu.memory_space<vmem>>, vector<1x256x192xbf16>
    %swap3A_120 = vector.shape_cast %swap3A_119 : vector<1x256x192xbf16> to vector<256x192xbf16>
    %swap3A_121 = vector.shape_cast %mul3A_115 : vector<256x192xbf16> to vector<1x256x192xbf16>
    tpu.vector_store %arg9[%swap3A_116, %swap3A_117, %swap3A_118], %swap3A_121 {strides = array<i32>} : memref<12x1536x192xbf16, #tpu.memory_space<vmem>>, vector<1x256x192xbf16>,
    %get3A_122 = arith.constant 5 : index
    %get3A_123 = arith.constant 0 : index
    %get3A_124 = vector.load %arg3[%get3A_122, %get3A_123] : memref<16x192xbf16, #tpu.memory_space<vmem>>, vector<1x192xbf16>
    %mul3A_125 = vector.broadcast %get3A_124 : vector<1x192xbf16> to vector<256x192xbf16>
    %mul3A_126 = arith.mulf %convert_element_type3A_23, %mul3A_125 : vector<256x192xbf16>
    %dot_general3A_127 = arith.constant dense<0.000000e+00> : vector<256x256xf32>
    %dot_general3A_128 = tpu.matmul %convert_element_type3A, %mul3A_126, %dot_general3A_127 {dimension_numbers = #tpu.dot_dimension_numbers<[1], [1], [0], [0], [0, 0, 1, 0], [], []>, transpose_lhs_hint = false} : vector<256x192xbf16>, vector<256x192xbf16>, vector<256x256xf32> -> vector<256x256xf32>
    %slice3A_129 = vector.extract_strided_slice %get3A_2 {offsets = [5, 0, 0], sizes = [1, 256, 256], strides = [1, 1, 1]} : vector<6x256x256xf32> to vector<1x256x256xf32>
    %squeeze3A_130 = vector.shape_cast %slice3A_129 : vector<1x256x256xf32> to vector<256x256xf32>
    %add3A_131 = arith.addf %dot_general3A_128, %squeeze3A_130 : vector<256x256xf32>
    %exp3A_132 = math.exp %add3A_131 : vector<256x256xf32>
    %convert_element_type3A_133 = arith.truncf %exp3A_132 : vector<256x256xf32> to vector<256x256xbf16>
    %mul3A_134 = vector.broadcast %get3A_124 : vector<1x192xbf16> to vector<256x192xbf16>
    %mul3A_135 = arith.mulf %convert_element_type3A_25, %mul3A_134 : vector<256x192xbf16>
    %swap3A_136 = arith.constant 0 : index
    %swap3A_137 = arith.constant 1280 : index
    %swap3A_138 = arith.constant 0 : index
    %swap3A_139 = vector.load %arg9[%swap3A_136, %swap3A_137, %swap3A_138] : memref<12x1536x192xbf16, #tpu.memory_space<vmem>>, vector<1x256x192xbf16>
    %swap3A_140 = vector.shape_cast %swap3A_139 : vector<1x256x192xbf16> to vector<256x192xbf16>
    %swap3A_141 = vector.shape_cast %mul3A_135 : vector<256x192xbf16> to vector<1x256x192xbf16>
    tpu.vector_store %arg9[%swap3A_136, %swap3A_137, %swap3A_138], %swap3A_141 {strides = array<i32>} : memref<12x1536x192xbf16, #tpu.memory_space<vmem>>, vector<1x256x192xbf16>,
    %concatenate3A = tpu.concatenate %convert_element_type3A_34, %convert_element_type3A_53, %convert_element_type3A_73, %convert_element_type3A_93, %convert_element_type3A_113, %convert_element_type3A_133 in 1 : vector<256x256xbf16>, vector<256x256xbf16>, vector<256x256xbf16>, vector<256x256xbf16>, vector<256x256xbf16>, vector<256x256xbf16> -> vector<256x1536xbf16>
    %get3A_142 = arith.constant 0 : index
    %get3A_143 = arith.constant 0 : index
    %get3A_144 = arith.constant 0 : index
    %get3A_145 = vector.load %arg9[%get3A_142, %get3A_143, %get3A_144] : memref<12x1536x192xbf16, #tpu.memory_space<vmem>>, vector<1x1536x192xbf16>
    %get3A_146 = vector.shape_cast %get3A_145 : vector<1x1536x192xbf16> to vector<1536x192xbf16>
    %dot_general3A_147 = arith.constant dense<0.000000e+00> : vector<256x192xf32>
    %dot_general3A_148 = tpu.matmul %concatenate3A, %get3A_146, %dot_general3A_147 {dimension_numbers = #tpu.dot_dimension_numbers<[1], [0], [0], [1], [0, 0, 1, 1], [], []>, transpose_lhs_hint = false} : vector<256x1536xbf16>, vector<1536x192xbf16>, vector<256x192xf32> -> vector<256x192xf32>
    %dot_general3A_149 = arith.constant dense<0.000000e+00> : vector<256x16xf32>
    %dot_general3A_150 = tpu.matmul %concatenate3A, %get3A_14, %dot_general3A_149 {dimension_numbers = #tpu.dot_dimension_numbers<[1], [0], [0], [1], [0, 0, 1, 1], [], []>, transpose_lhs_hint = false} : vector<256x1536xbf16>, vector<1536x16xbf16>, vector<256x16xf32> -> vector<256x16xf32>
    %div3A = arith.constant 1.000000e+00 : f32
    %div3A_151 = vector.broadcast %div3A : f32 to vector<256x16xf32>
    %div3A_152 = arith.divf %div3A_151, %dot_general3A_150 : vector<256x16xf32>
    %dot_general3A_153 = arith.constant dense<0.000000e+00> : vector<256x192xf32>
    %dot_general3A_154 = tpu.matmul %div3A_152, %get3A_11, %dot_general3A_153 {dimension_numbers = #tpu.dot_dimension_numbers<[1], [0], [0], [1], [0, 0, 1, 1], [], []>, transpose_lhs_hint = false} : vector<256x16xf32>, vector<16x192xf32>, vector<256x192xf32> -> vector<256x192xf32>
    %mul3A_155 = arith.mulf %dot_general3A_148, %dot_general3A_154 : vector<256x192xf32>
    %add3A_156 = arith.addf %slice3A_26, %mul3A_155 : vector<256x192xf32>
    %dot_general3A_157 = arith.constant dense<0.000000e+00> : vector<256x192xf32>
    %dot_general3A_158 = tpu.matmul %add3A_156, %get3A_5, %dot_general3A_157 {dimension_numbers = #tpu.dot_dimension_numbers<[1], [1], [0], [0], [0, 0, 1, 0], [], []>, transpose_lhs_hint = false} : vector<256x192xf32>, vector<192x192xf32>, vector<256x192xf32> -> vector<256x192xf32>
    %add3A_159 = vector.broadcast %get3A_8 : vector<1x192xf32> to vector<256x192xf32>
    %add3A_160 = arith.addf %dot_general3A_158, %add3A_159 : vector<256x192xf32>
    %swap3A_161 = arith.constant 0 : index
    %swap3A_162 = arith.constant 0 : index
    %swap3A_163 = arith.constant 0 : index
    %swap3A_164 = vector.load %arg8[%swap3A_161, %swap3A_162, %swap3A_163] : memref<12x256x192xf32, #tpu.memory_space<vmem>>, vector<1x256x192xf32>
    %swap3A_165 = vector.shape_cast %swap3A_164 : vector<1x256x192xf32> to vector<256x192xf32>
    %swap3A_166 = vector.shape_cast %add3A_160 : vector<256x192xf32> to vector<1x256x192xf32>
    tpu.vector_store %arg8[%swap3A_161, %swap3A_162, %swap3A_163], %swap3A_166 {strides = array<i32>} : memref<12x256x192xf32, #tpu.memory_space<vmem>>, vector<1x256x192xf32>,
    %get3A_167 = arith.constant 1 : index
    %get3A_168 = arith.constant 0 : index
    %get3A_169 = arith.constant 0 : index
    %get3A_170 = vector.load %arg1[%get3A_167, %get3A_168, %get3A_169] : memref<12x256x768xf32, #tpu.memory_space<vmem>>, vector<1x256x768xf32>
    %get3A_171 = vector.shape_cast %get3A_170 : vector<1x256x768xf32> to vector<256x768xf32>
    %slice3A_172 = vector.extract_strided_slice %get3A_171 {offsets = [0, 0], sizes = [256, 192], strides = [1, 1]} : vector<256x768xf32> to vector<256x192xf32>
    %mul3A_173 = arith.constant 0.176776692 : f32
    %mul3A_174 = vector.broadcast %mul3A_173 : f32 to vector<256x192xf32>
    %mul3A_175 = arith.mulf %slice3A_172, %mul3A_174 : vector<256x192xf32>
    %convert_element_type3A_176 = arith.truncf %mul3A_175 : vector<256x192xf32> to vector<256x192xbf16>
    %slice3A_177 = vector.extract_strided_slice %get3A_171 {offsets = [0, 192], sizes = [256, 192], strides = [1, 1]} : vector<256x768xf32> to vector<256x192xf32>
    %convert_element_type3A_178 = arith.truncf %slice3A_177 : vector<256x192xf32> to vector<256x192xbf16>
    %slice3A_179 = vector.extract_strided_slice %get3A_171 {offsets = [0, 384], sizes = [256, 192], strides = [1, 1]} : vector<256x768xf32> to vector<256x192xf32>
    %convert_element_type3A_180 = arith.truncf %slice3A_179 : vector<256x192xf32> to vector<256x192xbf16>
    %slice3A_181 = vector.extract_strided_slice %get3A_171 {offsets = [0, 576], sizes = [256, 192], strides = [1, 1]} : vector<256x768xf32> to vector<256x192xf32>
    %get3A_182 = arith.constant 0 : index
    %get3A_183 = arith.constant 0 : index
    %get3A_184 = vector.load %arg3[%get3A_182, %get3A_183] : memref<16x192xbf16, #tpu.memory_space<vmem>>, vector<1x192xbf16>
    %mul3A_185 = vector.broadcast %get3A_184 : vector<1x192xbf16> to vector<256x192xbf16>
    %mul3A_186 = arith.mulf %convert_element_type3A_178, %mul3A_185 : vector<256x192xbf16>
    %dot_general3A_187 = arith.constant dense<0.000000e+00> : vector<256x256xf32>
    %dot_general3A_188 = tpu.matmul %convert_element_type3A_176, %mul3A_186, %dot_general3A_187 {dimension_numbers = #tpu.dot_dimension_numbers<[1], [1], [0], [0], [0, 0, 1, 0], [], []>, transpose_lhs_hint = false} : vector<256x192xbf16>, vector<256x192xbf16>, vector<256x256xf32> -> vector<256x256xf32>
    %slice3A_189 = vector.extract_strided_slice %get3A_2 {offsets = [0, 0, 0], sizes = [1, 256, 256], strides = [1, 1, 1]} : vector<6x256x256xf32> to vector<1x256x256xf32>
    %squeeze3A_190 = vector.shape_cast %slice3A_189 : vector<1x256x256xf32> to vector<256x256xf32>
    %add3A_191 = arith.addf %dot_general3A_188, %squeeze3A_190 : vector<256x256xf32>
    %exp3A_192 = math.exp %add3A_191 : vector<256x256xf32>
    %convert_element_type3A_193 = arith.truncf %exp3A_192 : vector<256x256xf32> to vector<256x256xbf16>
    %mul3A_194 = vector.broadcast %get3A_184 : vector<1x192xbf16> to vector<256x192xbf16>
    %mul3A_195 = arith.mulf %convert_element_type3A_180, %mul3A_194 : vector<256x192xbf16>
    %swap3A_196 = arith.constant 1 : index
    %swap3A_197 = arith.constant 0 : index
    %swap3A_198 = arith.constant 0 : index
    %swap3A_199 = vector.load %arg9[%swap3A_196, %swap3A_197, %swap3A_198] : memref<12x1536x192xbf16, #tpu.memory_space<vmem>>, vector<1x256x192xbf16>
    %swap3A_200 = vector.shape_cast %swap3A_199 : vector<1x256x192xbf16> to vector<256x192xbf16>
    %swap3A_201 = vector.shape_cast %mul3A_195 : vector<256x192xbf16> to vector<1x256x192xbf16>
    tpu.vector_store %arg9[%swap3A_196, %swap3A_197, %swap3A_198], %swap3A_201 {strides = array<i32>} : memref<12x1536x192xbf16, #tpu.memory_space<vmem>>, vector<1x256x192xbf16>,
    %get3A_202 = arith.constant 1 : index
    %get3A_203 = arith.constant 0 : index
    %get3A_204 = vector.load %arg3[%get3A_202, %get3A_203] : memref<16x192xbf16, #tpu.memory_space<vmem>>, vector<1x192xbf16>
    %mul3A_205 = vector.broadcast %get3A_204 : vector<1x192xbf16> to vector<256x192xbf16>
    %mul3A_206 = arith.mulf %convert_element_type3A_178, %mul3A_205 : vector<256x192xbf16>
    %dot_general3A_207 = arith.constant dense<0.000000e+00> : vector<256x256xf32>
    %dot_general3A_208 = tpu.matmul %convert_element_type3A_176, %mul3A_206, %dot_general3A_207 {dimension_numbers = #tpu.dot_dimension_numbers<[1], [1], [0], [0], [0, 0, 1, 0], [], []>, transpose_lhs_hint = false} : vector<256x192xbf16>, vector<256x192xbf16>, vector<256x256xf32> -> vector<256x256xf32>
    %slice3A_209 = vector.extract_strided_slice %get3A_2 {offsets = [1, 0, 0], sizes = [1, 256, 256], strides = [1, 1, 1]} : vector<6x256x256xf32> to vector<1x256x256xf32>
    %squeeze3A_210 = vector.shape_cast %slice3A_209 : vector<1x256x256xf32> to vector<256x256xf32>
    %add3A_211 = arith.addf %dot_general3A_208, %squeeze3A_210 : vector<256x256xf32>
    %exp3A_212 = math.exp %add3A_211 : vector<256x256xf32>
    %convert_element_type3A_213 = arith.truncf %exp3A_212 : vector<256x256xf32> to vector<256x256xbf16>
    %mul3A_214 = vector.broadcast %get3A_204 : vector<1x192xbf16> to vector<256x192xbf16>
    %mul3A_215 = arith.mulf %convert_element_type3A_180, %mul3A_214 : vector<256x192xbf16>
    %swap3A_216 = arith.constant 1 : index
    %swap3A_217 = arith.constant 256 : index
    %swap3A_218 = arith.constant 0 : index
    %swap3A_219 = vector.load %arg9[%swap3A_216, %swap3A_217, %swap3A_218] : memref<12x1536x192xbf16, #tpu.memory_space<vmem>>, vector<1x256x192xbf16>
    %swap3A_220 = vector.shape_cast %swap3A_219 : vector<1x256x192xbf16> to vector<256x192xbf16>
    %swap3A_221 = vector.shape_cast %mul3A_215 : vector<256x192xbf16> to vector<1x256x192xbf16>
    tpu.vector_store %arg9[%swap3A_216, %swap3A_217, %swap3A_218], %swap3A_221 {strides = array<i32>} : memref<12x1536x192xbf16, #tpu.memory_space<vmem>>, vector<1x256x192xbf16>,
    %get3A_222 = arith.constant 2 : index
    %get3A_223 = arith.constant 0 : index
    %get3A_224 = vector.load %arg3[%get3A_222, %get3A_223] : memref<16x192xbf16, #tpu.memory_space<vmem>>, vector<1x192xbf16>
    %mul3A_225 = vector.broadcast %get3A_224 : vector<1x192xbf16> to vector<256x192xbf16>
    %mul3A_226 = arith.mulf %convert_element_type3A_178, %mul3A_225 : vector<256x192xbf16>
    %dot_general3A_227 = arith.constant dense<0.000000e+00> : vector<256x256xf32>
    %dot_general3A_228 = tpu.matmul %convert_element_type3A_176, %mul3A_226, %dot_general3A_227 {dimension_numbers = #tpu.dot_dimension_numbers<[1], [1], [0], [0], [0, 0, 1, 0], [], []>, transpose_lhs_hint = false} : vector<256x192xbf16>, vector<256x192xbf16>, vector<256x256xf32> -> vector<256x256xf32>
    %slice3A_229 = vector.extract_strided_slice %get3A_2 {offsets = [2, 0, 0], sizes = [1, 256, 256], strides = [1, 1, 1]} : vector<6x256x256xf32> to vector<1x256x256xf32>
    %squeeze3A_230 = vector.shape_cast %slice3A_229 : vector<1x256x256xf32> to vector<256x256xf32>
    %add3A_231 = arith.addf %dot_general3A_228, %squeeze3A_230 : vector<256x256xf32>
    %exp3A_232 = math.exp %add3A_231 : vector<256x256xf32>
    %convert_element_type3A_233 = arith.truncf %exp3A_232 : vector<256x256xf32> to vector<256x256xbf16>
    %mul3A_234 = vector.broadcast %get3A_224 : vector<1x192xbf16> to vector<256x192xbf16>
    %mul3A_235 = arith.mulf %convert_element_type3A_180, %mul3A_234 : vector<256x192xbf16>
    %swap3A_236 = arith.constant 1 : index
    %swap3A_237 = arith.constant 512 : index
    %swap3A_238 = arith.constant 0 : index
    %swap3A_239 = vector.load %arg9[%swap3A_236, %swap3A_237, %swap3A_238] : memref<12x1536x192xbf16, #tpu.memory_space<vmem>>, vector<1x256x192xbf16>
    %swap3A_240 = vector.shape_cast %swap3A_239 : vector<1x256x192xbf16> to vector<256x192xbf16>
    %swap3A_241 = vector.shape_cast %mul3A_235 : vector<256x192xbf16> to vector<1x256x192xbf16>
    tpu.vector_store %arg9[%swap3A_236, %swap3A_237, %swap3A_238], %swap3A_241 {strides = array<i32>} : memref<12x1536x192xbf16, #tpu.memory_space<vmem>>, vector<1x256x192xbf16>,
    %get3A_242 = arith.constant 3 : index
    %get3A_243 = arith.constant 0 : index
    %get3A_244 = vector.load %arg3[%get3A_242, %get3A_243] : memref<16x192xbf16, #tpu.memory_space<vmem>>, vector<1x192xbf16>
    %mul3A_245 = vector.broadcast %get3A_244 : vector<1x192xbf16> to vector<256x192xbf16>
    %mul3A_246 = arith.mulf %convert_element_type3A_178, %mul3A_245 : vector<256x192xbf16>
    %dot_general3A_247 = arith.constant dense<0.000000e+00> : vector<256x256xf32>
    %dot_general3A_248 = tpu.matmul %convert_element_type3A_176, %mul3A_246, %dot_general3A_247 {dimension_numbers = #tpu.dot_dimension_numbers<[1], [1], [0], [0], [0, 0, 1, 0], [], []>, transpose_lhs_hint = false} : vector<256x192xbf16>, vector<256x192xbf16>, vector<256x256xf32> -> vector<256x256xf32>
    %slice3A_249 = vector.extract_strided_slice %get3A_2 {offsets = [3, 0, 0], sizes = [1, 256, 256], strides = [1, 1, 1]} : vector<6x256x256xf32> to vector<1x256x256xf32>
    %squeeze3A_250 = vector.shape_cast %slice3A_249 : vector<1x256x256xf32> to vector<256x256xf32>
    %add3A_251 = arith.addf %dot_general3A_248, %squeeze3A_250 : vector<256x256xf32>
    %exp3A_252 = math.exp %add3A_251 : vector<256x256xf32>
    %convert_element_type3A_253 = arith.truncf %exp3A_252 : vector<256x256xf32> to vector<256x256xbf16>
    %mul3A_254 = vector.broadcast %get3A_244 : vector<1x192xbf16> to vector<256x192xbf16>
    %mul3A_255 = arith.mulf %convert_element_type3A_180, %mul3A_254 : vector<256x192xbf16>
    %swap3A_256 = arith.constant 1 : index
    %swap3A_257 = arith.constant 768 : index
    %swap3A_258 = arith.constant 0 : index
    %swap3A_259 = vector.load %arg9[%swap3A_256, %swap3A_257, %swap3A_258] : memref<12x1536x192xbf16, #tpu.memory_space<vmem>>, vector<1x256x192xbf16>
    %swap3A_260 = vector.shape_cast %swap3A_259 : vector<1x256x192xbf16> to vector<256x192xbf16>
    %swap3A_261 = vector.shape_cast %mul3A_255 : vector<256x192xbf16> to vector<1x256x192xbf16>
    tpu.vector_store %arg9[%swap3A_256, %swap3A_257, %swap3A_258], %swap3A_261 {strides = array<i32>} : memref<12x1536x192xbf16, #tpu.memory_space<vmem>>, vector<1x256x192xbf16>,
    %get3A_262 = arith.constant 4 : index
    %get3A_263 = arith.constant 0 : index
    %get3A_264 = vector.load %arg3[%get3A_262, %get3A_263] : memref<16x192xbf16, #tpu.memory_space<vmem>>, vector<1x192xbf16>
    %mul3A_265 = vector.broadcast %get3A_264 : vector<1x192xbf16> to vector<256x192xbf16>
    %mul3A_266 = arith.mulf %convert_element_type3A_178, %mul3A_265 : vector<256x192xbf16>
    %dot_general3A_267 = arith.constant dense<0.000000e+00> : vector<256x256xf32>
    %dot_general3A_268 = tpu.matmul %convert_element_type3A_176, %mul3A_266, %dot_general3A_267 {dimension_numbers = #tpu.dot_dimension_numbers<[1], [1], [0], [0], [0, 0, 1, 0], [], []>, transpose_lhs_hint = false} : vector<256x192xbf16>, vector<256x192xbf16>, vector<256x256xf32> -> vector<256x256xf32>
    %slice3A_269 = vector.extract_strided_slice %get3A_2 {offsets = [4, 0, 0], sizes = [1, 256, 256], strides = [1, 1, 1]} : vector<6x256x256xf32> to vector<1x256x256xf32>
    %squeeze3A_270 = vector.shape_cast %slice3A_269 : vector<1x256x256xf32> to vector<256x256xf32>
    %add3A_271 = arith.addf %dot_general3A_268, %squeeze3A_270 : vector<256x256xf32>
    %exp3A_272 = math.exp %add3A_271 : vector<256x256xf32>
    %convert_element_type3A_273 = arith.truncf %exp3A_272 : vector<256x256xf32> to vector<256x256xbf16>
    %mul3A_274 = vector.broadcast %get3A_264 : vector<1x192xbf16> to vector<256x192xbf16>
    %mul3A_275 = arith.mulf %convert_element_type3A_180, %mul3A_274 : vector<256x192xbf16>
    %swap3A_276 = arith.constant 1 : index
    %swap3A_277 = arith.constant 1024 : index
    %swap3A_278 = arith.constant 0 : index
    %swap3A_279 = vector.load %arg9[%swap3A_276, %swap3A_277, %swap3A_278] : memref<12x1536x192xbf16, #tpu.memory_space<vmem>>, vector<1x256x192xbf16>
    %swap3A_280 = vector.shape_cast %swap3A_279 : vector<1x256x192xbf16> to vector<256x192xbf16>
    %swap3A_281 = vector.shape_cast %mul3A_275 : vector<256x192xbf16> to vector<1x256x192xbf16>
    tpu.vector_store %arg9[%swap3A_276, %swap3A_277, %swap3A_278], %swap3A_281 {strides = array<i32>} : memref<12x1536x192xbf16, #tpu.memory_space<vmem>>, vector<1x256x192xbf16>,
    %get3A_282 = arith.constant 5 : index
    %get3A_283 = arith.constant 0 : index
    %get3A_284 = vector.load %arg3[%get3A_282, %get3A_283] : memref<16x192xbf16, #tpu.memory_space<vmem>>, vector<1x192xbf16>
    %mul3A_285 = vector.broadcast %get3A_284 : vector<1x192xbf16> to vector<256x192xbf16>
    %mul3A_286 = arith.mulf %convert_element_type3A_178, %mul3A_285 : vector<256x192xbf16>
    %dot_general3A_287 = arith.constant dense<0.000000e+00> : vector<256x256xf32>
    %dot_general3A_288 = tpu.matmul %convert_element_type3A_176, %mul3A_286, %dot_general3A_287 {dimension_numbers = #tpu.dot_dimension_numbers<[1], [1], [0], [0], [0, 0, 1, 0], [], []>, transpose_lhs_hint = false} : vector<256x192xbf16>, vector<256x192xbf16>, vector<256x256xf32> -> vector<256x256xf32>
    %slice3A_289 = vector.extract_strided_slice %get3A_2 {offsets = [5, 0, 0], sizes = [1, 256, 256], strides = [1, 1, 1]} : vector<6x256x256xf32> to vector<1x256x256xf32>
    %squeeze3A_290 = vector.shape_cast %slice3A_289 : vector<1x256x256xf32> to vector<256x256xf32>
    %add3A_291 = arith.addf %dot_general3A_288, %squeeze3A_290 : vector<256x256xf32>
    %exp3A_292 = math.exp %add3A_291 : vector<256x256xf32>
    %convert_element_type3A_293 = arith.truncf %exp3A_292 : vector<256x256xf32> to vector<256x256xbf16>
    %mul3A_294 = vector.broadcast %get3A_284 : vector<1x192xbf16> to vector<256x192xbf16>
    %mul3A_295 = arith.mulf %convert_element_type3A_180, %mul3A_294 : vector<256x192xbf16>
    %swap3A_296 = arith.constant 1 : index
    %swap3A_297 = arith.constant 1280 : index
    %swap3A_298 = arith.constant 0 : index
    %swap3A_299 = vector.load %arg9[%swap3A_296, %swap3A_297, %swap3A_298] : memref<12x1536x192xbf16, #tpu.memory_space<vmem>>, vector<1x256x192xbf16>
    %swap3A_300 = vector.shape_cast %swap3A_299 : vector<1x256x192xbf16> to vector<256x192xbf16>
    %swap3A_301 = vector.shape_cast %mul3A_295 : vector<256x192xbf16> to vector<1x256x192xbf16>
    tpu.vector_store %arg9[%swap3A_296, %swap3A_297, %swap3A_298], %swap3A_301 {strides = array<i32>} : memref<12x1536x192xbf16, #tpu.memory_space<vmem>>, vector<1x256x192xbf16>,
    %concatenate3A_302 = tpu.concatenate %convert_element_type3A_193, %convert_element_type3A_213, %convert_element_type3A_233, %convert_element_type3A_253, %convert_element_type3A_273, %convert_element_type3A_293 in 1 : vector<256x256xbf16>, vector<256x256xbf16>, vector<256x256xbf16>, vector<256x256xbf16>, vector<256x256xbf16>, vector<256x256xbf16> -> vector<256x1536xbf16>
    %get3A_303 = arith.constant 1 : index
    %get3A_304 = arith.constant 0 : index
    %get3A_305 = arith.constant 0 : index
    %get3A_306 = vector.load %arg9[%get3A_303, %get3A_304, %get3A_305] : memref<12x1536x192xbf16, #tpu.memory_space<vmem>>, vector<1x1536x192xbf16>
    %get3A_307 = vector.shape_cast %get3A_306 : vector<1x1536x192xbf16> to vector<1536x192xbf16>
    %dot_general3A_308 = arith.constant dense<0.000000e+00> : vector<256x192xf32>
    %dot_general3A_309 = tpu.matmul %concatenate3A_302, %get3A_307, %dot_general3A_308 {dimension_numbers = #tpu.dot_dimension_numbers<[1], [0], [0], [1], [0, 0, 1, 1], [], []>, transpose_lhs_hint = false} : vector<256x1536xbf16>, vector<1536x192xbf16>, vector<256x192xf32> -> vector<256x192xf32>
    %dot_general3A_310 = arith.constant dense<0.000000e+00> : vector<256x16xf32>
    %dot_general3A_311 = tpu.matmul %concatenate3A_302, %get3A_14, %dot_general3A_310 {dimension_numbers = #tpu.dot_dimension_numbers<[1], [0], [0], [1], [0, 0, 1, 1], [], []>, transpose_lhs_hint = false} : vector<256x1536xbf16>, vector<1536x16xbf16>, vector<256x16xf32> -> vector<256x16xf32>
    %div3A_312 = arith.constant 1.000000e+00 : f32
    %div3A_313 = vector.broadcast %div3A_312 : f32 to vector<256x16xf32>
    %div3A_314 = arith.divf %div3A_313, %dot_general3A_311 : vector<256x16xf32>
    %dot_general3A_315 = arith.constant dense<0.000000e+00> : vector<256x192xf32>
    %dot_general3A_316 = tpu.matmul %div3A_314, %get3A_11, %dot_general3A_315 {dimension_numbers = #tpu.dot_dimension_numbers<[1], [0], [0], [1], [0, 0, 1, 1], [], []>, transpose_lhs_hint = false} : vector<256x16xf32>, vector<16x192xf32>, vector<256x192xf32> -> vector<256x192xf32>
    %mul3A_317 = arith.mulf %dot_general3A_309, %dot_general3A_316 : vector<256x192xf32>
    %add3A_318 = arith.addf %slice3A_181, %mul3A_317 : vector<256x192xf32>
    %dot_general3A_319 = arith.constant dense<0.000000e+00> : vector<256x192xf32>
    %dot_general3A_320 = tpu.matmul %add3A_318, %get3A_5, %dot_general3A_319 {dimension_numbers = #tpu.dot_dimension_numbers<[1], [1], [0], [0], [0, 0, 1, 0], [], []>, transpose_lhs_hint = false} : vector<256x192xf32>, vector<192x192xf32>, vector<256x192xf32> -> vector<256x192xf32>
    %add3A_321 = vector.broadcast %get3A_8 : vector<1x192xf32> to vector<256x192xf32>
    %add3A_322 = arith.addf %dot_general3A_320, %add3A_321 : vector<256x192xf32>
    %swap3A_323 = arith.constant 1 : index
    %swap3A_324 = arith.constant 0 : index
    %swap3A_325 = arith.constant 0 : index
    %swap3A_326 = vector.load %arg8[%swap3A_323, %swap3A_324, %swap3A_325] : memref<12x256x192xf32, #tpu.memory_space<vmem>>, vector<1x256x192xf32>
    %swap3A_327 = vector.shape_cast %swap3A_326 : vector<1x256x192xf32> to vector<256x192xf32>
    %swap3A_328 = vector.shape_cast %add3A_322 : vector<256x192xf32> to vector<1x256x192xf32>
    tpu.vector_store %arg8[%swap3A_323, %swap3A_324, %swap3A_325], %swap3A_328 {strides = array<i32>} : memref<12x256x192xf32, #tpu.memory_space<vmem>>, vector<1x256x192xf32>,
    %get3A_329 = arith.constant 2 : index
    %get3A_330 = arith.constant 0 : index
    %get3A_331 = arith.constant 0 : index
    %get3A_332 = vector.load %arg1[%get3A_329, %get3A_330, %get3A_331] : memref<12x256x768xf32, #tpu.memory_space<vmem>>, vector<1x256x768xf32>
    %get3A_333 = vector.shape_cast %get3A_332 : vector<1x256x768xf32> to vector<256x768xf32>
    %slice3A_334 = vector.extract_strided_slice %get3A_333 {offsets = [0, 0], sizes = [256, 192], strides = [1, 1]} : vector<256x768xf32> to vector<256x192xf32>
    %mul3A_335 = arith.constant 0.176776692 : f32
    %mul3A_336 = vector.broadcast %mul3A_335 : f32 to vector<256x192xf32>
    %mul3A_337 = arith.mulf %slice3A_334, %mul3A_336 : vector<256x192xf32>
    %convert_element_type3A_338 = arith.truncf %mul3A_337 : vector<256x192xf32> to vector<256x192xbf16>
    %slice3A_339 = vector.extract_strided_slice %get3A_333 {offsets = [0, 192], sizes = [256, 192], strides = [1, 1]} : vector<256x768xf32> to vector<256x192xf32>
    %convert_element_type3A_340 = arith.truncf %slice3A_339 : vector<256x192xf32> to vector<256x192xbf16>
    %slice3A_341 = vector.extract_strided_slice %get3A_333 {offsets = [0, 384], sizes = [256, 192], strides = [1, 1]} : vector<256x768xf32> to vector<256x192xf32>
    %convert_element_type3A_342 = arith.truncf %slice3A_341 : vector<256x192xf32> to vector<256x192xbf16>
    %slice3A_343 = vector.extract_strided_slice %get3A_333 {offsets = [0, 576], sizes = [256, 192], strides = [1, 1]} : vector<256x768xf32> to vector<256x192xf32>
    %get3A_344 = arith.constant 0 : index
    %get3A_345 = arith.constant 0 : index
    %get3A_346 = vector.load %arg3[%get3A_344, %get3A_345] : memref<16x192xbf16, #tpu.memory_space<vmem>>, vector<1x192xbf16>
    %mul3A_347 = vector.broadcast %get3A_346 : vector<1x192xbf16> to vector<256x192xbf16>
    %mul3A_348 = arith.mulf %convert_element_type3A_340, %mul3A_347 : vector<256x192xbf16>
    %dot_general3A_349 = arith.constant dense<0.000000e+00> : vector<256x256xf32>
    %dot_general3A_350 = tpu.matmul %convert_element_type3A_338, %mul3A_348, %dot_general3A_349 {dimension_numbers = #tpu.dot_dimension_numbers<[1], [1], [0], [0], [0, 0, 1, 0], [], []>, transpose_lhs_hint = false} : vector<256x192xbf16>, vector<256x192xbf16>, vector<256x256xf32> -> vector<256x256xf32>
    %slice3A_351 = vector.extract_strided_slice %get3A_2 {offsets = [0, 0, 0], sizes = [1, 256, 256], strides = [1, 1, 1]} : vector<6x256x256xf32> to vector<1x256x256xf32>
    %squeeze3A_352 = vector.shape_cast %slice3A_351 : vector<1x256x256xf32> to vector<256x256xf32>
    %add3A_353 = arith.addf %dot_general3A_350, %squeeze3A_352 : vector<256x256xf32>
    %exp3A_354 = math.exp %add3A_353 : vector<256x256xf32>
    %convert_element_type3A_355 = arith.truncf %exp3A_354 : vector<256x256xf32> to vector<256x256xbf16>
    %mul3A_356 = vector.broadcast %get3A_346 : vector<1x192xbf16> to vector<256x192xbf16>
    %mul3A_357 = arith.mulf %convert_element_type3A_342, %mul3A_356 : vector<256x192xbf16>
    %swap3A_358 = arith.constant 2 : index
    %swap3A_359 = arith.constant 0 : index
    %swap3A_360 = arith.constant 0 : index
    %swap3A_361 = vector.load %arg9[%swap3A_358, %swap3A_359, %swap3A_360] : memref<12x1536x192xbf16, #tpu.memory_space<vmem>>, vector<1x256x192xbf16>
    %swap3A_362 = vector.shape_cast %swap3A_361 : vector<1x256x192xbf16> to vector<256x192xbf16>
    %swap3A_363 = vector.shape_cast %mul3A_357 : vector<256x192xbf16> to vector<1x256x192xbf16>
    tpu.vector_store %arg9[%swap3A_358, %swap3A_359, %swap3A_360], %swap3A_363 {strides = array<i32>} : memref<12x1536x192xbf16, #tpu.memory_space<vmem>>, vector<1x256x192xbf16>,
    %get3A_364 = arith.constant 1 : index
    %get3A_365 = arith.constant 0 : index
    %get3A_366 = vector.load %arg3[%get3A_364, %get3A_365] : memref<16x192xbf16, #tpu.memory_space<vmem>>, vector<1x192xbf16>
    %mul3A_367 = vector.broadcast %get3A_366 : vector<1x192xbf16> to vector<256x192xbf16>
    %mul3A_368 = arith.mulf %convert_element_type3A_340, %mul3A_367 : vector<256x192xbf16>
    %dot_general3A_369 = arith.constant dense<0.000000e+00> : vector<256x256xf32>
    %dot_general3A_370 = tpu.matmul %convert_element_type3A_338, %mul3A_368, %dot_general3A_369 {dimension_numbers = #tpu.dot_dimension_numbers<[1], [1], [0], [0], [0, 0, 1, 0], [], []>, transpose_lhs_hint = false} : vector<256x192xbf16>, vector<256x192xbf16>, vector<256x256xf32> -> vector<256x256xf32>
    %slice3A_371 = vector.extract_strided_slice %get3A_2 {offsets = [1, 0, 0], sizes = [1, 256, 256], strides = [1, 1, 1]} : vector<6x256x256xf32> to vector<1x256x256xf32>
    %squeeze3A_372 = vector.shape_cast %slice3A_371 : vector<1x256x256xf32> to vector<256x256xf32>
    %add3A_373 = arith.addf %dot_general3A_370, %squeeze3A_372 : vector<256x256xf32>
    %exp3A_374 = math.exp %add3A_373 : vector<256x256xf32>
    %convert_element_type3A_375 = arith.truncf %exp3A_374 : vector<256x256xf32> to vector<256x256xbf16>
    %mul3A_376 = vector.broadcast %get3A_366 : vector<1x192xbf16> to vector<256x192xbf16>
    %mul3A_377 = arith.mulf %convert_element_type3A_342, %mul3A_376 : vector<256x192xbf16>
    %swap3A_378 = arith.constant 2 : index
    %swap3A_379 = arith.constant 256 : index
    %swap3A_380 = arith.constant 0 : index
    %swap3A_381 = vector.load %arg9[%swap3A_378, %swap3A_379, %swap3A_380] : memref<12x1536x192xbf16, #tpu.memory_space<vmem>>, vector<1x256x192xbf16>
    %swap3A_382 = vector.shape_cast %swap3A_381 : vector<1x256x192xbf16> to vector<256x192xbf16>
    %swap3A_383 = vector.shape_cast %mul3A_377 : vector<256x192xbf16> to vector<1x256x192xbf16>
    tpu.vector_store %arg9[%swap3A_378, %swap3A_379, %swap3A_380], %swap3A_383 {strides = array<i32>} : memref<12x1536x192xbf16, #tpu.memory_space<vmem>>, vector<1x256x192xbf16>,
    %get3A_384 = arith.constant 2 : index
    %get3A_385 = arith.constant 0 : index
    %get3A_386 = vector.load %arg3[%get3A_384, %get3A_385] : memref<16x192xbf16, #tpu.memory_space<vmem>>, vector<1x192xbf16>
    %mul3A_387 = vector.broadcast %get3A_386 : vector<1x192xbf16> to vector<256x192xbf16>
    %mul3A_388 = arith.mulf %convert_element_type3A_340, %mul3A_387 : vector<256x192xbf16>
    %dot_general3A_389 = arith.constant dense<0.000000e+00> : vector<256x256xf32>
    %dot_general3A_390 = tpu.matmul %convert_element_type3A_338, %mul3A_388, %dot_general3A_389 {dimension_numbers = #tpu.dot_dimension_numbers<[1], [1], [0], [0], [0, 0, 1, 0], [], []>, transpose_lhs_hint = false} : vector<256x192xbf16>, vector<256x192xbf16>, vector<256x256xf32> -> vector<256x256xf32>
    %slice3A_391 = vector.extract_strided_slice %get3A_2 {offsets = [2, 0, 0], sizes = [1, 256, 256], strides = [1, 1, 1]} : vector<6x256x256xf32> to vector<1x256x256xf32>
    %squeeze3A_392 = vector.shape_cast %slice3A_391 : vector<1x256x256xf32> to vector<256x256xf32>
    %add3A_393 = arith.addf %dot_general3A_390, %squeeze3A_392 : vector<256x256xf32>
    %exp3A_394 = math.exp %add3A_393 : vector<256x256xf32>
    %convert_element_type3A_395 = arith.truncf %exp3A_394 : vector<256x256xf32> to vector<256x256xbf16>
    %mul3A_396 = vector.broadcast %get3A_386 : vector<1x192xbf16> to vector<256x192xbf16>
    %mul3A_397 = arith.mulf %convert_element_type3A_342, %mul3A_396 : vector<256x192xbf16>
    %swap3A_398 = arith.constant 2 : index
    %swap3A_399 = arith.constant 512 : index
    %swap3A_400 = arith.constant 0 : index
    %swap3A_401 = vector.load %arg9[%swap3A_398, %swap3A_399, %swap3A_400] : memref<12x1536x192xbf16, #tpu.memory_space<vmem>>, vector<1x256x192xbf16>
    %swap3A_402 = vector.shape_cast %swap3A_401 : vector<1x256x192xbf16> to vector<256x192xbf16>
    %swap3A_403 = vector.shape_cast %mul3A_397 : vector<256x192xbf16> to vector<1x256x192xbf16>
    tpu.vector_store %arg9[%swap3A_398, %swap3A_399, %swap3A_400], %swap3A_403 {strides = array<i32>} : memref<12x1536x192xbf16, #tpu.memory_space<vmem>>, vector<1x256x192xbf16>,
    %get3A_404 = arith.constant 3 : index
    %get3A_405 = arith.constant 0 : index
    %get3A_406 = vector.load %arg3[%get3A_404, %get3A_405] : memref<16x192xbf16, #tpu.memory_space<vmem>>, vector<1x192xbf16>
    %mul3A_407 = vector.broadcast %get3A_406 : vector<1x192xbf16> to vector<256x192xbf16>
    %mul3A_408 = arith.mulf %convert_element_type3A_340, %mul3A_407 : vector<256x192xbf16>
    %dot_general3A_409 = arith.constant dense<0.000000e+00> : vector<256x256xf32>
    %dot_general3A_410 = tpu.matmul %convert_element_type3A_338, %mul3A_408, %dot_general3A_409 {dimension_numbers = #tpu.dot_dimension_numbers<[1], [1], [0], [0], [0, 0, 1, 0], [], []>, transpose_lhs_hint = false} : vector<256x192xbf16>, vector<256x192xbf16>, vector<256x256xf32> -> vector<256x256xf32>
    %slice3A_411 = vector.extract_strided_slice %get3A_2 {offsets = [3, 0, 0], sizes = [1, 256, 256], strides = [1, 1, 1]} : vector<6x256x256xf32> to vector<1x256x256xf32>
    %squeeze3A_412 = vector.shape_cast %slice3A_411 : vector<1x256x256xf32> to vector<256x256xf32>
    %add3A_413 = arith.addf %dot_general3A_410, %squeeze3A_412 : vector<256x256xf32>
    %exp3A_414 = math.exp %add3A_413 : vector<256x256xf32>
    %convert_element_type3A_415 = arith.truncf %exp3A_414 : vector<256x256xf32> to vector<256x256xbf16>
    %mul3A_416 = vector.broadcast %get3A_406 : vector<1x192xbf16> to vector<256x192xbf16>
    %mul3A_417 = arith.mulf %convert_element_type3A_342, %mul3A_416 : vector<256x192xbf16>
    %swap3A_418 = arith.constant 2 : index
    %swap3A_419 = arith.constant 768 : index
    %swap3A_420 = arith.constant 0 : index
    %swap3A_421 = vector.load %arg9[%swap3A_418, %swap3A_419, %swap3A_420] : memref<12x1536x192xbf16, #tpu.memory_space<vmem>>, vector<1x256x192xbf16>
    %swap3A_422 = vector.shape_cast %swap3A_421 : vector<1x256x192xbf16> to vector<256x192xbf16>
    %swap3A_423 = vector.shape_cast %mul3A_417 : vector<256x192xbf16> to vector<1x256x192xbf16>
    tpu.vector_store %arg9[%swap3A_418, %swap3A_419, %swap3A_420], %swap3A_423 {strides = array<i32>} : memref<12x1536x192xbf16, #tpu.memory_space<vmem>>, vector<1x256x192xbf16>,
    %get3A_424 = arith.constant 4 : index
    %get3A_425 = arith.constant 0 : index
    %get3A_426 = vector.load %arg3[%get3A_424, %get3A_425] : memref<16x192xbf16, #tpu.memory_space<vmem>>, vector<1x192xbf16>
    %mul3A_427 = vector.broadcast %get3A_426 : vector<1x192xbf16> to vector<256x192xbf16>
    %mul3A_428 = arith.mulf %convert_element_type3A_340, %mul3A_427 : vector<256x192xbf16>
    %dot_general3A_429 = arith.constant dense<0.000000e+00> : vector<256x256xf32>
    %dot_general3A_430 = tpu.matmul %convert_element_type3A_338, %mul3A_428, %dot_general3A_429 {dimension_numbers = #tpu.dot_dimension_numbers<[1], [1], [0], [0], [0, 0, 1, 0], [], []>, transpose_lhs_hint = false} : vector<256x192xbf16>, vector<256x192xbf16>, vector<256x256xf32> -> vector<256x256xf32>
    %slice3A_431 = vector.extract_strided_slice %get3A_2 {offsets = [4, 0, 0], sizes = [1, 256, 256], strides = [1, 1, 1]} : vector<6x256x256xf32> to vector<1x256x256xf32>
    %squeeze3A_432 = vector.shape_cast %slice3A_431 : vector<1x256x256xf32> to vector<256x256xf32>
    %add3A_433 = arith.addf %dot_general3A_430, %squeeze3A_432 : vector<256x256xf32>
    %exp3A_434 = math.exp %add3A_433 : vector<256x256xf32>
    %convert_element_type3A_435 = arith.truncf %exp3A_434 : vector<256x256xf32> to vector<256x256xbf16>
    %mul3A_436 = vector.broadcast %get3A_426 : vector<1x192xbf16> to vector<256x192xbf16>
    %mul3A_437 = arith.mulf %convert_element_type3A_342, %mul3A_436 : vector<256x192xbf16>
    %swap3A_438 = arith.constant 2 : index
    %swap3A_439 = arith.constant 1024 : index
    %swap3A_440 = arith.constant 0 : index
    %swap3A_441 = vector.load %arg9[%swap3A_438, %swap3A_439, %swap3A_440] : memref<12x1536x192xbf16, #tpu.memory_space<vmem>>, vector<1x256x192xbf16>
    %swap3A_442 = vector.shape_cast %swap3A_441 : vector<1x256x192xbf16> to vector<256x192xbf16>
    %swap3A_443 = vector.shape_cast %mul3A_437 : vector<256x192xbf16> to vector<1x256x192xbf16>
    tpu.vector_store %arg9[%swap3A_438, %swap3A_439, %swap3A_440], %swap3A_443 {strides = array<i32>} : memref<12x1536x192xbf16, #tpu.memory_space<vmem>>, vector<1x256x192xbf16>,
    %get3A_444 = arith.constant 5 : index
    %get3A_445 = arith.constant 0 : index
    %get3A_446 = vector.load %arg3[%get3A_444, %get3A_445] : memref<16x192xbf16, #tpu.memory_space<vmem>>, vector<1x192xbf16>
    %mul3A_447 = vector.broadcast %get3A_446 : vector<1x192xbf16> to vector<256x192xbf16>
    %mul3A_448 = arith.mulf %convert_element_type3A_340, %mul3A_447 : vector<256x192xbf16>
    %dot_general3A_449 = arith.constant dense<0.000000e+00> : vector<256x256xf32>
    %dot_general3A_450 = tpu.matmul %convert_element_type3A_338, %mul3A_448, %dot_general3A_449 {dimension_numbers = #tpu.dot_dimension_numbers<[1], [1], [0], [0], [0, 0, 1, 0], [], []>, transpose_lhs_hint = false} : vector<256x192xbf16>, vector<256x192xbf16>, vector<256x256xf32> -> vector<256x256xf32>
    %slice3A_451 = vector.extract_strided_slice %get3A_2 {offsets = [5, 0, 0], sizes = [1, 256, 256], strides = [1, 1, 1]} : vector<6x256x256xf32> to vector<1x256x256xf32>
    %squeeze3A_452 = vector.shape_cast %slice3A_451 : vector<1x256x256xf32> to vector<256x256xf32>
    %add3A_453 = arith.addf %dot_general3A_450, %squeeze3A_452 : vector<256x256xf32>
    %exp3A_454 = math.exp %add3A_453 : vector<256x256xf32>
    %convert_element_type3A_455 = arith.truncf %exp3A_454 : vector<256x256xf32> to vector<256x256xbf16>
    %mul3A_456 = vector.broadcast %get3A_446 : vector<1x192xbf16> to vector<256x192xbf16>
    %mul3A_457 = arith.mulf %convert_element_type3A_342, %mul3A_456 : vector<256x192xbf16>
    %swap3A_458 = arith.constant 2 : index
    %swap3A_459 = arith.constant 1280 : index
    %swap3A_460 = arith.constant 0 : index
    %swap3A_461 = vector.load %arg9[%swap3A_458, %swap3A_459, %swap3A_460] : memref<12x1536x192xbf16, #tpu.memory_space<vmem>>, vector<1x256x192xbf16>
    %swap3A_462 = vector.shape_cast %swap3A_461 : vector<1x256x192xbf16> to vector<256x192xbf16>
    %swap3A_463 = vector.shape_cast %mul3A_457 : vector<256x192xbf16> to vector<1x256x192xbf16>
    tpu.vector_store %arg9[%swap3A_458, %swap3A_459, %swap3A_460], %swap3A_463 {strides = array<i32>} : memref<12x1536x192xbf16, #tpu.memory_space<vmem>>, vector<1x256x192xbf16>,
    %concatenate3A_464 = tpu.concatenate %convert_element_type3A_355, %convert_element_type3A_375, %convert_element_type3A_395, %convert_element_type3A_415, %convert_element_type3A_435, %convert_element_type3A_455 in 1 : vector<256x256xbf16>, vector<256x256xbf16>, vector<256x256xbf16>, vector<256x256xbf16>, vector<256x256xbf16>, vector<256x256xbf16> -> vector<256x1536xbf16>
    %get3A_465 = arith.constant 2 : index
    %get3A_466 = arith.constant 0 : index
    %get3A_467 = arith.constant 0 : index
    %get3A_468 = vector.load %arg9[%get3A_465, %get3A_466, %get3A_467] : memref<12x1536x192xbf16, #tpu.memory_space<vmem>>, vector<1x1536x192xbf16>
    %get3A_469 = vector.shape_cast %get3A_468 : vector<1x1536x192xbf16> to vector<1536x192xbf16>
    %dot_general3A_470 = arith.constant dense<0.000000e+00> : vector<256x192xf32>
    %dot_general3A_471 = tpu.matmul %concatenate3A_464, %get3A_469, %dot_general3A_470 {dimension_numbers = #tpu.dot_dimension_numbers<[1], [0], [0], [1], [0, 0, 1, 1], [], []>, transpose_lhs_hint = false} : vector<256x1536xbf16>, vector<1536x192xbf16>, vector<256x192xf32> -> vector<256x192xf32>
    %dot_general3A_472 = arith.constant dense<0.000000e+00> : vector<256x16xf32>
    %dot_general3A_473 = tpu.matmul %concatenate3A_464, %get3A_14, %dot_general3A_472 {dimension_numbers = #tpu.dot_dimension_numbers<[1], [0], [0], [1], [0, 0, 1, 1], [], []>, transpose_lhs_hint = false} : vector<256x1536xbf16>, vector<1536x16xbf16>, vector<256x16xf32> -> vector<256x16xf32>
    %div3A_474 = arith.constant 1.000000e+00 : f32
    %div3A_475 = vector.broadcast %div3A_474 : f32 to vector<256x16xf32>
    %div3A_476 = arith.divf %div3A_475, %dot_general3A_473 : vector<256x16xf32>
    %dot_general3A_477 = arith.constant dense<0.000000e+00> : vector<256x192xf32>
    %dot_general3A_478 = tpu.matmul %div3A_476, %get3A_11, %dot_general3A_477 {dimension_numbers = #tpu.dot_dimension_numbers<[1], [0], [0], [1], [0, 0, 1, 1], [], []>, transpose_lhs_hint = false} : vector<256x16xf32>, vector<16x192xf32>, vector<256x192xf32> -> vector<256x192xf32>
    %mul3A_479 = arith.mulf %dot_general3A_471, %dot_general3A_478 : vector<256x192xf32>
    %add3A_480 = arith.addf %slice3A_343, %mul3A_479 : vector<256x192xf32>
    %dot_general3A_481 = arith.constant dense<0.000000e+00> : vector<256x192xf32>
    %dot_general3A_482 = tpu.matmul %add3A_480, %get3A_5, %dot_general3A_481 {dimension_numbers = #tpu.dot_dimension_numbers<[1], [1], [0], [0], [0, 0, 1, 0], [], []>, transpose_lhs_hint = false} : vector<256x192xf32>, vector<192x192xf32>, vector<256x192xf32> -> vector<256x192xf32>
    %add3A_483 = vector.broadcast %get3A_8 : vector<1x192xf32> to vector<256x192xf32>
    %add3A_484 = arith.addf %dot_general3A_482, %add3A_483 : vector<256x192xf32>
    %swap3A_485 = arith.constant 2 : index
    %swap3A_486 = arith.constant 0 : index
    %swap3A_487 = arith.constant 0 : index
    %swap3A_488 = vector.load %arg8[%swap3A_485, %swap3A_486, %swap3A_487] : memref<12x256x192xf32, #tpu.memory_space<vmem>>, vector<1x256x192xf32>
    %swap3A_489 = vector.shape_cast %swap3A_488 : vector<1x256x192xf32> to vector<256x192xf32>
    %swap3A_490 = vector.shape_cast %add3A_484 : vector<256x192xf32> to vector<1x256x192xf32>
    tpu.vector_store %arg8[%swap3A_485, %swap3A_486, %swap3A_487], %swap3A_490 {strides = array<i32>} : memref<12x256x192xf32, #tpu.memory_space<vmem>>, vector<1x256x192xf32>,
    %get3A_491 = arith.constant 3 : index
    %get3A_492 = arith.constant 0 : index
    %get3A_493 = arith.constant 0 : index
    %get3A_494 = vector.load %arg1[%get3A_491, %get3A_492, %get3A_493] : memref<12x256x768xf32, #tpu.memory_space<vmem>>, vector<1x256x768xf32>
    %get3A_495 = vector.shape_cast %get3A_494 : vector<1x256x768xf32> to vector<256x768xf32>
    %slice3A_496 = vector.extract_strided_slice %get3A_495 {offsets = [0, 0], sizes = [256, 192], strides = [1, 1]} : vector<256x768xf32> to vector<256x192xf32>
    %mul3A_497 = arith.constant 0.176776692 : f32
    %mul3A_498 = vector.broadcast %mul3A_497 : f32 to vector<256x192xf32>
    %mul3A_499 = arith.mulf %slice3A_496, %mul3A_498 : vector<256x192xf32>
    %convert_element_type3A_500 = arith.truncf %mul3A_499 : vector<256x192xf32> to vector<256x192xbf16>
    %slice3A_501 = vector.extract_strided_slice %get3A_495 {offsets = [0, 192], sizes = [256, 192], strides = [1, 1]} : vector<256x768xf32> to vector<256x192xf32>
    %convert_element_type3A_502 = arith.truncf %slice3A_501 : vector<256x192xf32> to vector<256x192xbf16>
    %slice3A_503 = vector.extract_strided_slice %get3A_495 {offsets = [0, 384], sizes = [256, 192], strides = [1, 1]} : vector<256x768xf32> to vector<256x192xf32>
    %convert_element_type3A_504 = arith.truncf %slice3A_503 : vector<256x192xf32> to vector<256x192xbf16>
    %slice3A_505 = vector.extract_strided_slice %get3A_495 {offsets = [0, 576], sizes = [256, 192], strides = [1, 1]} : vector<256x768xf32> to vector<256x192xf32>
    %get3A_506 = arith.constant 0 : index
    %get3A_507 = arith.constant 0 : index
    %get3A_508 = vector.load %arg3[%get3A_506, %get3A_507] : memref<16x192xbf16, #tpu.memory_space<vmem>>, vector<1x192xbf16>
    %mul3A_509 = vector.broadcast %get3A_508 : vector<1x192xbf16> to vector<256x192xbf16>
    %mul3A_510 = arith.mulf %convert_element_type3A_502, %mul3A_509 : vector<256x192xbf16>
    %dot_general3A_511 = arith.constant dense<0.000000e+00> : vector<256x256xf32>
    %dot_general3A_512 = tpu.matmul %convert_element_type3A_500, %mul3A_510, %dot_general3A_511 {dimension_numbers = #tpu.dot_dimension_numbers<[1], [1], [0], [0], [0, 0, 1, 0], [], []>, transpose_lhs_hint = false} : vector<256x192xbf16>, vector<256x192xbf16>, vector<256x256xf32> -> vector<256x256xf32>
    %slice3A_513 = vector.extract_strided_slice %get3A_2 {offsets = [0, 0, 0], sizes = [1, 256, 256], strides = [1, 1, 1]} : vector<6x256x256xf32> to vector<1x256x256xf32>
    %squeeze3A_514 = vector.shape_cast %slice3A_513 : vector<1x256x256xf32> to vector<256x256xf32>
    %add3A_515 = arith.addf %dot_general3A_512, %squeeze3A_514 : vector<256x256xf32>
    %exp3A_516 = math.exp %add3A_515 : vector<256x256xf32>
    %convert_element_type3A_517 = arith.truncf %exp3A_516 : vector<256x256xf32> to vector<256x256xbf16>
    %mul3A_518 = vector.broadcast %get3A_508 : vector<1x192xbf16> to vector<256x192xbf16>
    %mul3A_519 = arith.mulf %convert_element_type3A_504, %mul3A_518 : vector<256x192xbf16>
    %swap3A_520 = arith.constant 3 : index
    %swap3A_521 = arith.constant 0 : index
    %swap3A_522 = arith.constant 0 : index
    %swap3A_523 = vector.load %arg9[%swap3A_520, %swap3A_521, %swap3A_522] : memref<12x1536x192xbf16, #tpu.memory_space<vmem>>, vector<1x256x192xbf16>
    %swap3A_524 = vector.shape_cast %swap3A_523 : vector<1x256x192xbf16> to vector<256x192xbf16>
    %swap3A_525 = vector.shape_cast %mul3A_519 : vector<256x192xbf16> to vector<1x256x192xbf16>
    tpu.vector_store %arg9[%swap3A_520, %swap3A_521, %swap3A_522], %swap3A_525 {strides = array<i32>} : memref<12x1536x192xbf16, #tpu.memory_space<vmem>>, vector<1x256x192xbf16>,
    %get3A_526 = arith.constant 1 : index
    %get3A_527 = arith.constant 0 : index
    %get3A_528 = vector.load %arg3[%get3A_526, %get3A_527] : memref<16x192xbf16, #tpu.memory_space<vmem>>, vector<1x192xbf16>
    %mul3A_529 = vector.broadcast %get3A_528 : vector<1x192xbf16> to vector<256x192xbf16>
    %mul3A_530 = arith.mulf %convert_element_type3A_502, %mul3A_529 : vector<256x192xbf16>
    %dot_general3A_531 = arith.constant dense<0.000000e+00> : vector<256x256xf32>
    %dot_general3A_532 = tpu.matmul %convert_element_type3A_500, %mul3A_530, %dot_general3A_531 {dimension_numbers = #tpu.dot_dimension_numbers<[1], [1], [0], [0], [0, 0, 1, 0], [], []>, transpose_lhs_hint = false} : vector<256x192xbf16>, vector<256x192xbf16>, vector<256x256xf32> -> vector<256x256xf32>
    %slice3A_533 = vector.extract_strided_slice %get3A_2 {offsets = [1, 0, 0], sizes = [1, 256, 256], strides = [1, 1, 1]} : vector<6x256x256xf32> to vector<1x256x256xf32>
    %squeeze3A_534 = vector.shape_cast %slice3A_533 : vector<1x256x256xf32> to vector<256x256xf32>
    %add3A_535 = arith.addf %dot_general3A_532, %squeeze3A_534 : vector<256x256xf32>
    %exp3A_536 = math.exp %add3A_535 : vector<256x256xf32>
    %convert_element_type3A_537 = arith.truncf %exp3A_536 : vector<256x256xf32> to vector<256x256xbf16>
    %mul3A_538 = vector.broadcast %get3A_528 : vector<1x192xbf16> to vector<256x192xbf16>
    %mul3A_539 = arith.mulf %convert_element_type3A_504, %mul3A_538 : vector<256x192xbf16>
    %swap3A_540 = arith.constant 3 : index
    %swap3A_541 = arith.constant 256 : index
    %swap3A_542 = arith.constant 0 : index
    %swap3A_543 = vector.load %arg9[%swap3A_540, %swap3A_541, %swap3A_542] : memref<12x1536x192xbf16, #tpu.memory_space<vmem>>, vector<1x256x192xbf16>
    %swap3A_544 = vector.shape_cast %swap3A_543 : vector<1x256x192xbf16> to vector<256x192xbf16>
    %swap3A_545 = vector.shape_cast %mul3A_539 : vector<256x192xbf16> to vector<1x256x192xbf16>
    tpu.vector_store %arg9[%swap3A_540, %swap3A_541, %swap3A_542], %swap3A_545 {strides = array<i32>} : memref<12x1536x192xbf16, #tpu.memory_space<vmem>>, vector<1x256x192xbf16>,
    %get3A_546 = arith.constant 2 : index
    %get3A_547 = arith.constant 0 : index
    %get3A_548 = vector.load %arg3[%get3A_546, %get3A_547] : memref<16x192xbf16, #tpu.memory_space<vmem>>, vector<1x192xbf16>
    %mul3A_549 = vector.broadcast %get3A_548 : vector<1x192xbf16> to vector<256x192xbf16>
    %mul3A_550 = arith.mulf %convert_element_type3A_502, %mul3A_549 : vector<256x192xbf16>
    %dot_general3A_551 = arith.constant dense<0.000000e+00> : vector<256x256xf32>
    %dot_general3A_552 = tpu.matmul %convert_element_type3A_500, %mul3A_550, %dot_general3A_551 {dimension_numbers = #tpu.dot_dimension_numbers<[1], [1], [0], [0], [0, 0, 1, 0], [], []>, transpose_lhs_hint = false} : vector<256x192xbf16>, vector<256x192xbf16>, vector<256x256xf32> -> vector<256x256xf32>
    %slice3A_553 = vector.extract_strided_slice %get3A_2 {offsets = [2, 0, 0], sizes = [1, 256, 256], strides = [1, 1, 1]} : vector<6x256x256xf32> to vector<1x256x256xf32>
    %squeeze3A_554 = vector.shape_cast %slice3A_553 : vector<1x256x256xf32> to vector<256x256xf32>
    %add3A_555 = arith.addf %dot_general3A_552, %squeeze3A_554 : vector<256x256xf32>
    %exp3A_556 = math.exp %add3A_555 : vector<256x256xf32>
    %convert_element_type3A_557 = arith.truncf %exp3A_556 : vector<256x256xf32> to vector<256x256xbf16>
    %mul3A_558 = vector.broadcast %get3A_548 : vector<1x192xbf16> to vector<256x192xbf16>
    %mul3A_559 = arith.mulf %convert_element_type3A_504, %mul3A_558 : vector<256x192xbf16>
    %swap3A_560 = arith.constant 3 : index
    %swap3A_561 = arith.constant 512 : index
    %swap3A_562 = arith.constant 0 : index
    %swap3A_563 = vector.load %arg9[%swap3A_560, %swap3A_561, %swap3A_562] : memref<12x1536x192xbf16, #tpu.memory_space<vmem>>, vector<1x256x192xbf16>
    %swap3A_564 = vector.shape_cast %swap3A_563 : vector<1x256x192xbf16> to vector<256x192xbf16>
    %swap3A_565 = vector.shape_cast %mul3A_559 : vector<256x192xbf16> to vector<1x256x192xbf16>
    tpu.vector_store %arg9[%swap3A_560, %swap3A_561, %swap3A_562], %swap3A_565 {strides = array<i32>} : memref<12x1536x192xbf16, #tpu.memory_space<vmem>>, vector<1x256x192xbf16>,
    %get3A_566 = arith.constant 3 : index
    %get3A_567 = arith.constant 0 : index
    %get3A_568 = vector.load %arg3[%get3A_566, %get3A_567] : memref<16x192xbf16, #tpu.memory_space<vmem>>, vector<1x192xbf16>
    %mul3A_569 = vector.broadcast %get3A_568 : vector<1x192xbf16> to vector<256x192xbf16>
    %mul3A_570 = arith.mulf %convert_element_type3A_502, %mul3A_569 : vector<256x192xbf16>
    %dot_general3A_571 = arith.constant dense<0.000000e+00> : vector<256x256xf32>
    %dot_general3A_572 = tpu.matmul %convert_element_type3A_500, %mul3A_570, %dot_general3A_571 {dimension_numbers = #tpu.dot_dimension_numbers<[1], [1], [0], [0], [0, 0, 1, 0], [], []>, transpose_lhs_hint = false} : vector<256x192xbf16>, vector<256x192xbf16>, vector<256x256xf32> -> vector<256x256xf32>
    %slice3A_573 = vector.extract_strided_slice %get3A_2 {offsets = [3, 0, 0], sizes = [1, 256, 256], strides = [1, 1, 1]} : vector<6x256x256xf32> to vector<1x256x256xf32>
    %squeeze3A_574 = vector.shape_cast %slice3A_573 : vector<1x256x256xf32> to vector<256x256xf32>
    %add3A_575 = arith.addf %dot_general3A_572, %squeeze3A_574 : vector<256x256xf32>
    %exp3A_576 = math.exp %add3A_575 : vector<256x256xf32>
    %convert_element_type3A_577 = arith.truncf %exp3A_576 : vector<256x256xf32> to vector<256x256xbf16>
    %mul3A_578 = vector.broadcast %get3A_568 : vector<1x192xbf16> to vector<256x192xbf16>
    %mul3A_579 = arith.mulf %convert_element_type3A_504, %mul3A_578 : vector<256x192xbf16>
    %swap3A_580 = arith.constant 3 : index
    %swap3A_581 = arith.constant 768 : index
    %swap3A_582 = arith.constant 0 : index
    %swap3A_583 = vector.load %arg9[%swap3A_580, %swap3A_581, %swap3A_582] : memref<12x1536x192xbf16, #tpu.memory_space<vmem>>, vector<1x256x192xbf16>
    %swap3A_584 = vector.shape_cast %swap3A_583 : vector<1x256x192xbf16> to vector<256x192xbf16>
    %swap3A_585 = vector.shape_cast %mul3A_579 : vector<256x192xbf16> to vector<1x256x192xbf16>
    tpu.vector_store %arg9[%swap3A_580, %swap3A_581, %swap3A_582], %swap3A_585 {strides = array<i32>} : memref<12x1536x192xbf16, #tpu.memory_space<vmem>>, vector<1x256x192xbf16>,
    %get3A_586 = arith.constant 4 : index
    %get3A_587 = arith.constant 0 : index
    %get3A_588 = vector.load %arg3[%get3A_586, %get3A_587] : memref<16x192xbf16, #tpu.memory_space<vmem>>, vector<1x192xbf16>
    %mul3A_589 = vector.broadcast %get3A_588 : vector<1x192xbf16> to vector<256x192xbf16>
    %mul3A_590 = arith.mulf %convert_element_type3A_502, %mul3A_589 : vector<256x192xbf16>
    %dot_general3A_591 = arith.constant dense<0.000000e+00> : vector<256x256xf32>
    %dot_general3A_592 = tpu.matmul %convert_element_type3A_500, %mul3A_590, %dot_general3A_591 {dimension_numbers = #tpu.dot_dimension_numbers<[1], [1], [0], [0], [0, 0, 1, 0], [], []>, transpose_lhs_hint = false} : vector<256x192xbf16>, vector<256x192xbf16>, vector<256x256xf32> -> vector<256x256xf32>
    %slice3A_593 = vector.extract_strided_slice %get3A_2 {offsets = [4, 0, 0], sizes = [1, 256, 256], strides = [1, 1, 1]} : vector<6x256x256xf32> to vector<1x256x256xf32>
    %squeeze3A_594 = vector.shape_cast %slice3A_593 : vector<1x256x256xf32> to vector<256x256xf32>
    %add3A_595 = arith.addf %dot_general3A_592, %squeeze3A_594 : vector<256x256xf32>
    %exp3A_596 = math.exp %add3A_595 : vector<256x256xf32>
    %convert_element_type3A_597 = arith.truncf %exp3A_596 : vector<256x256xf32> to vector<256x256xbf16>
    %mul3A_598 = vector.broadcast %get3A_588 : vector<1x192xbf16> to vector<256x192xbf16>
    %mul3A_599 = arith.mulf %convert_element_type3A_504, %mul3A_598 : vector<256x192xbf16>
    %swap3A_600 = arith.constant 3 : index
    %swap3A_601 = arith.constant 1024 : index
    %swap3A_602 = arith.constant 0 : index
    %swap3A_603 = vector.load %arg9[%swap3A_600, %swap3A_601, %swap3A_602] : memref<12x1536x192xbf16, #tpu.memory_space<vmem>>, vector<1x256x192xbf16>
    %swap3A_604 = vector.shape_cast %swap3A_603 : vector<1x256x192xbf16> to vector<256x192xbf16>
    %swap3A_605 = vector.shape_cast %mul3A_599 : vector<256x192xbf16> to vector<1x256x192xbf16>
    tpu.vector_store %arg9[%swap3A_600, %swap3A_601, %swap3A_602], %swap3A_605 {strides = array<i32>} : memref<12x1536x192xbf16, #tpu.memory_space<vmem>>, vector<1x256x192xbf16>,
    %get3A_606 = arith.constant 5 : index
    %get3A_607 = arith.constant 0 : index
    %get3A_608 = vector.load %arg3[%get3A_606, %get3A_607] : memref<16x192xbf16, #tpu.memory_space<vmem>>, vector<1x192xbf16>
    %mul3A_609 = vector.broadcast %get3A_608 : vector<1x192xbf16> to vector<256x192xbf16>
    %mul3A_610 = arith.mulf %convert_element_type3A_502, %mul3A_609 : vector<256x192xbf16>
    %dot_general3A_611 = arith.constant dense<0.000000e+00> : vector<256x256xf32>
    %dot_general3A_612 = tpu.matmul %convert_element_type3A_500, %mul3A_610, %dot_general3A_611 {dimension_numbers = #tpu.dot_dimension_numbers<[1], [1], [0], [0], [0, 0, 1, 0], [], []>, transpose_lhs_hint = false} : vector<256x192xbf16>, vector<256x192xbf16>, vector<256x256xf32> -> vector<256x256xf32>
    %slice3A_613 = vector.extract_strided_slice %get3A_2 {offsets = [5, 0, 0], sizes = [1, 256, 256], strides = [1, 1, 1]} : vector<6x256x256xf32> to vector<1x256x256xf32>
    %squeeze3A_614 = vector.shape_cast %slice3A_613 : vector<1x256x256xf32> to vector<256x256xf32>
    %add3A_615 = arith.addf %dot_general3A_612, %squeeze3A_614 : vector<256x256xf32>
    %exp3A_616 = math.exp %add3A_615 : vector<256x256xf32>
    %convert_element_type3A_617 = arith.truncf %exp3A_616 : vector<256x256xf32> to vector<256x256xbf16>
    %mul3A_618 = vector.broadcast %get3A_608 : vector<1x192xbf16> to vector<256x192xbf16>
    %mul3A_619 = arith.mulf %convert_element_type3A_504, %mul3A_618 : vector<256x192xbf16>
    %swap3A_620 = arith.constant 3 : index
    %swap3A_621 = arith.constant 1280 : index
    %swap3A_622 = arith.constant 0 : index
    %swap3A_623 = vector.load %arg9[%swap3A_620, %swap3A_621, %swap3A_622] : memref<12x1536x192xbf16, #tpu.memory_space<vmem>>, vector<1x256x192xbf16>
    %swap3A_624 = vector.shape_cast %swap3A_623 : vector<1x256x192xbf16> to vector<256x192xbf16>
    %swap3A_625 = vector.shape_cast %mul3A_619 : vector<256x192xbf16> to vector<1x256x192xbf16>
    tpu.vector_store %arg9[%swap3A_620, %swap3A_621, %swap3A_622], %swap3A_625 {strides = array<i32>} : memref<12x1536x192xbf16, #tpu.memory_space<vmem>>, vector<1x256x192xbf16>,
    %concatenate3A_626 = tpu.concatenate %convert_element_type3A_517, %convert_element_type3A_537, %convert_element_type3A_557, %convert_element_type3A_577, %convert_element_type3A_597, %convert_element_type3A_617 in 1 : vector<256x256xbf16>, vector<256x256xbf16>, vector<256x256xbf16>, vector<256x256xbf16>, vector<256x256xbf16>, vector<256x256xbf16> -> vector<256x1536xbf16>
    %get3A_627 = arith.constant 3 : index
    %get3A_628 = arith.constant 0 : index
    %get3A_629 = arith.constant 0 : index
    %get3A_630 = vector.load %arg9[%get3A_627, %get3A_628, %get3A_629] : memref<12x1536x192xbf16, #tpu.memory_space<vmem>>, vector<1x1536x192xbf16>
    %get3A_631 = vector.shape_cast %get3A_630 : vector<1x1536x192xbf16> to vector<1536x192xbf16>
    %dot_general3A_632 = arith.constant dense<0.000000e+00> : vector<256x192xf32>
    %dot_general3A_633 = tpu.matmul %concatenate3A_626, %get3A_631, %dot_general3A_632 {dimension_numbers = #tpu.dot_dimension_numbers<[1], [0], [0], [1], [0, 0, 1, 1], [], []>, transpose_lhs_hint = false} : vector<256x1536xbf16>, vector<1536x192xbf16>, vector<256x192xf32> -> vector<256x192xf32>
    %dot_general3A_634 = arith.constant dense<0.000000e+00> : vector<256x16xf32>
    %dot_general3A_635 = tpu.matmul %concatenate3A_626, %get3A_14, %dot_general3A_634 {dimension_numbers = #tpu.dot_dimension_numbers<[1], [0], [0], [1], [0, 0, 1, 1], [], []>, transpose_lhs_hint = false} : vector<256x1536xbf16>, vector<1536x16xbf16>, vector<256x16xf32> -> vector<256x16xf32>
    %div3A_636 = arith.constant 1.000000e+00 : f32
    %div3A_637 = vector.broadcast %div3A_636 : f32 to vector<256x16xf32>
    %div3A_638 = arith.divf %div3A_637, %dot_general3A_635 : vector<256x16xf32>
    %dot_general3A_639 = arith.constant dense<0.000000e+00> : vector<256x192xf32>
    %dot_general3A_640 = tpu.matmul %div3A_638, %get3A_11, %dot_general3A_639 {dimension_numbers = #tpu.dot_dimension_numbers<[1], [0], [0], [1], [0, 0, 1, 1], [], []>, transpose_lhs_hint = false} : vector<256x16xf32>, vector<16x192xf32>, vector<256x192xf32> -> vector<256x192xf32>
    %mul3A_641 = arith.mulf %dot_general3A_633, %dot_general3A_640 : vector<256x192xf32>
    %add3A_642 = arith.addf %slice3A_505, %mul3A_641 : vector<256x192xf32>
    %dot_general3A_643 = arith.constant dense<0.000000e+00> : vector<256x192xf32>
    %dot_general3A_644 = tpu.matmul %add3A_642, %get3A_5, %dot_general3A_643 {dimension_numbers = #tpu.dot_dimension_numbers<[1], [1], [0], [0], [0, 0, 1, 0], [], []>, transpose_lhs_hint = false} : vector<256x192xf32>, vector<192x192xf32>, vector<256x192xf32> -> vector<256x192xf32>
    %add3A_645 = vector.broadcast %get3A_8 : vector<1x192xf32> to vector<256x192xf32>
    %add3A_646 = arith.addf %dot_general3A_644, %add3A_645 : vector<256x192xf32>
    %swap3A_647 = arith.constant 3 : index
    %swap3A_648 = arith.constant 0 : index
    %swap3A_649 = arith.constant 0 : index
    %swap3A_650 = vector.load %arg8[%swap3A_647, %swap3A_648, %swap3A_649] : memref<12x256x192xf32, #tpu.memory_space<vmem>>, vector<1x256x192xf32>
    %swap3A_651 = vector.shape_cast %swap3A_650 : vector<1x256x192xf32> to vector<256x192xf32>
    %swap3A_652 = vector.shape_cast %add3A_646 : vector<256x192xf32> to vector<1x256x192xf32>
    tpu.vector_store %arg8[%swap3A_647, %swap3A_648, %swap3A_649], %swap3A_652 {strides = array<i32>} : memref<12x256x192xf32, #tpu.memory_space<vmem>>, vector<1x256x192xf32>,
    %get3A_653 = arith.constant 4 : index
    %get3A_654 = arith.constant 0 : index
    %get3A_655 = arith.constant 0 : index
    %get3A_656 = vector.load %arg1[%get3A_653, %get3A_654, %get3A_655] : memref<12x256x768xf32, #tpu.memory_space<vmem>>, vector<1x256x768xf32>
    %get3A_657 = vector.shape_cast %get3A_656 : vector<1x256x768xf32> to vector<256x768xf32>
    %slice3A_658 = vector.extract_strided_slice %get3A_657 {offsets = [0, 0], sizes = [256, 192], strides = [1, 1]} : vector<256x768xf32> to vector<256x192xf32>
    %mul3A_659 = arith.constant 0.176776692 : f32
    %mul3A_660 = vector.broadcast %mul3A_659 : f32 to vector<256x192xf32>
    %mul3A_661 = arith.mulf %slice3A_658, %mul3A_660 : vector<256x192xf32>
    %convert_element_type3A_662 = arith.truncf %mul3A_661 : vector<256x192xf32> to vector<256x192xbf16>
    %slice3A_663 = vector.extract_strided_slice %get3A_657 {offsets = [0, 192], sizes = [256, 192], strides = [1, 1]} : vector<256x768xf32> to vector<256x192xf32>
    %convert_element_type3A_664 = arith.truncf %slice3A_663 : vector<256x192xf32> to vector<256x192xbf16>
    %slice3A_665 = vector.extract_strided_slice %get3A_657 {offsets = [0, 384], sizes = [256, 192], strides = [1, 1]} : vector<256x768xf32> to vector<256x192xf32>
    %convert_element_type3A_666 = arith.truncf %slice3A_665 : vector<256x192xf32> to vector<256x192xbf16>
    %slice3A_667 = vector.extract_strided_slice %get3A_657 {offsets = [0, 576], sizes = [256, 192], strides = [1, 1]} : vector<256x768xf32> to vector<256x192xf32>
    %get3A_668 = arith.constant 0 : index
    %get3A_669 = arith.constant 0 : index
    %get3A_670 = vector.load %arg3[%get3A_668, %get3A_669] : memref<16x192xbf16, #tpu.memory_space<vmem>>, vector<1x192xbf16>
    %mul3A_671 = vector.broadcast %get3A_670 : vector<1x192xbf16> to vector<256x192xbf16>
    %mul3A_672 = arith.mulf %convert_element_type3A_664, %mul3A_671 : vector<256x192xbf16>
    %dot_general3A_673 = arith.constant dense<0.000000e+00> : vector<256x256xf32>
    %dot_general3A_674 = tpu.matmul %convert_element_type3A_662, %mul3A_672, %dot_general3A_673 {dimension_numbers = #tpu.dot_dimension_numbers<[1], [1], [0], [0], [0, 0, 1, 0], [], []>, transpose_lhs_hint = false} : vector<256x192xbf16>, vector<256x192xbf16>, vector<256x256xf32> -> vector<256x256xf32>
    %slice3A_675 = vector.extract_strided_slice %get3A_2 {offsets = [0, 0, 0], sizes = [1, 256, 256], strides = [1, 1, 1]} : vector<6x256x256xf32> to vector<1x256x256xf32>
    %squeeze3A_676 = vector.shape_cast %slice3A_675 : vector<1x256x256xf32> to vector<256x256xf32>
    %add3A_677 = arith.addf %dot_general3A_674, %squeeze3A_676 : vector<256x256xf32>
    %exp3A_678 = math.exp %add3A_677 : vector<256x256xf32>
    %convert_element_type3A_679 = arith.truncf %exp3A_678 : vector<256x256xf32> to vector<256x256xbf16>
    %mul3A_680 = vector.broadcast %get3A_670 : vector<1x192xbf16> to vector<256x192xbf16>
    %mul3A_681 = arith.mulf %convert_element_type3A_666, %mul3A_680 : vector<256x192xbf16>
    %swap3A_682 = arith.constant 4 : index
    %swap3A_683 = arith.constant 0 : index
    %swap3A_684 = arith.constant 0 : index
    %swap3A_685 = vector.load %arg9[%swap3A_682, %swap3A_683, %swap3A_684] : memref<12x1536x192xbf16, #tpu.memory_space<vmem>>, vector<1x256x192xbf16>
    %swap3A_686 = vector.shape_cast %swap3A_685 : vector<1x256x192xbf16> to vector<256x192xbf16>
    %swap3A_687 = vector.shape_cast %mul3A_681 : vector<256x192xbf16> to vector<1x256x192xbf16>
    tpu.vector_store %arg9[%swap3A_682, %swap3A_683, %swap3A_684], %swap3A_687 {strides = array<i32>} : memref<12x1536x192xbf16, #tpu.memory_space<vmem>>, vector<1x256x192xbf16>,
    %get3A_688 = arith.constant 1 : index
    %get3A_689 = arith.constant 0 : index
    %get3A_690 = vector.load %arg3[%get3A_688, %get3A_689] : memref<16x192xbf16, #tpu.memory_space<vmem>>, vector<1x192xbf16>
    %mul3A_691 = vector.broadcast %get3A_690 : vector<1x192xbf16> to vector<256x192xbf16>
    %mul3A_692 = arith.mulf %convert_element_type3A_664, %mul3A_691 : vector<256x192xbf16>
    %dot_general3A_693 = arith.constant dense<0.000000e+00> : vector<256x256xf32>
    %dot_general3A_694 = tpu.matmul %convert_element_type3A_662, %mul3A_692, %dot_general3A_693 {dimension_numbers = #tpu.dot_dimension_numbers<[1], [1], [0], [0], [0, 0, 1, 0], [], []>, transpose_lhs_hint = false} : vector<256x192xbf16>, vector<256x192xbf16>, vector<256x256xf32> -> vector<256x256xf32>
    %slice3A_695 = vector.extract_strided_slice %get3A_2 {offsets = [1, 0, 0], sizes = [1, 256, 256], strides = [1, 1, 1]} : vector<6x256x256xf32> to vector<1x256x256xf32>
    %squeeze3A_696 = vector.shape_cast %slice3A_695 : vector<1x256x256xf32> to vector<256x256xf32>
    %add3A_697 = arith.addf %dot_general3A_694, %squeeze3A_696 : vector<256x256xf32>
    %exp3A_698 = math.exp %add3A_697 : vector<256x256xf32>
    %convert_element_type3A_699 = arith.truncf %exp3A_698 : vector<256x256xf32> to vector<256x256xbf16>
    %mul3A_700 = vector.broadcast %get3A_690 : vector<1x192xbf16> to vector<256x192xbf16>
    %mul3A_701 = arith.mulf %convert_element_type3A_666, %mul3A_700 : vector<256x192xbf16>
    %swap3A_702 = arith.constant 4 : index
    %swap3A_703 = arith.constant 256 : index
    %swap3A_704 = arith.constant 0 : index
    %swap3A_705 = vector.load %arg9[%swap3A_702, %swap3A_703, %swap3A_704] : memref<12x1536x192xbf16, #tpu.memory_space<vmem>>, vector<1x256x192xbf16>
    %swap3A_706 = vector.shape_cast %swap3A_705 : vector<1x256x192xbf16> to vector<256x192xbf16>
    %swap3A_707 = vector.shape_cast %mul3A_701 : vector<256x192xbf16> to vector<1x256x192xbf16>
    tpu.vector_store %arg9[%swap3A_702, %swap3A_703, %swap3A_704], %swap3A_707 {strides = array<i32>} : memref<12x1536x192xbf16, #tpu.memory_space<vmem>>, vector<1x256x192xbf16>,
    %get3A_708 = arith.constant 2 : index
    %get3A_709 = arith.constant 0 : index
    %get3A_710 = vector.load %arg3[%get3A_708, %get3A_709] : memref<16x192xbf16, #tpu.memory_space<vmem>>, vector<1x192xbf16>
    %mul3A_711 = vector.broadcast %get3A_710 : vector<1x192xbf16> to vector<256x192xbf16>
    %mul3A_712 = arith.mulf %convert_element_type3A_664, %mul3A_711 : vector<256x192xbf16>
    %dot_general3A_713 = arith.constant dense<0.000000e+00> : vector<256x256xf32>
    %dot_general3A_714 = tpu.matmul %convert_element_type3A_662, %mul3A_712, %dot_general3A_713 {dimension_numbers = #tpu.dot_dimension_numbers<[1], [1], [0], [0], [0, 0, 1, 0], [], []>, transpose_lhs_hint = false} : vector<256x192xbf16>, vector<256x192xbf16>, vector<256x256xf32> -> vector<256x256xf32>
    %slice3A_715 = vector.extract_strided_slice %get3A_2 {offsets = [2, 0, 0], sizes = [1, 256, 256], strides = [1, 1, 1]} : vector<6x256x256xf32> to vector<1x256x256xf32>
    %squeeze3A_716 = vector.shape_cast %slice3A_715 : vector<1x256x256xf32> to vector<256x256xf32>
    %add3A_717 = arith.addf %dot_general3A_714, %squeeze3A_716 : vector<256x256xf32>
    %exp3A_718 = math.exp %add3A_717 : vector<256x256xf32>
    %convert_element_type3A_719 = arith.truncf %exp3A_718 : vector<256x256xf32> to vector<256x256xbf16>
    %mul3A_720 = vector.broadcast %get3A_710 : vector<1x192xbf16> to vector<256x192xbf16>
    %mul3A_721 = arith.mulf %convert_element_type3A_666, %mul3A_720 : vector<256x192xbf16>
    %swap3A_722 = arith.constant 4 : index
    %swap3A_723 = arith.constant 512 : index
    %swap3A_724 = arith.constant 0 : index
    %swap3A_725 = vector.load %arg9[%swap3A_722, %swap3A_723, %swap3A_724] : memref<12x1536x192xbf16, #tpu.memory_space<vmem>>, vector<1x256x192xbf16>
    %swap3A_726 = vector.shape_cast %swap3A_725 : vector<1x256x192xbf16> to vector<256x192xbf16>
    %swap3A_727 = vector.shape_cast %mul3A_721 : vector<256x192xbf16> to vector<1x256x192xbf16>
    tpu.vector_store %arg9[%swap3A_722, %swap3A_723, %swap3A_724], %swap3A_727 {strides = array<i32>} : memref<12x1536x192xbf16, #tpu.memory_space<vmem>>, vector<1x256x192xbf16>,
    %get3A_728 = arith.constant 3 : index
    %get3A_729 = arith.constant 0 : index
    %get3A_730 = vector.load %arg3[%get3A_728, %get3A_729] : memref<16x192xbf16, #tpu.memory_space<vmem>>, vector<1x192xbf16>
    %mul3A_731 = vector.broadcast %get3A_730 : vector<1x192xbf16> to vector<256x192xbf16>
    %mul3A_732 = arith.mulf %convert_element_type3A_664, %mul3A_731 : vector<256x192xbf16>
    %dot_general3A_733 = arith.constant dense<0.000000e+00> : vector<256x256xf32>
    %dot_general3A_734 = tpu.matmul %convert_element_type3A_662, %mul3A_732, %dot_general3A_733 {dimension_numbers = #tpu.dot_dimension_numbers<[1], [1], [0], [0], [0, 0, 1, 0], [], []>, transpose_lhs_hint = false} : vector<256x192xbf16>, vector<256x192xbf16>, vector<256x256xf32> -> vector<256x256xf32>
    %slice3A_735 = vector.extract_strided_slice %get3A_2 {offsets = [3, 0, 0], sizes = [1, 256, 256], strides = [1, 1, 1]} : vector<6x256x256xf32> to vector<1x256x256xf32>
    %squeeze3A_736 = vector.shape_cast %slice3A_735 : vector<1x256x256xf32> to vector<256x256xf32>
    %add3A_737 = arith.addf %dot_general3A_734, %squeeze3A_736 : vector<256x256xf32>
    %exp3A_738 = math.exp %add3A_737 : vector<256x256xf32>
    %convert_element_type3A_739 = arith.truncf %exp3A_738 : vector<256x256xf32> to vector<256x256xbf16>
    %mul3A_740 = vector.broadcast %get3A_730 : vector<1x192xbf16> to vector<256x192xbf16>
    %mul3A_741 = arith.mulf %convert_element_type3A_666, %mul3A_740 : vector<256x192xbf16>
    %swap3A_742 = arith.constant 4 : index
    %swap3A_743 = arith.constant 768 : index
    %swap3A_744 = arith.constant 0 : index
    %swap3A_745 = vector.load %arg9[%swap3A_742, %swap3A_743, %swap3A_744] : memref<12x1536x192xbf16, #tpu.memory_space<vmem>>, vector<1x256x192xbf16>
    %swap3A_746 = vector.shape_cast %swap3A_745 : vector<1x256x192xbf16> to vector<256x192xbf16>
    %swap3A_747 = vector.shape_cast %mul3A_741 : vector<256x192xbf16> to vector<1x256x192xbf16>
    tpu.vector_store %arg9[%swap3A_742, %swap3A_743, %swap3A_744], %swap3A_747 {strides = array<i32>} : memref<12x1536x192xbf16, #tpu.memory_space<vmem>>, vector<1x256x192xbf16>,
    %get3A_748 = arith.constant 4 : index
    %get3A_749 = arith.constant 0 : index
    %get3A_750 = vector.load %arg3[%get3A_748, %get3A_749] : memref<16x192xbf16, #tpu.memory_space<vmem>>, vector<1x192xbf16>
    %mul3A_751 = vector.broadcast %get3A_750 : vector<1x192xbf16> to vector<256x192xbf16>
    %mul3A_752 = arith.mulf %convert_element_type3A_664, %mul3A_751 : vector<256x192xbf16>
    %dot_general3A_753 = arith.constant dense<0.000000e+00> : vector<256x256xf32>
    %dot_general3A_754 = tpu.matmul %convert_element_type3A_662, %mul3A_752, %dot_general3A_753 {dimension_numbers = #tpu.dot_dimension_numbers<[1], [1], [0], [0], [0, 0, 1, 0], [], []>, transpose_lhs_hint = false} : vector<256x192xbf16>, vector<256x192xbf16>, vector<256x256xf32> -> vector<256x256xf32>
    %slice3A_755 = vector.extract_strided_slice %get3A_2 {offsets = [4, 0, 0], sizes = [1, 256, 256], strides = [1, 1, 1]} : vector<6x256x256xf32> to vector<1x256x256xf32>
    %squeeze3A_756 = vector.shape_cast %slice3A_755 : vector<1x256x256xf32> to vector<256x256xf32>
    %add3A_757 = arith.addf %dot_general3A_754, %squeeze3A_756 : vector<256x256xf32>
    %exp3A_758 = math.exp %add3A_757 : vector<256x256xf32>
    %convert_element_type3A_759 = arith.truncf %exp3A_758 : vector<256x256xf32> to vector<256x256xbf16>
    %mul3A_760 = vector.broadcast %get3A_750 : vector<1x192xbf16> to vector<256x192xbf16>
    %mul3A_761 = arith.mulf %convert_element_type3A_666, %mul3A_760 : vector<256x192xbf16>
    %swap3A_762 = arith.constant 4 : index
    %swap3A_763 = arith.constant 1024 : index
    %swap3A_764 = arith.constant 0 : index
    %swap3A_765 = vector.load %arg9[%swap3A_762, %swap3A_763, %swap3A_764] : memref<12x1536x192xbf16, #tpu.memory_space<vmem>>, vector<1x256x192xbf16>
    %swap3A_766 = vector.shape_cast %swap3A_765 : vector<1x256x192xbf16> to vector<256x192xbf16>
    %swap3A_767 = vector.shape_cast %mul3A_761 : vector<256x192xbf16> to vector<1x256x192xbf16>
    tpu.vector_store %arg9[%swap3A_762, %swap3A_763, %swap3A_764], %swap3A_767 {strides = array<i32>} : memref<12x1536x192xbf16, #tpu.memory_space<vmem>>, vector<1x256x192xbf16>,
    %get3A_768 = arith.constant 5 : index
    %get3A_769 = arith.constant 0 : index
    %get3A_770 = vector.load %arg3[%get3A_768, %get3A_769] : memref<16x192xbf16, #tpu.memory_space<vmem>>, vector<1x192xbf16>
    %mul3A_771 = vector.broadcast %get3A_770 : vector<1x192xbf16> to vector<256x192xbf16>
    %mul3A_772 = arith.mulf %convert_element_type3A_664, %mul3A_771 : vector<256x192xbf16>
    %dot_general3A_773 = arith.constant dense<0.000000e+00> : vector<256x256xf32>
    %dot_general3A_774 = tpu.matmul %convert_element_type3A_662, %mul3A_772, %dot_general3A_773 {dimension_numbers = #tpu.dot_dimension_numbers<[1], [1], [0], [0], [0, 0, 1, 0], [], []>, transpose_lhs_hint = false} : vector<256x192xbf16>, vector<256x192xbf16>, vector<256x256xf32> -> vector<256x256xf32>
    %slice3A_775 = vector.extract_strided_slice %get3A_2 {offsets = [5, 0, 0], sizes = [1, 256, 256], strides = [1, 1, 1]} : vector<6x256x256xf32> to vector<1x256x256xf32>
    %squeeze3A_776 = vector.shape_cast %slice3A_775 : vector<1x256x256xf32> to vector<256x256xf32>
    %add3A_777 = arith.addf %dot_general3A_774, %squeeze3A_776 : vector<256x256xf32>
    %exp3A_778 = math.exp %add3A_777 : vector<256x256xf32>
    %convert_element_type3A_779 = arith.truncf %exp3A_778 : vector<256x256xf32> to vector<256x256xbf16>
    %mul3A_780 = vector.broadcast %get3A_770 : vector<1x192xbf16> to vector<256x192xbf16>
    %mul3A_781 = arith.mulf %convert_element_type3A_666, %mul3A_780 : vector<256x192xbf16>
    %swap3A_782 = arith.constant 4 : index
    %swap3A_783 = arith.constant 1280 : index
    %swap3A_784 = arith.constant 0 : index
    %swap3A_785 = vector.load %arg9[%swap3A_782, %swap3A_783, %swap3A_784] : memref<12x1536x192xbf16, #tpu.memory_space<vmem>>, vector<1x256x192xbf16>
    %swap3A_786 = vector.shape_cast %swap3A_785 : vector<1x256x192xbf16> to vector<256x192xbf16>
    %swap3A_787 = vector.shape_cast %mul3A_781 : vector<256x192xbf16> to vector<1x256x192xbf16>
    tpu.vector_store %arg9[%swap3A_782, %swap3A_783, %swap3A_784], %swap3A_787 {strides = array<i32>} : memref<12x1536x192xbf16, #tpu.memory_space<vmem>>, vector<1x256x192xbf16>,
    %concatenate3A_788 = tpu.concatenate %convert_element_type3A_679, %convert_element_type3A_699, %convert_element_type3A_719, %convert_element_type3A_739, %convert_element_type3A_759, %convert_element_type3A_779 in 1 : vector<256x256xbf16>, vector<256x256xbf16>, vector<256x256xbf16>, vector<256x256xbf16>, vector<256x256xbf16>, vector<256x256xbf16> -> vector<256x1536xbf16>
    %get3A_789 = arith.constant 4 : index
    %get3A_790 = arith.constant 0 : index
    %get3A_791 = arith.constant 0 : index
    %get3A_792 = vector.load %arg9[%get3A_789, %get3A_790, %get3A_791] : memref<12x1536x192xbf16, #tpu.memory_space<vmem>>, vector<1x1536x192xbf16>
    %get3A_793 = vector.shape_cast %get3A_792 : vector<1x1536x192xbf16> to vector<1536x192xbf16>
    %dot_general3A_794 = arith.constant dense<0.000000e+00> : vector<256x192xf32>
    %dot_general3A_795 = tpu.matmul %concatenate3A_788, %get3A_793, %dot_general3A_794 {dimension_numbers = #tpu.dot_dimension_numbers<[1], [0], [0], [1], [0, 0, 1, 1], [], []>, transpose_lhs_hint = false} : vector<256x1536xbf16>, vector<1536x192xbf16>, vector<256x192xf32> -> vector<256x192xf32>
    %dot_general3A_796 = arith.constant dense<0.000000e+00> : vector<256x16xf32>
    %dot_general3A_797 = tpu.matmul %concatenate3A_788, %get3A_14, %dot_general3A_796 {dimension_numbers = #tpu.dot_dimension_numbers<[1], [0], [0], [1], [0, 0, 1, 1], [], []>, transpose_lhs_hint = false} : vector<256x1536xbf16>, vector<1536x16xbf16>, vector<256x16xf32> -> vector<256x16xf32>
    %div3A_798 = arith.constant 1.000000e+00 : f32
    %div3A_799 = vector.broadcast %div3A_798 : f32 to vector<256x16xf32>
    %div3A_800 = arith.divf %div3A_799, %dot_general3A_797 : vector<256x16xf32>
    %dot_general3A_801 = arith.constant dense<0.000000e+00> : vector<256x192xf32>
    %dot_general3A_802 = tpu.matmul %div3A_800, %get3A_11, %dot_general3A_801 {dimension_numbers = #tpu.dot_dimension_numbers<[1], [0], [0], [1], [0, 0, 1, 1], [], []>, transpose_lhs_hint = false} : vector<256x16xf32>, vector<16x192xf32>, vector<256x192xf32> -> vector<256x192xf32>
    %mul3A_803 = arith.mulf %dot_general3A_795, %dot_general3A_802 : vector<256x192xf32>
    %add3A_804 = arith.addf %slice3A_667, %mul3A_803 : vector<256x192xf32>
    %dot_general3A_805 = arith.constant dense<0.000000e+00> : vector<256x192xf32>
    %dot_general3A_806 = tpu.matmul %add3A_804, %get3A_5, %dot_general3A_805 {dimension_numbers = #tpu.dot_dimension_numbers<[1], [1], [0], [0], [0, 0, 1, 0], [], []>, transpose_lhs_hint = false} : vector<256x192xf32>, vector<192x192xf32>, vector<256x192xf32> -> vector<256x192xf32>
    %add3A_807 = vector.broadcast %get3A_8 : vector<1x192xf32> to vector<256x192xf32>
    %add3A_808 = arith.addf %dot_general3A_806, %add3A_807 : vector<256x192xf32>
    %swap3A_809 = arith.constant 4 : index
    %swap3A_810 = arith.constant 0 : index
    %swap3A_811 = arith.constant 0 : index
    %swap3A_812 = vector.load %arg8[%swap3A_809, %swap3A_810, %swap3A_811] : memref<12x256x192xf32, #tpu.memory_space<vmem>>, vector<1x256x192xf32>
    %swap3A_813 = vector.shape_cast %swap3A_812 : vector<1x256x192xf32> to vector<256x192xf32>
    %swap3A_814 = vector.shape_cast %add3A_808 : vector<256x192xf32> to vector<1x256x192xf32>
    tpu.vector_store %arg8[%swap3A_809, %swap3A_810, %swap3A_811], %swap3A_814 {strides = array<i32>} : memref<12x256x192xf32, #tpu.memory_space<vmem>>, vector<1x256x192xf32>,
    %get3A_815 = arith.constant 5 : index
    %get3A_816 = arith.constant 0 : index
    %get3A_817 = arith.constant 0 : index
    %get3A_818 = vector.load %arg1[%get3A_815, %get3A_816, %get3A_817] : memref<12x256x768xf32, #tpu.memory_space<vmem>>, vector<1x256x768xf32>
    %get3A_819 = vector.shape_cast %get3A_818 : vector<1x256x768xf32> to vector<256x768xf32>
    %slice3A_820 = vector.extract_strided_slice %get3A_819 {offsets = [0, 0], sizes = [256, 192], strides = [1, 1]} : vector<256x768xf32> to vector<256x192xf32>
    %mul3A_821 = arith.constant 0.176776692 : f32
    %mul3A_822 = vector.broadcast %mul3A_821 : f32 to vector<256x192xf32>
    %mul3A_823 = arith.mulf %slice3A_820, %mul3A_822 : vector<256x192xf32>
    %convert_element_type3A_824 = arith.truncf %mul3A_823 : vector<256x192xf32> to vector<256x192xbf16>
    %slice3A_825 = vector.extract_strided_slice %get3A_819 {offsets = [0, 192], sizes = [256, 192], strides = [1, 1]} : vector<256x768xf32> to vector<256x192xf32>
    %convert_element_type3A_826 = arith.truncf %slice3A_825 : vector<256x192xf32> to vector<256x192xbf16>
    %slice3A_827 = vector.extract_strided_slice %get3A_819 {offsets = [0, 384], sizes = [256, 192], strides = [1, 1]} : vector<256x768xf32> to vector<256x192xf32>
    %convert_element_type3A_828 = arith.truncf %slice3A_827 : vector<256x192xf32> to vector<256x192xbf16>
    %slice3A_829 = vector.extract_strided_slice %get3A_819 {offsets = [0, 576], sizes = [256, 192], strides = [1, 1]} : vector<256x768xf32> to vector<256x192xf32>
    %get3A_830 = arith.constant 0 : index
    %get3A_831 = arith.constant 0 : index
    %get3A_832 = vector.load %arg3[%get3A_830, %get3A_831] : memref<16x192xbf16, #tpu.memory_space<vmem>>, vector<1x192xbf16>
    %mul3A_833 = vector.broadcast %get3A_832 : vector<1x192xbf16> to vector<256x192xbf16>
    %mul3A_834 = arith.mulf %convert_element_type3A_826, %mul3A_833 : vector<256x192xbf16>
    %dot_general3A_835 = arith.constant dense<0.000000e+00> : vector<256x256xf32>
    %dot_general3A_836 = tpu.matmul %convert_element_type3A_824, %mul3A_834, %dot_general3A_835 {dimension_numbers = #tpu.dot_dimension_numbers<[1], [1], [0], [0], [0, 0, 1, 0], [], []>, transpose_lhs_hint = false} : vector<256x192xbf16>, vector<256x192xbf16>, vector<256x256xf32> -> vector<256x256xf32>
    %slice3A_837 = vector.extract_strided_slice %get3A_2 {offsets = [0, 0, 0], sizes = [1, 256, 256], strides = [1, 1, 1]} : vector<6x256x256xf32> to vector<1x256x256xf32>
    %squeeze3A_838 = vector.shape_cast %slice3A_837 : vector<1x256x256xf32> to vector<256x256xf32>
    %add3A_839 = arith.addf %dot_general3A_836, %squeeze3A_838 : vector<256x256xf32>
    %exp3A_840 = math.exp %add3A_839 : vector<256x256xf32>
    %convert_element_type3A_841 = arith.truncf %exp3A_840 : vector<256x256xf32> to vector<256x256xbf16>
    %mul3A_842 = vector.broadcast %get3A_832 : vector<1x192xbf16> to vector<256x192xbf16>
    %mul3A_843 = arith.mulf %convert_element_type3A_828, %mul3A_842 : vector<256x192xbf16>
    %swap3A_844 = arith.constant 5 : index
    %swap3A_845 = arith.constant 0 : index
    %swap3A_846 = arith.constant 0 : index
    %swap3A_847 = vector.load %arg9[%swap3A_844, %swap3A_845, %swap3A_846] : memref<12x1536x192xbf16, #tpu.memory_space<vmem>>, vector<1x256x192xbf16>
    %swap3A_848 = vector.shape_cast %swap3A_847 : vector<1x256x192xbf16> to vector<256x192xbf16>
    %swap3A_849 = vector.shape_cast %mul3A_843 : vector<256x192xbf16> to vector<1x256x192xbf16>
    tpu.vector_store %arg9[%swap3A_844, %swap3A_845, %swap3A_846], %swap3A_849 {strides = array<i32>} : memref<12x1536x192xbf16, #tpu.memory_space<vmem>>, vector<1x256x192xbf16>,
    %get3A_850 = arith.constant 1 : index
    %get3A_851 = arith.constant 0 : index
    %get3A_852 = vector.load %arg3[%get3A_850, %get3A_851] : memref<16x192xbf16, #tpu.memory_space<vmem>>, vector<1x192xbf16>
    %mul3A_853 = vector.broadcast %get3A_852 : vector<1x192xbf16> to vector<256x192xbf16>
    %mul3A_854 = arith.mulf %convert_element_type3A_826, %mul3A_853 : vector<256x192xbf16>
    %dot_general3A_855 = arith.constant dense<0.000000e+00> : vector<256x256xf32>
    %dot_general3A_856 = tpu.matmul %convert_element_type3A_824, %mul3A_854, %dot_general3A_855 {dimension_numbers = #tpu.dot_dimension_numbers<[1], [1], [0], [0], [0, 0, 1, 0], [], []>, transpose_lhs_hint = false} : vector<256x192xbf16>, vector<256x192xbf16>, vector<256x256xf32> -> vector<256x256xf32>
    %slice3A_857 = vector.extract_strided_slice %get3A_2 {offsets = [1, 0, 0], sizes = [1, 256, 256], strides = [1, 1, 1]} : vector<6x256x256xf32> to vector<1x256x256xf32>
    %squeeze3A_858 = vector.shape_cast %slice3A_857 : vector<1x256x256xf32> to vector<256x256xf32>
    %add3A_859 = arith.addf %dot_general3A_856, %squeeze3A_858 : vector<256x256xf32>
    %exp3A_860 = math.exp %add3A_859 : vector<256x256xf32>
    %convert_element_type3A_861 = arith.truncf %exp3A_860 : vector<256x256xf32> to vector<256x256xbf16>
    %mul3A_862 = vector.broadcast %get3A_852 : vector<1x192xbf16> to vector<256x192xbf16>
    %mul3A_863 = arith.mulf %convert_element_type3A_828, %mul3A_862 : vector<256x192xbf16>
    %swap3A_864 = arith.constant 5 : index
    %swap3A_865 = arith.constant 256 : index
    %swap3A_866 = arith.constant 0 : index
    %swap3A_867 = vector.load %arg9[%swap3A_864, %swap3A_865, %swap3A_866] : memref<12x1536x192xbf16, #tpu.memory_space<vmem>>, vector<1x256x192xbf16>
    %swap3A_868 = vector.shape_cast %swap3A_867 : vector<1x256x192xbf16> to vector<256x192xbf16>
    %swap3A_869 = vector.shape_cast %mul3A_863 : vector<256x192xbf16> to vector<1x256x192xbf16>
    tpu.vector_store %arg9[%swap3A_864, %swap3A_865, %swap3A_866], %swap3A_869 {strides = array<i32>} : memref<12x1536x192xbf16, #tpu.memory_space<vmem>>, vector<1x256x192xbf16>,
    %get3A_870 = arith.constant 2 : index
    %get3A_871 = arith.constant 0 : index
    %get3A_872 = vector.load %arg3[%get3A_870, %get3A_871] : memref<16x192xbf16, #tpu.memory_space<vmem>>, vector<1x192xbf16>
    %mul3A_873 = vector.broadcast %get3A_872 : vector<1x192xbf16> to vector<256x192xbf16>
    %mul3A_874 = arith.mulf %convert_element_type3A_826, %mul3A_873 : vector<256x192xbf16>
    %dot_general3A_875 = arith.constant dense<0.000000e+00> : vector<256x256xf32>
    %dot_general3A_876 = tpu.matmul %convert_element_type3A_824, %mul3A_874, %dot_general3A_875 {dimension_numbers = #tpu.dot_dimension_numbers<[1], [1], [0], [0], [0, 0, 1, 0], [], []>, transpose_lhs_hint = false} : vector<256x192xbf16>, vector<256x192xbf16>, vector<256x256xf32> -> vector<256x256xf32>
    %slice3A_877 = vector.extract_strided_slice %get3A_2 {offsets = [2, 0, 0], sizes = [1, 256, 256], strides = [1, 1, 1]} : vector<6x256x256xf32> to vector<1x256x256xf32>
    %squeeze3A_878 = vector.shape_cast %slice3A_877 : vector<1x256x256xf32> to vector<256x256xf32>
    %add3A_879 = arith.addf %dot_general3A_876, %squeeze3A_878 : vector<256x256xf32>
    %exp3A_880 = math.exp %add3A_879 : vector<256x256xf32>
    %convert_element_type3A_881 = arith.truncf %exp3A_880 : vector<256x256xf32> to vector<256x256xbf16>
    %mul3A_882 = vector.broadcast %get3A_872 : vector<1x192xbf16> to vector<256x192xbf16>
    %mul3A_883 = arith.mulf %convert_element_type3A_828, %mul3A_882 : vector<256x192xbf16>
    %swap3A_884 = arith.constant 5 : index
    %swap3A_885 = arith.constant 512 : index
    %swap3A_886 = arith.constant 0 : index
    %swap3A_887 = vector.load %arg9[%swap3A_884, %swap3A_885, %swap3A_886] : memref<12x1536x192xbf16, #tpu.memory_space<vmem>>, vector<1x256x192xbf16>
    %swap3A_888 = vector.shape_cast %swap3A_887 : vector<1x256x192xbf16> to vector<256x192xbf16>
    %swap3A_889 = vector.shape_cast %mul3A_883 : vector<256x192xbf16> to vector<1x256x192xbf16>
    tpu.vector_store %arg9[%swap3A_884, %swap3A_885, %swap3A_886], %swap3A_889 {strides = array<i32>} : memref<12x1536x192xbf16, #tpu.memory_space<vmem>>, vector<1x256x192xbf16>,
    %get3A_890 = arith.constant 3 : index
    %get3A_891 = arith.constant 0 : index
    %get3A_892 = vector.load %arg3[%get3A_890, %get3A_891] : memref<16x192xbf16, #tpu.memory_space<vmem>>, vector<1x192xbf16>
    %mul3A_893 = vector.broadcast %get3A_892 : vector<1x192xbf16> to vector<256x192xbf16>
    %mul3A_894 = arith.mulf %convert_element_type3A_826, %mul3A_893 : vector<256x192xbf16>
    %dot_general3A_895 = arith.constant dense<0.000000e+00> : vector<256x256xf32>
    %dot_general3A_896 = tpu.matmul %convert_element_type3A_824, %mul3A_894, %dot_general3A_895 {dimension_numbers = #tpu.dot_dimension_numbers<[1], [1], [0], [0], [0, 0, 1, 0], [], []>, transpose_lhs_hint = false} : vector<256x192xbf16>, vector<256x192xbf16>, vector<256x256xf32> -> vector<256x256xf32>
    %slice3A_897 = vector.extract_strided_slice %get3A_2 {offsets = [3, 0, 0], sizes = [1, 256, 256], strides = [1, 1, 1]} : vector<6x256x256xf32> to vector<1x256x256xf32>
    %squeeze3A_898 = vector.shape_cast %slice3A_897 : vector<1x256x256xf32> to vector<256x256xf32>
    %add3A_899 = arith.addf %dot_general3A_896, %squeeze3A_898 : vector<256x256xf32>
    %exp3A_900 = math.exp %add3A_899 : vector<256x256xf32>
    %convert_element_type3A_901 = arith.truncf %exp3A_900 : vector<256x256xf32> to vector<256x256xbf16>
    %mul3A_902 = vector.broadcast %get3A_892 : vector<1x192xbf16> to vector<256x192xbf16>
    %mul3A_903 = arith.mulf %convert_element_type3A_828, %mul3A_902 : vector<256x192xbf16>
    %swap3A_904 = arith.constant 5 : index
    %swap3A_905 = arith.constant 768 : index
    %swap3A_906 = arith.constant 0 : index
    %swap3A_907 = vector.load %arg9[%swap3A_904, %swap3A_905, %swap3A_906] : memref<12x1536x192xbf16, #tpu.memory_space<vmem>>, vector<1x256x192xbf16>
    %swap3A_908 = vector.shape_cast %swap3A_907 : vector<1x256x192xbf16> to vector<256x192xbf16>
    %swap3A_909 = vector.shape_cast %mul3A_903 : vector<256x192xbf16> to vector<1x256x192xbf16>
    tpu.vector_store %arg9[%swap3A_904, %swap3A_905, %swap3A_906], %swap3A_909 {strides = array<i32>} : memref<12x1536x192xbf16, #tpu.memory_space<vmem>>, vector<1x256x192xbf16>,
    %get3A_910 = arith.constant 4 : index
    %get3A_911 = arith.constant 0 : index
    %get3A_912 = vector.load %arg3[%get3A_910, %get3A_911] : memref<16x192xbf16, #tpu.memory_space<vmem>>, vector<1x192xbf16>
    %mul3A_913 = vector.broadcast %get3A_912 : vector<1x192xbf16> to vector<256x192xbf16>
    %mul3A_914 = arith.mulf %convert_element_type3A_826, %mul3A_913 : vector<256x192xbf16>
    %dot_general3A_915 = arith.constant dense<0.000000e+00> : vector<256x256xf32>
    %dot_general3A_916 = tpu.matmul %convert_element_type3A_824, %mul3A_914, %dot_general3A_915 {dimension_numbers = #tpu.dot_dimension_numbers<[1], [1], [0], [0], [0, 0, 1, 0], [], []>, transpose_lhs_hint = false} : vector<256x192xbf16>, vector<256x192xbf16>, vector<256x256xf32> -> vector<256x256xf32>
    %slice3A_917 = vector.extract_strided_slice %get3A_2 {offsets = [4, 0, 0], sizes = [1, 256, 256], strides = [1, 1, 1]} : vector<6x256x256xf32> to vector<1x256x256xf32>
    %squeeze3A_918 = vector.shape_cast %slice3A_917 : vector<1x256x256xf32> to vector<256x256xf32>
    %add3A_919 = arith.addf %dot_general3A_916, %squeeze3A_918 : vector<256x256xf32>
    %exp3A_920 = math.exp %add3A_919 : vector<256x256xf32>
    %convert_element_type3A_921 = arith.truncf %exp3A_920 : vector<256x256xf32> to vector<256x256xbf16>
    %mul3A_922 = vector.broadcast %get3A_912 : vector<1x192xbf16> to vector<256x192xbf16>
    %mul3A_923 = arith.mulf %convert_element_type3A_828, %mul3A_922 : vector<256x192xbf16>
    %swap3A_924 = arith.constant 5 : index
    %swap3A_925 = arith.constant 1024 : index
    %swap3A_926 = arith.constant 0 : index
    %swap3A_927 = vector.load %arg9[%swap3A_924, %swap3A_925, %swap3A_926] : memref<12x1536x192xbf16, #tpu.memory_space<vmem>>, vector<1x256x192xbf16>
    %swap3A_928 = vector.shape_cast %swap3A_927 : vector<1x256x192xbf16> to vector<256x192xbf16>
    %swap3A_929 = vector.shape_cast %mul3A_923 : vector<256x192xbf16> to vector<1x256x192xbf16>
    tpu.vector_store %arg9[%swap3A_924, %swap3A_925, %swap3A_926], %swap3A_929 {strides = array<i32>} : memref<12x1536x192xbf16, #tpu.memory_space<vmem>>, vector<1x256x192xbf16>,
    %get3A_930 = arith.constant 5 : index
    %get3A_931 = arith.constant 0 : index
    %get3A_932 = vector.load %arg3[%get3A_930, %get3A_931] : memref<16x192xbf16, #tpu.memory_space<vmem>>, vector<1x192xbf16>
    %mul3A_933 = vector.broadcast %get3A_932 : vector<1x192xbf16> to vector<256x192xbf16>
    %mul3A_934 = arith.mulf %convert_element_type3A_826, %mul3A_933 : vector<256x192xbf16>
    %dot_general3A_935 = arith.constant dense<0.000000e+00> : vector<256x256xf32>
    %dot_general3A_936 = tpu.matmul %convert_element_type3A_824, %mul3A_934, %dot_general3A_935 {dimension_numbers = #tpu.dot_dimension_numbers<[1], [1], [0], [0], [0, 0, 1, 0], [], []>, transpose_lhs_hint = false} : vector<256x192xbf16>, vector<256x192xbf16>, vector<256x256xf32> -> vector<256x256xf32>
    %slice3A_937 = vector.extract_strided_slice %get3A_2 {offsets = [5, 0, 0], sizes = [1, 256, 256], strides = [1, 1, 1]} : vector<6x256x256xf32> to vector<1x256x256xf32>
    %squeeze3A_938 = vector.shape_cast %slice3A_937 : vector<1x256x256xf32> to vector<256x256xf32>
    %add3A_939 = arith.addf %dot_general3A_936, %squeeze3A_938 : vector<256x256xf32>
    %exp3A_940 = math.exp %add3A_939 : vector<256x256xf32>
    %convert_element_type3A_941 = arith.truncf %exp3A_940 : vector<256x256xf32> to vector<256x256xbf16>
    %mul3A_942 = vector.broadcast %get3A_932 : vector<1x192xbf16> to vector<256x192xbf16>
    %mul3A_943 = arith.mulf %convert_element_type3A_828, %mul3A_942 : vector<256x192xbf16>
    %swap3A_944 = arith.constant 5 : index
    %swap3A_945 = arith.constant 1280 : index
    %swap3A_946 = arith.constant 0 : index
    %swap3A_947 = vector.load %arg9[%swap3A_944, %swap3A_945, %swap3A_946] : memref<12x1536x192xbf16, #tpu.memory_space<vmem>>, vector<1x256x192xbf16>
    %swap3A_948 = vector.shape_cast %swap3A_947 : vector<1x256x192xbf16> to vector<256x192xbf16>
    %swap3A_949 = vector.shape_cast %mul3A_943 : vector<256x192xbf16> to vector<1x256x192xbf16>
    tpu.vector_store %arg9[%swap3A_944, %swap3A_945, %swap3A_946], %swap3A_949 {strides = array<i32>} : memref<12x1536x192xbf16, #tpu.memory_space<vmem>>, vector<1x256x192xbf16>,
    %concatenate3A_950 = tpu.concatenate %convert_element_type3A_841, %convert_element_type3A_861, %convert_element_type3A_881, %convert_element_type3A_901, %convert_element_type3A_921, %convert_element_type3A_941 in 1 : vector<256x256xbf16>, vector<256x256xbf16>, vector<256x256xbf16>, vector<256x256xbf16>, vector<256x256xbf16>, vector<256x256xbf16> -> vector<256x1536xbf16>
    %get3A_951 = arith.constant 5 : index
    %get3A_952 = arith.constant 0 : index
    %get3A_953 = arith.constant 0 : index
    %get3A_954 = vector.load %arg9[%get3A_951, %get3A_952, %get3A_953] : memref<12x1536x192xbf16, #tpu.memory_space<vmem>>, vector<1x1536x192xbf16>
    %get3A_955 = vector.shape_cast %get3A_954 : vector<1x1536x192xbf16> to vector<1536x192xbf16>
    %dot_general3A_956 = arith.constant dense<0.000000e+00> : vector<256x192xf32>
    %dot_general3A_957 = tpu.matmul %concatenate3A_950, %get3A_955, %dot_general3A_956 {dimension_numbers = #tpu.dot_dimension_numbers<[1], [0], [0], [1], [0, 0, 1, 1], [], []>, transpose_lhs_hint = false} : vector<256x1536xbf16>, vector<1536x192xbf16>, vector<256x192xf32> -> vector<256x192xf32>
    %dot_general3A_958 = arith.constant dense<0.000000e+00> : vector<256x16xf32>
    %dot_general3A_959 = tpu.matmul %concatenate3A_950, %get3A_14, %dot_general3A_958 {dimension_numbers = #tpu.dot_dimension_numbers<[1], [0], [0], [1], [0, 0, 1, 1], [], []>, transpose_lhs_hint = false} : vector<256x1536xbf16>, vector<1536x16xbf16>, vector<256x16xf32> -> vector<256x16xf32>
    %div3A_960 = arith.constant 1.000000e+00 : f32
    %div3A_961 = vector.broadcast %div3A_960 : f32 to vector<256x16xf32>
    %div3A_962 = arith.divf %div3A_961, %dot_general3A_959 : vector<256x16xf32>
    %dot_general3A_963 = arith.constant dense<0.000000e+00> : vector<256x192xf32>
    %dot_general3A_964 = tpu.matmul %div3A_962, %get3A_11, %dot_general3A_963 {dimension_numbers = #tpu.dot_dimension_numbers<[1], [0], [0], [1], [0, 0, 1, 1], [], []>, transpose_lhs_hint = false} : vector<256x16xf32>, vector<16x192xf32>, vector<256x192xf32> -> vector<256x192xf32>
    %mul3A_965 = arith.mulf %dot_general3A_957, %dot_general3A_964 : vector<256x192xf32>
    %add3A_966 = arith.addf %slice3A_829, %mul3A_965 : vector<256x192xf32>
    %dot_general3A_967 = arith.constant dense<0.000000e+00> : vector<256x192xf32>
    %dot_general3A_968 = tpu.matmul %add3A_966, %get3A_5, %dot_general3A_967 {dimension_numbers = #tpu.dot_dimension_numbers<[1], [1], [0], [0], [0, 0, 1, 0], [], []>, transpose_lhs_hint = false} : vector<256x192xf32>, vector<192x192xf32>, vector<256x192xf32> -> vector<256x192xf32>
    %add3A_969 = vector.broadcast %get3A_8 : vector<1x192xf32> to vector<256x192xf32>
    %add3A_970 = arith.addf %dot_general3A_968, %add3A_969 : vector<256x192xf32>
    %swap3A_971 = arith.constant 5 : index
    %swap3A_972 = arith.constant 0 : index
    %swap3A_973 = arith.constant 0 : index
    %swap3A_974 = vector.load %arg8[%swap3A_971, %swap3A_972, %swap3A_973] : memref<12x256x192xf32, #tpu.memory_space<vmem>>, vector<1x256x192xf32>
    %swap3A_975 = vector.shape_cast %swap3A_974 : vector<1x256x192xf32> to vector<256x192xf32>
    %swap3A_976 = vector.shape_cast %add3A_970 : vector<256x192xf32> to vector<1x256x192xf32>
    tpu.vector_store %arg8[%swap3A_971, %swap3A_972, %swap3A_973], %swap3A_976 {strides = array<i32>} : memref<12x256x192xf32, #tpu.memory_space<vmem>>, vector<1x256x192xf32>,
    %get3A_977 = arith.constant 6 : index
    %get3A_978 = arith.constant 0 : index
    %get3A_979 = arith.constant 0 : index
    %get3A_980 = vector.load %arg1[%get3A_977, %get3A_978, %get3A_979] : memref<12x256x768xf32, #tpu.memory_space<vmem>>, vector<1x256x768xf32>
    %get3A_981 = vector.shape_cast %get3A_980 : vector<1x256x768xf32> to vector<256x768xf32>
    %slice3A_982 = vector.extract_strided_slice %get3A_981 {offsets = [0, 0], sizes = [256, 192], strides = [1, 1]} : vector<256x768xf32> to vector<256x192xf32>
    %mul3A_983 = arith.constant 0.176776692 : f32
    %mul3A_984 = vector.broadcast %mul3A_983 : f32 to vector<256x192xf32>
    %mul3A_985 = arith.mulf %slice3A_982, %mul3A_984 : vector<256x192xf32>
    %convert_element_type3A_986 = arith.truncf %mul3A_985 : vector<256x192xf32> to vector<256x192xbf16>
    %slice3A_987 = vector.extract_strided_slice %get3A_981 {offsets = [0, 192], sizes = [256, 192], strides = [1, 1]} : vector<256x768xf32> to vector<256x192xf32>
    %convert_element_type3A_988 = arith.truncf %slice3A_987 : vector<256x192xf32> to vector<256x192xbf16>
    %slice3A_989 = vector.extract_strided_slice %get3A_981 {offsets = [0, 384], sizes = [256, 192], strides = [1, 1]} : vector<256x768xf32> to vector<256x192xf32>
    %convert_element_type3A_990 = arith.truncf %slice3A_989 : vector<256x192xf32> to vector<256x192xbf16>
    %slice3A_991 = vector.extract_strided_slice %get3A_981 {offsets = [0, 576], sizes = [256, 192], strides = [1, 1]} : vector<256x768xf32> to vector<256x192xf32>
    %get3A_992 = arith.constant 0 : index
    %get3A_993 = arith.constant 0 : index
    %get3A_994 = vector.load %arg3[%get3A_992, %get3A_993] : memref<16x192xbf16, #tpu.memory_space<vmem>>, vector<1x192xbf16>
    %mul3A_995 = vector.broadcast %get3A_994 : vector<1x192xbf16> to vector<256x192xbf16>
    %mul3A_996 = arith.mulf %convert_element_type3A_988, %mul3A_995 : vector<256x192xbf16>
    %dot_general3A_997 = arith.constant dense<0.000000e+00> : vector<256x256xf32>
    %dot_general3A_998 = tpu.matmul %convert_element_type3A_986, %mul3A_996, %dot_general3A_997 {dimension_numbers = #tpu.dot_dimension_numbers<[1], [1], [0], [0], [0, 0, 1, 0], [], []>, transpose_lhs_hint = false} : vector<256x192xbf16>, vector<256x192xbf16>, vector<256x256xf32> -> vector<256x256xf32>
    %slice3A_999 = vector.extract_strided_slice %get3A_2 {offsets = [0, 0, 0], sizes = [1, 256, 256], strides = [1, 1, 1]} : vector<6x256x256xf32> to vector<1x256x256xf32>
    %squeeze3A_1000 = vector.shape_cast %slice3A_999 : vector<1x256x256xf32> to vector<256x256xf32>
    %add3A_1001 = arith.addf %dot_general3A_998, %squeeze3A_1000 : vector<256x256xf32>
    %exp3A_1002 = math.exp %add3A_1001 : vector<256x256xf32>
    %convert_element_type3A_1003 = arith.truncf %exp3A_1002 : vector<256x256xf32> to vector<256x256xbf16>
    %mul3A_1004 = vector.broadcast %get3A_994 : vector<1x192xbf16> to vector<256x192xbf16>
    %mul3A_1005 = arith.mulf %convert_element_type3A_990, %mul3A_1004 : vector<256x192xbf16>
    %swap3A_1006 = arith.constant 6 : index
    %swap3A_1007 = arith.constant 0 : index
    %swap3A_1008 = arith.constant 0 : index
    %swap3A_1009 = vector.load %arg9[%swap3A_1006, %swap3A_1007, %swap3A_1008] : memref<12x1536x192xbf16, #tpu.memory_space<vmem>>, vector<1x256x192xbf16>
    %swap3A_1010 = vector.shape_cast %swap3A_1009 : vector<1x256x192xbf16> to vector<256x192xbf16>
    %swap3A_1011 = vector.shape_cast %mul3A_1005 : vector<256x192xbf16> to vector<1x256x192xbf16>
    tpu.vector_store %arg9[%swap3A_1006, %swap3A_1007, %swap3A_1008], %swap3A_1011 {strides = array<i32>} : memref<12x1536x192xbf16, #tpu.memory_space<vmem>>, vector<1x256x192xbf16>,
    %get3A_1012 = arith.constant 1 : index
    %get3A_1013 = arith.constant 0 : index
    %get3A_1014 = vector.load %arg3[%get3A_1012, %get3A_1013] : memref<16x192xbf16, #tpu.memory_space<vmem>>, vector<1x192xbf16>
    %mul3A_1015 = vector.broadcast %get3A_1014 : vector<1x192xbf16> to vector<256x192xbf16>
    %mul3A_1016 = arith.mulf %convert_element_type3A_988, %mul3A_1015 : vector<256x192xbf16>
    %dot_general3A_1017 = arith.constant dense<0.000000e+00> : vector<256x256xf32>
    %dot_general3A_1018 = tpu.matmul %convert_element_type3A_986, %mul3A_1016, %dot_general3A_1017 {dimension_numbers = #tpu.dot_dimension_numbers<[1], [1], [0], [0], [0, 0, 1, 0], [], []>, transpose_lhs_hint = false} : vector<256x192xbf16>, vector<256x192xbf16>, vector<256x256xf32> -> vector<256x256xf32>
    %slice3A_1019 = vector.extract_strided_slice %get3A_2 {offsets = [1, 0, 0], sizes = [1, 256, 256], strides = [1, 1, 1]} : vector<6x256x256xf32> to vector<1x256x256xf32>
    %squeeze3A_1020 = vector.shape_cast %slice3A_1019 : vector<1x256x256xf32> to vector<256x256xf32>
    %add3A_1021 = arith.addf %dot_general3A_1018, %squeeze3A_1020 : vector<256x256xf32>
    %exp3A_1022 = math.exp %add3A_1021 : vector<256x256xf32>
    %convert_element_type3A_1023 = arith.truncf %exp3A_1022 : vector<256x256xf32> to vector<256x256xbf16>
    %mul3A_1024 = vector.broadcast %get3A_1014 : vector<1x192xbf16> to vector<256x192xbf16>
    %mul3A_1025 = arith.mulf %convert_element_type3A_990, %mul3A_1024 : vector<256x192xbf16>
    %swap3A_1026 = arith.constant 6 : index
    %swap3A_1027 = arith.constant 256 : index
    %swap3A_1028 = arith.constant 0 : index
    %swap3A_1029 = vector.load %arg9[%swap3A_1026, %swap3A_1027, %swap3A_1028] : memref<12x1536x192xbf16, #tpu.memory_space<vmem>>, vector<1x256x192xbf16>
    %swap3A_1030 = vector.shape_cast %swap3A_1029 : vector<1x256x192xbf16> to vector<256x192xbf16>
    %swap3A_1031 = vector.shape_cast %mul3A_1025 : vector<256x192xbf16> to vector<1x256x192xbf16>
    tpu.vector_store %arg9[%swap3A_1026, %swap3A_1027, %swap3A_1028], %swap3A_1031 {strides = array<i32>} : memref<12x1536x192xbf16, #tpu.memory_space<vmem>>, vector<1x256x192xbf16>,
    %get3A_1032 = arith.constant 2 : index
    %get3A_1033 = arith.constant 0 : index
    %get3A_1034 = vector.load %arg3[%get3A_1032, %get3A_1033] : memref<16x192xbf16, #tpu.memory_space<vmem>>, vector<1x192xbf16>
    %mul3A_1035 = vector.broadcast %get3A_1034 : vector<1x192xbf16> to vector<256x192xbf16>
    %mul3A_1036 = arith.mulf %convert_element_type3A_988, %mul3A_1035 : vector<256x192xbf16>
    %dot_general3A_1037 = arith.constant dense<0.000000e+00> : vector<256x256xf32>
    %dot_general3A_1038 = tpu.matmul %convert_element_type3A_986, %mul3A_1036, %dot_general3A_1037 {dimension_numbers = #tpu.dot_dimension_numbers<[1], [1], [0], [0], [0, 0, 1, 0], [], []>, transpose_lhs_hint = false} : vector<256x192xbf16>, vector<256x192xbf16>, vector<256x256xf32> -> vector<256x256xf32>
    %slice3A_1039 = vector.extract_strided_slice %get3A_2 {offsets = [2, 0, 0], sizes = [1, 256, 256], strides = [1, 1, 1]} : vector<6x256x256xf32> to vector<1x256x256xf32>
    %squeeze3A_1040 = vector.shape_cast %slice3A_1039 : vector<1x256x256xf32> to vector<256x256xf32>
    %add3A_1041 = arith.addf %dot_general3A_1038, %squeeze3A_1040 : vector<256x256xf32>
    %exp3A_1042 = math.exp %add3A_1041 : vector<256x256xf32>
    %convert_element_type3A_1043 = arith.truncf %exp3A_1042 : vector<256x256xf32> to vector<256x256xbf16>
    %mul3A_1044 = vector.broadcast %get3A_1034 : vector<1x192xbf16> to vector<256x192xbf16>
    %mul3A_1045 = arith.mulf %convert_element_type3A_990, %mul3A_1044 : vector<256x192xbf16>
    %swap3A_1046 = arith.constant 6 : index
    %swap3A_1047 = arith.constant 512 : index
    %swap3A_1048 = arith.constant 0 : index
    %swap3A_1049 = vector.load %arg9[%swap3A_1046, %swap3A_1047, %swap3A_1048] : memref<12x1536x192xbf16, #tpu.memory_space<vmem>>, vector<1x256x192xbf16>
    %swap3A_1050 = vector.shape_cast %swap3A_1049 : vector<1x256x192xbf16> to vector<256x192xbf16>
    %swap3A_1051 = vector.shape_cast %mul3A_1045 : vector<256x192xbf16> to vector<1x256x192xbf16>
    tpu.vector_store %arg9[%swap3A_1046, %swap3A_1047, %swap3A_1048], %swap3A_1051 {strides = array<i32>} : memref<12x1536x192xbf16, #tpu.memory_space<vmem>>, vector<1x256x192xbf16>,
    %get3A_1052 = arith.constant 3 : index
    %get3A_1053 = arith.constant 0 : index
    %get3A_1054 = vector.load %arg3[%get3A_1052, %get3A_1053] : memref<16x192xbf16, #tpu.memory_space<vmem>>, vector<1x192xbf16>
    %mul3A_1055 = vector.broadcast %get3A_1054 : vector<1x192xbf16> to vector<256x192xbf16>
    %mul3A_1056 = arith.mulf %convert_element_type3A_988, %mul3A_1055 : vector<256x192xbf16>
    %dot_general3A_1057 = arith.constant dense<0.000000e+00> : vector<256x256xf32>
    %dot_general3A_1058 = tpu.matmul %convert_element_type3A_986, %mul3A_1056, %dot_general3A_1057 {dimension_numbers = #tpu.dot_dimension_numbers<[1], [1], [0], [0], [0, 0, 1, 0], [], []>, transpose_lhs_hint = false} : vector<256x192xbf16>, vector<256x192xbf16>, vector<256x256xf32> -> vector<256x256xf32>
    %slice3A_1059 = vector.extract_strided_slice %get3A_2 {offsets = [3, 0, 0], sizes = [1, 256, 256], strides = [1, 1, 1]} : vector<6x256x256xf32> to vector<1x256x256xf32>
    %squeeze3A_1060 = vector.shape_cast %slice3A_1059 : vector<1x256x256xf32> to vector<256x256xf32>
    %add3A_1061 = arith.addf %dot_general3A_1058, %squeeze3A_1060 : vector<256x256xf32>
    %exp3A_1062 = math.exp %add3A_1061 : vector<256x256xf32>
    %convert_element_type3A_1063 = arith.truncf %exp3A_1062 : vector<256x256xf32> to vector<256x256xbf16>
    %mul3A_1064 = vector.broadcast %get3A_1054 : vector<1x192xbf16> to vector<256x192xbf16>
    %mul3A_1065 = arith.mulf %convert_element_type3A_990, %mul3A_1064 : vector<256x192xbf16>
    %swap3A_1066 = arith.constant 6 : index
    %swap3A_1067 = arith.constant 768 : index
    %swap3A_1068 = arith.constant 0 : index
    %swap3A_1069 = vector.load %arg9[%swap3A_1066, %swap3A_1067, %swap3A_1068] : memref<12x1536x192xbf16, #tpu.memory_space<vmem>>, vector<1x256x192xbf16>
    %swap3A_1070 = vector.shape_cast %swap3A_1069 : vector<1x256x192xbf16> to vector<256x192xbf16>
    %swap3A_1071 = vector.shape_cast %mul3A_1065 : vector<256x192xbf16> to vector<1x256x192xbf16>
    tpu.vector_store %arg9[%swap3A_1066, %swap3A_1067, %swap3A_1068], %swap3A_1071 {strides = array<i32>} : memref<12x1536x192xbf16, #tpu.memory_space<vmem>>, vector<1x256x192xbf16>,
    %get3A_1072 = arith.constant 4 : index
    %get3A_1073 = arith.constant 0 : index
    %get3A_1074 = vector.load %arg3[%get3A_1072, %get3A_1073] : memref<16x192xbf16, #tpu.memory_space<vmem>>, vector<1x192xbf16>
    %mul3A_1075 = vector.broadcast %get3A_1074 : vector<1x192xbf16> to vector<256x192xbf16>
    %mul3A_1076 = arith.mulf %convert_element_type3A_988, %mul3A_1075 : vector<256x192xbf16>
    %dot_general3A_1077 = arith.constant dense<0.000000e+00> : vector<256x256xf32>
    %dot_general3A_1078 = tpu.matmul %convert_element_type3A_986, %mul3A_1076, %dot_general3A_1077 {dimension_numbers = #tpu.dot_dimension_numbers<[1], [1], [0], [0], [0, 0, 1, 0], [], []>, transpose_lhs_hint = false} : vector<256x192xbf16>, vector<256x192xbf16>, vector<256x256xf32> -> vector<256x256xf32>
    %slice3A_1079 = vector.extract_strided_slice %get3A_2 {offsets = [4, 0, 0], sizes = [1, 256, 256], strides = [1, 1, 1]} : vector<6x256x256xf32> to vector<1x256x256xf32>
    %squeeze3A_1080 = vector.shape_cast %slice3A_1079 : vector<1x256x256xf32> to vector<256x256xf32>
    %add3A_1081 = arith.addf %dot_general3A_1078, %squeeze3A_1080 : vector<256x256xf32>
    %exp3A_1082 = math.exp %add3A_1081 : vector<256x256xf32>
    %convert_element_type3A_1083 = arith.truncf %exp3A_1082 : vector<256x256xf32> to vector<256x256xbf16>
    %mul3A_1084 = vector.broadcast %get3A_1074 : vector<1x192xbf16> to vector<256x192xbf16>
    %mul3A_1085 = arith.mulf %convert_element_type3A_990, %mul3A_1084 : vector<256x192xbf16>
    %swap3A_1086 = arith.constant 6 : index
    %swap3A_1087 = arith.constant 1024 : index
    %swap3A_1088 = arith.constant 0 : index
    %swap3A_1089 = vector.load %arg9[%swap3A_1086, %swap3A_1087, %swap3A_1088] : memref<12x1536x192xbf16, #tpu.memory_space<vmem>>, vector<1x256x192xbf16>
    %swap3A_1090 = vector.shape_cast %swap3A_1089 : vector<1x256x192xbf16> to vector<256x192xbf16>
    %swap3A_1091 = vector.shape_cast %mul3A_1085 : vector<256x192xbf16> to vector<1x256x192xbf16>
    tpu.vector_store %arg9[%swap3A_1086, %swap3A_1087, %swap3A_1088], %swap3A_1091 {strides = array<i32>} : memref<12x1536x192xbf16, #tpu.memory_space<vmem>>, vector<1x256x192xbf16>,
    %get3A_1092 = arith.constant 5 : index
    %get3A_1093 = arith.constant 0 : index
    %get3A_1094 = vector.load %arg3[%get3A_1092, %get3A_1093] : memref<16x192xbf16, #tpu.memory_space<vmem>>, vector<1x192xbf16>
    %mul3A_1095 = vector.broadcast %get3A_1094 : vector<1x192xbf16> to vector<256x192xbf16>
    %mul3A_1096 = arith.mulf %convert_element_type3A_988, %mul3A_1095 : vector<256x192xbf16>
    %dot_general3A_1097 = arith.constant dense<0.000000e+00> : vector<256x256xf32>
    %dot_general3A_1098 = tpu.matmul %convert_element_type3A_986, %mul3A_1096, %dot_general3A_1097 {dimension_numbers = #tpu.dot_dimension_numbers<[1], [1], [0], [0], [0, 0, 1, 0], [], []>, transpose_lhs_hint = false} : vector<256x192xbf16>, vector<256x192xbf16>, vector<256x256xf32> -> vector<256x256xf32>
    %slice3A_1099 = vector.extract_strided_slice %get3A_2 {offsets = [5, 0, 0], sizes = [1, 256, 256], strides = [1, 1, 1]} : vector<6x256x256xf32> to vector<1x256x256xf32>
    %squeeze3A_1100 = vector.shape_cast %slice3A_1099 : vector<1x256x256xf32> to vector<256x256xf32>
    %add3A_1101 = arith.addf %dot_general3A_1098, %squeeze3A_1100 : vector<256x256xf32>
    %exp3A_1102 = math.exp %add3A_1101 : vector<256x256xf32>
    %convert_element_type3A_1103 = arith.truncf %exp3A_1102 : vector<256x256xf32> to vector<256x256xbf16>
    %mul3A_1104 = vector.broadcast %get3A_1094 : vector<1x192xbf16> to vector<256x192xbf16>
    %mul3A_1105 = arith.mulf %convert_element_type3A_990, %mul3A_1104 : vector<256x192xbf16>
    %swap3A_1106 = arith.constant 6 : index
    %swap3A_1107 = arith.constant 1280 : index
    %swap3A_1108 = arith.constant 0 : index
    %swap3A_1109 = vector.load %arg9[%swap3A_1106, %swap3A_1107, %swap3A_1108] : memref<12x1536x192xbf16, #tpu.memory_space<vmem>>, vector<1x256x192xbf16>
    %swap3A_1110 = vector.shape_cast %swap3A_1109 : vector<1x256x192xbf16> to vector<256x192xbf16>
    %swap3A_1111 = vector.shape_cast %mul3A_1105 : vector<256x192xbf16> to vector<1x256x192xbf16>
    tpu.vector_store %arg9[%swap3A_1106, %swap3A_1107, %swap3A_1108], %swap3A_1111 {strides = array<i32>} : memref<12x1536x192xbf16, #tpu.memory_space<vmem>>, vector<1x256x192xbf16>,
    %concatenate3A_1112 = tpu.concatenate %convert_element_type3A_1003, %convert_element_type3A_1023, %convert_element_type3A_1043, %convert_element_type3A_1063, %convert_element_type3A_1083, %convert_element_type3A_1103 in 1 : vector<256x256xbf16>, vector<256x256xbf16>, vector<256x256xbf16>, vector<256x256xbf16>, vector<256x256xbf16>, vector<256x256xbf16> -> vector<256x1536xbf16>
    %get3A_1113 = arith.constant 6 : index
    %get3A_1114 = arith.constant 0 : index
    %get3A_1115 = arith.constant 0 : index
    %get3A_1116 = vector.load %arg9[%get3A_1113, %get3A_1114, %get3A_1115] : memref<12x1536x192xbf16, #tpu.memory_space<vmem>>, vector<1x1536x192xbf16>
    %get3A_1117 = vector.shape_cast %get3A_1116 : vector<1x1536x192xbf16> to vector<1536x192xbf16>
    %dot_general3A_1118 = arith.constant dense<0.000000e+00> : vector<256x192xf32>
    %dot_general3A_1119 = tpu.matmul %concatenate3A_1112, %get3A_1117, %dot_general3A_1118 {dimension_numbers = #tpu.dot_dimension_numbers<[1], [0], [0], [1], [0, 0, 1, 1], [], []>, transpose_lhs_hint = false} : vector<256x1536xbf16>, vector<1536x192xbf16>, vector<256x192xf32> -> vector<256x192xf32>
    %dot_general3A_1120 = arith.constant dense<0.000000e+00> : vector<256x16xf32>
    %dot_general3A_1121 = tpu.matmul %concatenate3A_1112, %get3A_14, %dot_general3A_1120 {dimension_numbers = #tpu.dot_dimension_numbers<[1], [0], [0], [1], [0, 0, 1, 1], [], []>, transpose_lhs_hint = false} : vector<256x1536xbf16>, vector<1536x16xbf16>, vector<256x16xf32> -> vector<256x16xf32>
    %div3A_1122 = arith.constant 1.000000e+00 : f32
    %div3A_1123 = vector.broadcast %div3A_1122 : f32 to vector<256x16xf32>
    %div3A_1124 = arith.divf %div3A_1123, %dot_general3A_1121 : vector<256x16xf32>
    %dot_general3A_1125 = arith.constant dense<0.000000e+00> : vector<256x192xf32>
    %dot_general3A_1126 = tpu.matmul %div3A_1124, %get3A_11, %dot_general3A_1125 {dimension_numbers = #tpu.dot_dimension_numbers<[1], [0], [0], [1], [0, 0, 1, 1], [], []>, transpose_lhs_hint = false} : vector<256x16xf32>, vector<16x192xf32>, vector<256x192xf32> -> vector<256x192xf32>
    %mul3A_1127 = arith.mulf %dot_general3A_1119, %dot_general3A_1126 : vector<256x192xf32>
    %add3A_1128 = arith.addf %slice3A_991, %mul3A_1127 : vector<256x192xf32>
    %dot_general3A_1129 = arith.constant dense<0.000000e+00> : vector<256x192xf32>
    %dot_general3A_1130 = tpu.matmul %add3A_1128, %get3A_5, %dot_general3A_1129 {dimension_numbers = #tpu.dot_dimension_numbers<[1], [1], [0], [0], [0, 0, 1, 0], [], []>, transpose_lhs_hint = false} : vector<256x192xf32>, vector<192x192xf32>, vector<256x192xf32> -> vector<256x192xf32>
    %add3A_1131 = vector.broadcast %get3A_8 : vector<1x192xf32> to vector<256x192xf32>
    %add3A_1132 = arith.addf %dot_general3A_1130, %add3A_1131 : vector<256x192xf32>
    %swap3A_1133 = arith.constant 6 : index
    %swap3A_1134 = arith.constant 0 : index
    %swap3A_1135 = arith.constant 0 : index
    %swap3A_1136 = vector.load %arg8[%swap3A_1133, %swap3A_1134, %swap3A_1135] : memref<12x256x192xf32, #tpu.memory_space<vmem>>, vector<1x256x192xf32>
    %swap3A_1137 = vector.shape_cast %swap3A_1136 : vector<1x256x192xf32> to vector<256x192xf32>
    %swap3A_1138 = vector.shape_cast %add3A_1132 : vector<256x192xf32> to vector<1x256x192xf32>
    tpu.vector_store %arg8[%swap3A_1133, %swap3A_1134, %swap3A_1135], %swap3A_1138 {strides = array<i32>} : memref<12x256x192xf32, #tpu.memory_space<vmem>>, vector<1x256x192xf32>,
    %get3A_1139 = arith.constant 7 : index
    %get3A_1140 = arith.constant 0 : index
    %get3A_1141 = arith.constant 0 : index
    %get3A_1142 = vector.load %arg1[%get3A_1139, %get3A_1140, %get3A_1141] : memref<12x256x768xf32, #tpu.memory_space<vmem>>, vector<1x256x768xf32>
    %get3A_1143 = vector.shape_cast %get3A_1142 : vector<1x256x768xf32> to vector<256x768xf32>
    %slice3A_1144 = vector.extract_strided_slice %get3A_1143 {offsets = [0, 0], sizes = [256, 192], strides = [1, 1]} : vector<256x768xf32> to vector<256x192xf32>
    %mul3A_1145 = arith.constant 0.176776692 : f32
    %mul3A_1146 = vector.broadcast %mul3A_1145 : f32 to vector<256x192xf32>
    %mul3A_1147 = arith.mulf %slice3A_1144, %mul3A_1146 : vector<256x192xf32>
    %convert_element_type3A_1148 = arith.truncf %mul3A_1147 : vector<256x192xf32> to vector<256x192xbf16>
    %slice3A_1149 = vector.extract_strided_slice %get3A_1143 {offsets = [0, 192], sizes = [256, 192], strides = [1, 1]} : vector<256x768xf32> to vector<256x192xf32>
    %convert_element_type3A_1150 = arith.truncf %slice3A_1149 : vector<256x192xf32> to vector<256x192xbf16>
    %slice3A_1151 = vector.extract_strided_slice %get3A_1143 {offsets = [0, 384], sizes = [256, 192], strides = [1, 1]} : vector<256x768xf32> to vector<256x192xf32>
    %convert_element_type3A_1152 = arith.truncf %slice3A_1151 : vector<256x192xf32> to vector<256x192xbf16>
    %slice3A_1153 = vector.extract_strided_slice %get3A_1143 {offsets = [0, 576], sizes = [256, 192], strides = [1, 1]} : vector<256x768xf32> to vector<256x192xf32>
    %get3A_1154 = arith.constant 0 : index
    %get3A_1155 = arith.constant 0 : index
    %get3A_1156 = vector.load %arg3[%get3A_1154, %get3A_1155] : memref<16x192xbf16, #tpu.memory_space<vmem>>, vector<1x192xbf16>
    %mul3A_1157 = vector.broadcast %get3A_1156 : vector<1x192xbf16> to vector<256x192xbf16>
    %mul3A_1158 = arith.mulf %convert_element_type3A_1150, %mul3A_1157 : vector<256x192xbf16>
    %dot_general3A_1159 = arith.constant dense<0.000000e+00> : vector<256x256xf32>
    %dot_general3A_1160 = tpu.matmul %convert_element_type3A_1148, %mul3A_1158, %dot_general3A_1159 {dimension_numbers = #tpu.dot_dimension_numbers<[1], [1], [0], [0], [0, 0, 1, 0], [], []>, transpose_lhs_hint = false} : vector<256x192xbf16>, vector<256x192xbf16>, vector<256x256xf32> -> vector<256x256xf32>
    %slice3A_1161 = vector.extract_strided_slice %get3A_2 {offsets = [0, 0, 0], sizes = [1, 256, 256], strides = [1, 1, 1]} : vector<6x256x256xf32> to vector<1x256x256xf32>
    %squeeze3A_1162 = vector.shape_cast %slice3A_1161 : vector<1x256x256xf32> to vector<256x256xf32>
    %add3A_1163 = arith.addf %dot_general3A_1160, %squeeze3A_1162 : vector<256x256xf32>
    %exp3A_1164 = math.exp %add3A_1163 : vector<256x256xf32>
    %convert_element_type3A_1165 = arith.truncf %exp3A_1164 : vector<256x256xf32> to vector<256x256xbf16>
    %mul3A_1166 = vector.broadcast %get3A_1156 : vector<1x192xbf16> to vector<256x192xbf16>
    %mul3A_1167 = arith.mulf %convert_element_type3A_1152, %mul3A_1166 : vector<256x192xbf16>
    %swap3A_1168 = arith.constant 7 : index
    %swap3A_1169 = arith.constant 0 : index
    %swap3A_1170 = arith.constant 0 : index
    %swap3A_1171 = vector.load %arg9[%swap3A_1168, %swap3A_1169, %swap3A_1170] : memref<12x1536x192xbf16, #tpu.memory_space<vmem>>, vector<1x256x192xbf16>
    %swap3A_1172 = vector.shape_cast %swap3A_1171 : vector<1x256x192xbf16> to vector<256x192xbf16>
    %swap3A_1173 = vector.shape_cast %mul3A_1167 : vector<256x192xbf16> to vector<1x256x192xbf16>
    tpu.vector_store %arg9[%swap3A_1168, %swap3A_1169, %swap3A_1170], %swap3A_1173 {strides = array<i32>} : memref<12x1536x192xbf16, #tpu.memory_space<vmem>>, vector<1x256x192xbf16>,
    %get3A_1174 = arith.constant 1 : index
    %get3A_1175 = arith.constant 0 : index
    %get3A_1176 = vector.load %arg3[%get3A_1174, %get3A_1175] : memref<16x192xbf16, #tpu.memory_space<vmem>>, vector<1x192xbf16>
    %mul3A_1177 = vector.broadcast %get3A_1176 : vector<1x192xbf16> to vector<256x192xbf16>
    %mul3A_1178 = arith.mulf %convert_element_type3A_1150, %mul3A_1177 : vector<256x192xbf16>
    %dot_general3A_1179 = arith.constant dense<0.000000e+00> : vector<256x256xf32>
    %dot_general3A_1180 = tpu.matmul %convert_element_type3A_1148, %mul3A_1178, %dot_general3A_1179 {dimension_numbers = #tpu.dot_dimension_numbers<[1], [1], [0], [0], [0, 0, 1, 0], [], []>, transpose_lhs_hint = false} : vector<256x192xbf16>, vector<256x192xbf16>, vector<256x256xf32> -> vector<256x256xf32>
    %slice3A_1181 = vector.extract_strided_slice %get3A_2 {offsets = [1, 0, 0], sizes = [1, 256, 256], strides = [1, 1, 1]} : vector<6x256x256xf32> to vector<1x256x256xf32>
    %squeeze3A_1182 = vector.shape_cast %slice3A_1181 : vector<1x256x256xf32> to vector<256x256xf32>
    %add3A_1183 = arith.addf %dot_general3A_1180, %squeeze3A_1182 : vector<256x256xf32>
    %exp3A_1184 = math.exp %add3A_1183 : vector<256x256xf32>
    %convert_element_type3A_1185 = arith.truncf %exp3A_1184 : vector<256x256xf32> to vector<256x256xbf16>
    %mul3A_1186 = vector.broadcast %get3A_1176 : vector<1x192xbf16> to vector<256x192xbf16>
    %mul3A_1187 = arith.mulf %convert_element_type3A_1152, %mul3A_1186 : vector<256x192xbf16>
    %swap3A_1188 = arith.constant 7 : index
    %swap3A_1189 = arith.constant 256 : index
    %swap3A_1190 = arith.constant 0 : index
    %swap3A_1191 = vector.load %arg9[%swap3A_1188, %swap3A_1189, %swap3A_1190] : memref<12x1536x192xbf16, #tpu.memory_space<vmem>>, vector<1x256x192xbf16>
    %swap3A_1192 = vector.shape_cast %swap3A_1191 : vector<1x256x192xbf16> to vector<256x192xbf16>
    %swap3A_1193 = vector.shape_cast %mul3A_1187 : vector<256x192xbf16> to vector<1x256x192xbf16>
    tpu.vector_store %arg9[%swap3A_1188, %swap3A_1189, %swap3A_1190], %swap3A_1193 {strides = array<i32>} : memref<12x1536x192xbf16, #tpu.memory_space<vmem>>, vector<1x256x192xbf16>,
    %get3A_1194 = arith.constant 2 : index
    %get3A_1195 = arith.constant 0 : index
    %get3A_1196 = vector.load %arg3[%get3A_1194, %get3A_1195] : memref<16x192xbf16, #tpu.memory_space<vmem>>, vector<1x192xbf16>
    %mul3A_1197 = vector.broadcast %get3A_1196 : vector<1x192xbf16> to vector<256x192xbf16>
    %mul3A_1198 = arith.mulf %convert_element_type3A_1150, %mul3A_1197 : vector<256x192xbf16>
    %dot_general3A_1199 = arith.constant dense<0.000000e+00> : vector<256x256xf32>
    %dot_general3A_1200 = tpu.matmul %convert_element_type3A_1148, %mul3A_1198, %dot_general3A_1199 {dimension_numbers = #tpu.dot_dimension_numbers<[1], [1], [0], [0], [0, 0, 1, 0], [], []>, transpose_lhs_hint = false} : vector<256x192xbf16>, vector<256x192xbf16>, vector<256x256xf32> -> vector<256x256xf32>
    %slice3A_1201 = vector.extract_strided_slice %get3A_2 {offsets = [2, 0, 0], sizes = [1, 256, 256], strides = [1, 1, 1]} : vector<6x256x256xf32> to vector<1x256x256xf32>
    %squeeze3A_1202 = vector.shape_cast %slice3A_1201 : vector<1x256x256xf32> to vector<256x256xf32>
    %add3A_1203 = arith.addf %dot_general3A_1200, %squeeze3A_1202 : vector<256x256xf32>
    %exp3A_1204 = math.exp %add3A_1203 : vector<256x256xf32>
    %convert_element_type3A_1205 = arith.truncf %exp3A_1204 : vector<256x256xf32> to vector<256x256xbf16>
    %mul3A_1206 = vector.broadcast %get3A_1196 : vector<1x192xbf16> to vector<256x192xbf16>
    %mul3A_1207 = arith.mulf %convert_element_type3A_1152, %mul3A_1206 : vector<256x192xbf16>
    %swap3A_1208 = arith.constant 7 : index
    %swap3A_1209 = arith.constant 512 : index
    %swap3A_1210 = arith.constant 0 : index
    %swap3A_1211 = vector.load %arg9[%swap3A_1208, %swap3A_1209, %swap3A_1210] : memref<12x1536x192xbf16, #tpu.memory_space<vmem>>, vector<1x256x192xbf16>
    %swap3A_1212 = vector.shape_cast %swap3A_1211 : vector<1x256x192xbf16> to vector<256x192xbf16>
    %swap3A_1213 = vector.shape_cast %mul3A_1207 : vector<256x192xbf16> to vector<1x256x192xbf16>
    tpu.vector_store %arg9[%swap3A_1208, %swap3A_1209, %swap3A_1210], %swap3A_1213 {strides = array<i32>} : memref<12x1536x192xbf16, #tpu.memory_space<vmem>>, vector<1x256x192xbf16>,
    %get3A_1214 = arith.constant 3 : index
    %get3A_1215 = arith.constant 0 : index
    %get3A_1216 = vector.load %arg3[%get3A_1214, %get3A_1215] : memref<16x192xbf16, #tpu.memory_space<vmem>>, vector<1x192xbf16>
    %mul3A_1217 = vector.broadcast %get3A_1216 : vector<1x192xbf16> to vector<256x192xbf16>
    %mul3A_1218 = arith.mulf %convert_element_type3A_1150, %mul3A_1217 : vector<256x192xbf16>
    %dot_general3A_1219 = arith.constant dense<0.000000e+00> : vector<256x256xf32>
    %dot_general3A_1220 = tpu.matmul %convert_element_type3A_1148, %mul3A_1218, %dot_general3A_1219 {dimension_numbers = #tpu.dot_dimension_numbers<[1], [1], [0], [0], [0, 0, 1, 0], [], []>, transpose_lhs_hint = false} : vector<256x192xbf16>, vector<256x192xbf16>, vector<256x256xf32> -> vector<256x256xf32>
    %slice3A_1221 = vector.extract_strided_slice %get3A_2 {offsets = [3, 0, 0], sizes = [1, 256, 256], strides = [1, 1, 1]} : vector<6x256x256xf32> to vector<1x256x256xf32>
    %squeeze3A_1222 = vector.shape_cast %slice3A_1221 : vector<1x256x256xf32> to vector<256x256xf32>
    %add3A_1223 = arith.addf %dot_general3A_1220, %squeeze3A_1222 : vector<256x256xf32>
    %exp3A_1224 = math.exp %add3A_1223 : vector<256x256xf32>
    %convert_element_type3A_1225 = arith.truncf %exp3A_1224 : vector<256x256xf32> to vector<256x256xbf16>
    %mul3A_1226 = vector.broadcast %get3A_1216 : vector<1x192xbf16> to vector<256x192xbf16>
    %mul3A_1227 = arith.mulf %convert_element_type3A_1152, %mul3A_1226 : vector<256x192xbf16>
    %swap3A_1228 = arith.constant 7 : index
    %swap3A_1229 = arith.constant 768 : index
    %swap3A_1230 = arith.constant 0 : index
    %swap3A_1231 = vector.load %arg9[%swap3A_1228, %swap3A_1229, %swap3A_1230] : memref<12x1536x192xbf16, #tpu.memory_space<vmem>>, vector<1x256x192xbf16>
    %swap3A_1232 = vector.shape_cast %swap3A_1231 : vector<1x256x192xbf16> to vector<256x192xbf16>
    %swap3A_1233 = vector.shape_cast %mul3A_1227 : vector<256x192xbf16> to vector<1x256x192xbf16>
    tpu.vector_store %arg9[%swap3A_1228, %swap3A_1229, %swap3A_1230], %swap3A_1233 {strides = array<i32>} : memref<12x1536x192xbf16, #tpu.memory_space<vmem>>, vector<1x256x192xbf16>,
    %get3A_1234 = arith.constant 4 : index
    %get3A_1235 = arith.constant 0 : index
    %get3A_1236 = vector.load %arg3[%get3A_1234, %get3A_1235] : memref<16x192xbf16, #tpu.memory_space<vmem>>, vector<1x192xbf16>
    %mul3A_1237 = vector.broadcast %get3A_1236 : vector<1x192xbf16> to vector<256x192xbf16>
    %mul3A_1238 = arith.mulf %convert_element_type3A_1150, %mul3A_1237 : vector<256x192xbf16>
    %dot_general3A_1239 = arith.constant dense<0.000000e+00> : vector<256x256xf32>
    %dot_general3A_1240 = tpu.matmul %convert_element_type3A_1148, %mul3A_1238, %dot_general3A_1239 {dimension_numbers = #tpu.dot_dimension_numbers<[1], [1], [0], [0], [0, 0, 1, 0], [], []>, transpose_lhs_hint = false} : vector<256x192xbf16>, vector<256x192xbf16>, vector<256x256xf32> -> vector<256x256xf32>
    %slice3A_1241 = vector.extract_strided_slice %get3A_2 {offsets = [4, 0, 0], sizes = [1, 256, 256], strides = [1, 1, 1]} : vector<6x256x256xf32> to vector<1x256x256xf32>
    %squeeze3A_1242 = vector.shape_cast %slice3A_1241 : vector<1x256x256xf32> to vector<256x256xf32>
    %add3A_1243 = arith.addf %dot_general3A_1240, %squeeze3A_1242 : vector<256x256xf32>
    %exp3A_1244 = math.exp %add3A_1243 : vector<256x256xf32>
    %convert_element_type3A_1245 = arith.truncf %exp3A_1244 : vector<256x256xf32> to vector<256x256xbf16>
    %mul3A_1246 = vector.broadcast %get3A_1236 : vector<1x192xbf16> to vector<256x192xbf16>
    %mul3A_1247 = arith.mulf %convert_element_type3A_1152, %mul3A_1246 : vector<256x192xbf16>
    %swap3A_1248 = arith.constant 7 : index
    %swap3A_1249 = arith.constant 1024 : index
    %swap3A_1250 = arith.constant 0 : index
    %swap3A_1251 = vector.load %arg9[%swap3A_1248, %swap3A_1249, %swap3A_1250] : memref<12x1536x192xbf16, #tpu.memory_space<vmem>>, vector<1x256x192xbf16>
    %swap3A_1252 = vector.shape_cast %swap3A_1251 : vector<1x256x192xbf16> to vector<256x192xbf16>
    %swap3A_1253 = vector.shape_cast %mul3A_1247 : vector<256x192xbf16> to vector<1x256x192xbf16>
    tpu.vector_store %arg9[%swap3A_1248, %swap3A_1249, %swap3A_1250], %swap3A_1253 {strides = array<i32>} : memref<12x1536x192xbf16, #tpu.memory_space<vmem>>, vector<1x256x192xbf16>,
    %get3A_1254 = arith.constant 5 : index
    %get3A_1255 = arith.constant 0 : index
    %get3A_1256 = vector.load %arg3[%get3A_1254, %get3A_1255] : memref<16x192xbf16, #tpu.memory_space<vmem>>, vector<1x192xbf16>
    %mul3A_1257 = vector.broadcast %get3A_1256 : vector<1x192xbf16> to vector<256x192xbf16>
    %mul3A_1258 = arith.mulf %convert_element_type3A_1150, %mul3A_1257 : vector<256x192xbf16>
    %dot_general3A_1259 = arith.constant dense<0.000000e+00> : vector<256x256xf32>
    %dot_general3A_1260 = tpu.matmul %convert_element_type3A_1148, %mul3A_1258, %dot_general3A_1259 {dimension_numbers = #tpu.dot_dimension_numbers<[1], [1], [0], [0], [0, 0, 1, 0], [], []>, transpose_lhs_hint = false} : vector<256x192xbf16>, vector<256x192xbf16>, vector<256x256xf32> -> vector<256x256xf32>
    %slice3A_1261 = vector.extract_strided_slice %get3A_2 {offsets = [5, 0, 0], sizes = [1, 256, 256], strides = [1, 1, 1]} : vector<6x256x256xf32> to vector<1x256x256xf32>
    %squeeze3A_1262 = vector.shape_cast %slice3A_1261 : vector<1x256x256xf32> to vector<256x256xf32>
    %add3A_1263 = arith.addf %dot_general3A_1260, %squeeze3A_1262 : vector<256x256xf32>
    %exp3A_1264 = math.exp %add3A_1263 : vector<256x256xf32>
    %convert_element_type3A_1265 = arith.truncf %exp3A_1264 : vector<256x256xf32> to vector<256x256xbf16>
    %mul3A_1266 = vector.broadcast %get3A_1256 : vector<1x192xbf16> to vector<256x192xbf16>
    %mul3A_1267 = arith.mulf %convert_element_type3A_1152, %mul3A_1266 : vector<256x192xbf16>
    %swap3A_1268 = arith.constant 7 : index
    %swap3A_1269 = arith.constant 1280 : index
    %swap3A_1270 = arith.constant 0 : index
    %swap3A_1271 = vector.load %arg9[%swap3A_1268, %swap3A_1269, %swap3A_1270] : memref<12x1536x192xbf16, #tpu.memory_space<vmem>>, vector<1x256x192xbf16>
    %swap3A_1272 = vector.shape_cast %swap3A_1271 : vector<1x256x192xbf16> to vector<256x192xbf16>
    %swap3A_1273 = vector.shape_cast %mul3A_1267 : vector<256x192xbf16> to vector<1x256x192xbf16>
    tpu.vector_store %arg9[%swap3A_1268, %swap3A_1269, %swap3A_1270], %swap3A_1273 {strides = array<i32>} : memref<12x1536x192xbf16, #tpu.memory_space<vmem>>, vector<1x256x192xbf16>,
    %concatenate3A_1274 = tpu.concatenate %convert_element_type3A_1165, %convert_element_type3A_1185, %convert_element_type3A_1205, %convert_element_type3A_1225, %convert_element_type3A_1245, %convert_element_type3A_1265 in 1 : vector<256x256xbf16>, vector<256x256xbf16>, vector<256x256xbf16>, vector<256x256xbf16>, vector<256x256xbf16>, vector<256x256xbf16> -> vector<256x1536xbf16>
    %get3A_1275 = arith.constant 7 : index
    %get3A_1276 = arith.constant 0 : index
    %get3A_1277 = arith.constant 0 : index
    %get3A_1278 = vector.load %arg9[%get3A_1275, %get3A_1276, %get3A_1277] : memref<12x1536x192xbf16, #tpu.memory_space<vmem>>, vector<1x1536x192xbf16>
    %get3A_1279 = vector.shape_cast %get3A_1278 : vector<1x1536x192xbf16> to vector<1536x192xbf16>
    %dot_general3A_1280 = arith.constant dense<0.000000e+00> : vector<256x192xf32>
    %dot_general3A_1281 = tpu.matmul %concatenate3A_1274, %get3A_1279, %dot_general3A_1280 {dimension_numbers = #tpu.dot_dimension_numbers<[1], [0], [0], [1], [0, 0, 1, 1], [], []>, transpose_lhs_hint = false} : vector<256x1536xbf16>, vector<1536x192xbf16>, vector<256x192xf32> -> vector<256x192xf32>
    %dot_general3A_1282 = arith.constant dense<0.000000e+00> : vector<256x16xf32>
    %dot_general3A_1283 = tpu.matmul %concatenate3A_1274, %get3A_14, %dot_general3A_1282 {dimension_numbers = #tpu.dot_dimension_numbers<[1], [0], [0], [1], [0, 0, 1, 1], [], []>, transpose_lhs_hint = false} : vector<256x1536xbf16>, vector<1536x16xbf16>, vector<256x16xf32> -> vector<256x16xf32>
    %div3A_1284 = arith.constant 1.000000e+00 : f32
    %div3A_1285 = vector.broadcast %div3A_1284 : f32 to vector<256x16xf32>
    %div3A_1286 = arith.divf %div3A_1285, %dot_general3A_1283 : vector<256x16xf32>
    %dot_general3A_1287 = arith.constant dense<0.000000e+00> : vector<256x192xf32>
    %dot_general3A_1288 = tpu.matmul %div3A_1286, %get3A_11, %dot_general3A_1287 {dimension_numbers = #tpu.dot_dimension_numbers<[1], [0], [0], [1], [0, 0, 1, 1], [], []>, transpose_lhs_hint = false} : vector<256x16xf32>, vector<16x192xf32>, vector<256x192xf32> -> vector<256x192xf32>
    %mul3A_1289 = arith.mulf %dot_general3A_1281, %dot_general3A_1288 : vector<256x192xf32>
    %add3A_1290 = arith.addf %slice3A_1153, %mul3A_1289 : vector<256x192xf32>
    %dot_general3A_1291 = arith.constant dense<0.000000e+00> : vector<256x192xf32>
    %dot_general3A_1292 = tpu.matmul %add3A_1290, %get3A_5, %dot_general3A_1291 {dimension_numbers = #tpu.dot_dimension_numbers<[1], [1], [0], [0], [0, 0, 1, 0], [], []>, transpose_lhs_hint = false} : vector<256x192xf32>, vector<192x192xf32>, vector<256x192xf32> -> vector<256x192xf32>
    %add3A_1293 = vector.broadcast %get3A_8 : vector<1x192xf32> to vector<256x192xf32>
    %add3A_1294 = arith.addf %dot_general3A_1292, %add3A_1293 : vector<256x192xf32>
    %swap3A_1295 = arith.constant 7 : index
    %swap3A_1296 = arith.constant 0 : index
    %swap3A_1297 = arith.constant 0 : index
    %swap3A_1298 = vector.load %arg8[%swap3A_1295, %swap3A_1296, %swap3A_1297] : memref<12x256x192xf32, #tpu.memory_space<vmem>>, vector<1x256x192xf32>
    %swap3A_1299 = vector.shape_cast %swap3A_1298 : vector<1x256x192xf32> to vector<256x192xf32>
    %swap3A_1300 = vector.shape_cast %add3A_1294 : vector<256x192xf32> to vector<1x256x192xf32>
    tpu.vector_store %arg8[%swap3A_1295, %swap3A_1296, %swap3A_1297], %swap3A_1300 {strides = array<i32>} : memref<12x256x192xf32, #tpu.memory_space<vmem>>, vector<1x256x192xf32>,
    %get3A_1301 = arith.constant 8 : index
    %get3A_1302 = arith.constant 0 : index
    %get3A_1303 = arith.constant 0 : index
    %get3A_1304 = vector.load %arg1[%get3A_1301, %get3A_1302, %get3A_1303] : memref<12x256x768xf32, #tpu.memory_space<vmem>>, vector<1x256x768xf32>
    %get3A_1305 = vector.shape_cast %get3A_1304 : vector<1x256x768xf32> to vector<256x768xf32>
    %slice3A_1306 = vector.extract_strided_slice %get3A_1305 {offsets = [0, 0], sizes = [256, 192], strides = [1, 1]} : vector<256x768xf32> to vector<256x192xf32>
    %mul3A_1307 = arith.constant 0.176776692 : f32
    %mul3A_1308 = vector.broadcast %mul3A_1307 : f32 to vector<256x192xf32>
    %mul3A_1309 = arith.mulf %slice3A_1306, %mul3A_1308 : vector<256x192xf32>
    %convert_element_type3A_1310 = arith.truncf %mul3A_1309 : vector<256x192xf32> to vector<256x192xbf16>
    %slice3A_1311 = vector.extract_strided_slice %get3A_1305 {offsets = [0, 192], sizes = [256, 192], strides = [1, 1]} : vector<256x768xf32> to vector<256x192xf32>
    %convert_element_type3A_1312 = arith.truncf %slice3A_1311 : vector<256x192xf32> to vector<256x192xbf16>
    %slice3A_1313 = vector.extract_strided_slice %get3A_1305 {offsets = [0, 384], sizes = [256, 192], strides = [1, 1]} : vector<256x768xf32> to vector<256x192xf32>
    %convert_element_type3A_1314 = arith.truncf %slice3A_1313 : vector<256x192xf32> to vector<256x192xbf16>
    %slice3A_1315 = vector.extract_strided_slice %get3A_1305 {offsets = [0, 576], sizes = [256, 192], strides = [1, 1]} : vector<256x768xf32> to vector<256x192xf32>
    %get3A_1316 = arith.constant 0 : index
    %get3A_1317 = arith.constant 0 : index
    %get3A_1318 = vector.load %arg3[%get3A_1316, %get3A_1317] : memref<16x192xbf16, #tpu.memory_space<vmem>>, vector<1x192xbf16>
    %mul3A_1319 = vector.broadcast %get3A_1318 : vector<1x192xbf16> to vector<256x192xbf16>
    %mul3A_1320 = arith.mulf %convert_element_type3A_1312, %mul3A_1319 : vector<256x192xbf16>
    %dot_general3A_1321 = arith.constant dense<0.000000e+00> : vector<256x256xf32>
    %dot_general3A_1322 = tpu.matmul %convert_element_type3A_1310, %mul3A_1320, %dot_general3A_1321 {dimension_numbers = #tpu.dot_dimension_numbers<[1], [1], [0], [0], [0, 0, 1, 0], [], []>, transpose_lhs_hint = false} : vector<256x192xbf16>, vector<256x192xbf16>, vector<256x256xf32> -> vector<256x256xf32>
    %slice3A_1323 = vector.extract_strided_slice %get3A_2 {offsets = [0, 0, 0], sizes = [1, 256, 256], strides = [1, 1, 1]} : vector<6x256x256xf32> to vector<1x256x256xf32>
    %squeeze3A_1324 = vector.shape_cast %slice3A_1323 : vector<1x256x256xf32> to vector<256x256xf32>
    %add3A_1325 = arith.addf %dot_general3A_1322, %squeeze3A_1324 : vector<256x256xf32>
    %exp3A_1326 = math.exp %add3A_1325 : vector<256x256xf32>
    %convert_element_type3A_1327 = arith.truncf %exp3A_1326 : vector<256x256xf32> to vector<256x256xbf16>
    %mul3A_1328 = vector.broadcast %get3A_1318 : vector<1x192xbf16> to vector<256x192xbf16>
    %mul3A_1329 = arith.mulf %convert_element_type3A_1314, %mul3A_1328 : vector<256x192xbf16>
    %swap3A_1330 = arith.constant 8 : index
    %swap3A_1331 = arith.constant 0 : index
    %swap3A_1332 = arith.constant 0 : index
    %swap3A_1333 = vector.load %arg9[%swap3A_1330, %swap3A_1331, %swap3A_1332] : memref<12x1536x192xbf16, #tpu.memory_space<vmem>>, vector<1x256x192xbf16>
    %swap3A_1334 = vector.shape_cast %swap3A_1333 : vector<1x256x192xbf16> to vector<256x192xbf16>
    %swap3A_1335 = vector.shape_cast %mul3A_1329 : vector<256x192xbf16> to vector<1x256x192xbf16>
    tpu.vector_store %arg9[%swap3A_1330, %swap3A_1331, %swap3A_1332], %swap3A_1335 {strides = array<i32>} : memref<12x1536x192xbf16, #tpu.memory_space<vmem>>, vector<1x256x192xbf16>,
    %get3A_1336 = arith.constant 1 : index
    %get3A_1337 = arith.constant 0 : index
    %get3A_1338 = vector.load %arg3[%get3A_1336, %get3A_1337] : memref<16x192xbf16, #tpu.memory_space<vmem>>, vector<1x192xbf16>
    %mul3A_1339 = vector.broadcast %get3A_1338 : vector<1x192xbf16> to vector<256x192xbf16>
    %mul3A_1340 = arith.mulf %convert_element_type3A_1312, %mul3A_1339 : vector<256x192xbf16>
    %dot_general3A_1341 = arith.constant dense<0.000000e+00> : vector<256x256xf32>
    %dot_general3A_1342 = tpu.matmul %convert_element_type3A_1310, %mul3A_1340, %dot_general3A_1341 {dimension_numbers = #tpu.dot_dimension_numbers<[1], [1], [0], [0], [0, 0, 1, 0], [], []>, transpose_lhs_hint = false} : vector<256x192xbf16>, vector<256x192xbf16>, vector<256x256xf32> -> vector<256x256xf32>
    %slice3A_1343 = vector.extract_strided_slice %get3A_2 {offsets = [1, 0, 0], sizes = [1, 256, 256], strides = [1, 1, 1]} : vector<6x256x256xf32> to vector<1x256x256xf32>
    %squeeze3A_1344 = vector.shape_cast %slice3A_1343 : vector<1x256x256xf32> to vector<256x256xf32>
    %add3A_1345 = arith.addf %dot_general3A_1342, %squeeze3A_1344 : vector<256x256xf32>
    %exp3A_1346 = math.exp %add3A_1345 : vector<256x256xf32>
    %convert_element_type3A_1347 = arith.truncf %exp3A_1346 : vector<256x256xf32> to vector<256x256xbf16>
    %mul3A_1348 = vector.broadcast %get3A_1338 : vector<1x192xbf16> to vector<256x192xbf16>
    %mul3A_1349 = arith.mulf %convert_element_type3A_1314, %mul3A_1348 : vector<256x192xbf16>
    %swap3A_1350 = arith.constant 8 : index
    %swap3A_1351 = arith.constant 256 : index
    %swap3A_1352 = arith.constant 0 : index
    %swap3A_1353 = vector.load %arg9[%swap3A_1350, %swap3A_1351, %swap3A_1352] : memref<12x1536x192xbf16, #tpu.memory_space<vmem>>, vector<1x256x192xbf16>
    %swap3A_1354 = vector.shape_cast %swap3A_1353 : vector<1x256x192xbf16> to vector<256x192xbf16>
    %swap3A_1355 = vector.shape_cast %mul3A_1349 : vector<256x192xbf16> to vector<1x256x192xbf16>
    tpu.vector_store %arg9[%swap3A_1350, %swap3A_1351, %swap3A_1352], %swap3A_1355 {strides = array<i32>} : memref<12x1536x192xbf16, #tpu.memory_space<vmem>>, vector<1x256x192xbf16>,
    %get3A_1356 = arith.constant 2 : index
    %get3A_1357 = arith.constant 0 : index
    %get3A_1358 = vector.load %arg3[%get3A_1356, %get3A_1357] : memref<16x192xbf16, #tpu.memory_space<vmem>>, vector<1x192xbf16>
    %mul3A_1359 = vector.broadcast %get3A_1358 : vector<1x192xbf16> to vector<256x192xbf16>
    %mul3A_1360 = arith.mulf %convert_element_type3A_1312, %mul3A_1359 : vector<256x192xbf16>
    %dot_general3A_1361 = arith.constant dense<0.000000e+00> : vector<256x256xf32>
    %dot_general3A_1362 = tpu.matmul %convert_element_type3A_1310, %mul3A_1360, %dot_general3A_1361 {dimension_numbers = #tpu.dot_dimension_numbers<[1], [1], [0], [0], [0, 0, 1, 0], [], []>, transpose_lhs_hint = false} : vector<256x192xbf16>, vector<256x192xbf16>, vector<256x256xf32> -> vector<256x256xf32>
    %slice3A_1363 = vector.extract_strided_slice %get3A_2 {offsets = [2, 0, 0], sizes = [1, 256, 256], strides = [1, 1, 1]} : vector<6x256x256xf32> to vector<1x256x256xf32>
    %squeeze3A_1364 = vector.shape_cast %slice3A_1363 : vector<1x256x256xf32> to vector<256x256xf32>
    %add3A_1365 = arith.addf %dot_general3A_1362, %squeeze3A_1364 : vector<256x256xf32>
    %exp3A_1366 = math.exp %add3A_1365 : vector<256x256xf32>
    %convert_element_type3A_1367 = arith.truncf %exp3A_1366 : vector<256x256xf32> to vector<256x256xbf16>
    %mul3A_1368 = vector.broadcast %get3A_1358 : vector<1x192xbf16> to vector<256x192xbf16>
    %mul3A_1369 = arith.mulf %convert_element_type3A_1314, %mul3A_1368 : vector<256x192xbf16>
    %swap3A_1370 = arith.constant 8 : index
    %swap3A_1371 = arith.constant 512 : index
    %swap3A_1372 = arith.constant 0 : index
    %swap3A_1373 = vector.load %arg9[%swap3A_1370, %swap3A_1371, %swap3A_1372] : memref<12x1536x192xbf16, #tpu.memory_space<vmem>>, vector<1x256x192xbf16>
    %swap3A_1374 = vector.shape_cast %swap3A_1373 : vector<1x256x192xbf16> to vector<256x192xbf16>
    %swap3A_1375 = vector.shape_cast %mul3A_1369 : vector<256x192xbf16> to vector<1x256x192xbf16>
    tpu.vector_store %arg9[%swap3A_1370, %swap3A_1371, %swap3A_1372], %swap3A_1375 {strides = array<i32>} : memref<12x1536x192xbf16, #tpu.memory_space<vmem>>, vector<1x256x192xbf16>,
    %get3A_1376 = arith.constant 3 : index
    %get3A_1377 = arith.constant 0 : index
    %get3A_1378 = vector.load %arg3[%get3A_1376, %get3A_1377] : memref<16x192xbf16, #tpu.memory_space<vmem>>, vector<1x192xbf16>
    %mul3A_1379 = vector.broadcast %get3A_1378 : vector<1x192xbf16> to vector<256x192xbf16>
    %mul3A_1380 = arith.mulf %convert_element_type3A_1312, %mul3A_1379 : vector<256x192xbf16>
    %dot_general3A_1381 = arith.constant dense<0.000000e+00> : vector<256x256xf32>
    %dot_general3A_1382 = tpu.matmul %convert_element_type3A_1310, %mul3A_1380, %dot_general3A_1381 {dimension_numbers = #tpu.dot_dimension_numbers<[1], [1], [0], [0], [0, 0, 1, 0], [], []>, transpose_lhs_hint = false} : vector<256x192xbf16>, vector<256x192xbf16>, vector<256x256xf32> -> vector<256x256xf32>
    %slice3A_1383 = vector.extract_strided_slice %get3A_2 {offsets = [3, 0, 0], sizes = [1, 256, 256], strides = [1, 1, 1]} : vector<6x256x256xf32> to vector<1x256x256xf32>
    %squeeze3A_1384 = vector.shape_cast %slice3A_1383 : vector<1x256x256xf32> to vector<256x256xf32>
    %add3A_1385 = arith.addf %dot_general3A_1382, %squeeze3A_1384 : vector<256x256xf32>
    %exp3A_1386 = math.exp %add3A_1385 : vector<256x256xf32>
    %convert_element_type3A_1387 = arith.truncf %exp3A_1386 : vector<256x256xf32> to vector<256x256xbf16>
    %mul3A_1388 = vector.broadcast %get3A_1378 : vector<1x192xbf16> to vector<256x192xbf16>
    %mul3A_1389 = arith.mulf %convert_element_type3A_1314, %mul3A_1388 : vector<256x192xbf16>
    %swap3A_1390 = arith.constant 8 : index
    %swap3A_1391 = arith.constant 768 : index
    %swap3A_1392 = arith.constant 0 : index
    %swap3A_1393 = vector.load %arg9[%swap3A_1390, %swap3A_1391, %swap3A_1392] : memref<12x1536x192xbf16, #tpu.memory_space<vmem>>, vector<1x256x192xbf16>
    %swap3A_1394 = vector.shape_cast %swap3A_1393 : vector<1x256x192xbf16> to vector<256x192xbf16>
    %swap3A_1395 = vector.shape_cast %mul3A_1389 : vector<256x192xbf16> to vector<1x256x192xbf16>
    tpu.vector_store %arg9[%swap3A_1390, %swap3A_1391, %swap3A_1392], %swap3A_1395 {strides = array<i32>} : memref<12x1536x192xbf16, #tpu.memory_space<vmem>>, vector<1x256x192xbf16>,
    %get3A_1396 = arith.constant 4 : index
    %get3A_1397 = arith.constant 0 : index
    %get3A_1398 = vector.load %arg3[%get3A_1396, %get3A_1397] : memref<16x192xbf16, #tpu.memory_space<vmem>>, vector<1x192xbf16>
    %mul3A_1399 = vector.broadcast %get3A_1398 : vector<1x192xbf16> to vector<256x192xbf16>
    %mul3A_1400 = arith.mulf %convert_element_type3A_1312, %mul3A_1399 : vector<256x192xbf16>
    %dot_general3A_1401 = arith.constant dense<0.000000e+00> : vector<256x256xf32>
    %dot_general3A_1402 = tpu.matmul %convert_element_type3A_1310, %mul3A_1400, %dot_general3A_1401 {dimension_numbers = #tpu.dot_dimension_numbers<[1], [1], [0], [0], [0, 0, 1, 0], [], []>, transpose_lhs_hint = false} : vector<256x192xbf16>, vector<256x192xbf16>, vector<256x256xf32> -> vector<256x256xf32>
    %slice3A_1403 = vector.extract_strided_slice %get3A_2 {offsets = [4, 0, 0], sizes = [1, 256, 256], strides = [1, 1, 1]} : vector<6x256x256xf32> to vector<1x256x256xf32>
    %squeeze3A_1404 = vector.shape_cast %slice3A_1403 : vector<1x256x256xf32> to vector<256x256xf32>
    %add3A_1405 = arith.addf %dot_general3A_1402, %squeeze3A_1404 : vector<256x256xf32>
    %exp3A_1406 = math.exp %add3A_1405 : vector<256x256xf32>
    %convert_element_type3A_1407 = arith.truncf %exp3A_1406 : vector<256x256xf32> to vector<256x256xbf16>
    %mul3A_1408 = vector.broadcast %get3A_1398 : vector<1x192xbf16> to vector<256x192xbf16>
    %mul3A_1409 = arith.mulf %convert_element_type3A_1314, %mul3A_1408 : vector<256x192xbf16>
    %swap3A_1410 = arith.constant 8 : index
    %swap3A_1411 = arith.constant 1024 : index
    %swap3A_1412 = arith.constant 0 : index
    %swap3A_1413 = vector.load %arg9[%swap3A_1410, %swap3A_1411, %swap3A_1412] : memref<12x1536x192xbf16, #tpu.memory_space<vmem>>, vector<1x256x192xbf16>
    %swap3A_1414 = vector.shape_cast %swap3A_1413 : vector<1x256x192xbf16> to vector<256x192xbf16>
    %swap3A_1415 = vector.shape_cast %mul3A_1409 : vector<256x192xbf16> to vector<1x256x192xbf16>
    tpu.vector_store %arg9[%swap3A_1410, %swap3A_1411, %swap3A_1412], %swap3A_1415 {strides = array<i32>} : memref<12x1536x192xbf16, #tpu.memory_space<vmem>>, vector<1x256x192xbf16>,
    %get3A_1416 = arith.constant 5 : index
    %get3A_1417 = arith.constant 0 : index
    %get3A_1418 = vector.load %arg3[%get3A_1416, %get3A_1417] : memref<16x192xbf16, #tpu.memory_space<vmem>>, vector<1x192xbf16>
    %mul3A_1419 = vector.broadcast %get3A_1418 : vector<1x192xbf16> to vector<256x192xbf16>
    %mul3A_1420 = arith.mulf %convert_element_type3A_1312, %mul3A_1419 : vector<256x192xbf16>
    %dot_general3A_1421 = arith.constant dense<0.000000e+00> : vector<256x256xf32>
    %dot_general3A_1422 = tpu.matmul %convert_element_type3A_1310, %mul3A_1420, %dot_general3A_1421 {dimension_numbers = #tpu.dot_dimension_numbers<[1], [1], [0], [0], [0, 0, 1, 0], [], []>, transpose_lhs_hint = false} : vector<256x192xbf16>, vector<256x192xbf16>, vector<256x256xf32> -> vector<256x256xf32>
    %slice3A_1423 = vector.extract_strided_slice %get3A_2 {offsets = [5, 0, 0], sizes = [1, 256, 256], strides = [1, 1, 1]} : vector<6x256x256xf32> to vector<1x256x256xf32>
    %squeeze3A_1424 = vector.shape_cast %slice3A_1423 : vector<1x256x256xf32> to vector<256x256xf32>
    %add3A_1425 = arith.addf %dot_general3A_1422, %squeeze3A_1424 : vector<256x256xf32>
    %exp3A_1426 = math.exp %add3A_1425 : vector<256x256xf32>
    %convert_element_type3A_1427 = arith.truncf %exp3A_1426 : vector<256x256xf32> to vector<256x256xbf16>
    %mul3A_1428 = vector.broadcast %get3A_1418 : vector<1x192xbf16> to vector<256x192xbf16>
    %mul3A_1429 = arith.mulf %convert_element_type3A_1314, %mul3A_1428 : vector<256x192xbf16>
    %swap3A_1430 = arith.constant 8 : index
    %swap3A_1431 = arith.constant 1280 : index
    %swap3A_1432 = arith.constant 0 : index
    %swap3A_1433 = vector.load %arg9[%swap3A_1430, %swap3A_1431, %swap3A_1432] : memref<12x1536x192xbf16, #tpu.memory_space<vmem>>, vector<1x256x192xbf16>
    %swap3A_1434 = vector.shape_cast %swap3A_1433 : vector<1x256x192xbf16> to vector<256x192xbf16>
    %swap3A_1435 = vector.shape_cast %mul3A_1429 : vector<256x192xbf16> to vector<1x256x192xbf16>
    tpu.vector_store %arg9[%swap3A_1430, %swap3A_1431, %swap3A_1432], %swap3A_1435 {strides = array<i32>} : memref<12x1536x192xbf16, #tpu.memory_space<vmem>>, vector<1x256x192xbf16>,
    %concatenate3A_1436 = tpu.concatenate %convert_element_type3A_1327, %convert_element_type3A_1347, %convert_element_type3A_1367, %convert_element_type3A_1387, %convert_element_type3A_1407, %convert_element_type3A_1427 in 1 : vector<256x256xbf16>, vector<256x256xbf16>, vector<256x256xbf16>, vector<256x256xbf16>, vector<256x256xbf16>, vector<256x256xbf16> -> vector<256x1536xbf16>
    %get3A_1437 = arith.constant 8 : index
    %get3A_1438 = arith.constant 0 : index
    %get3A_1439 = arith.constant 0 : index
    %get3A_1440 = vector.load %arg9[%get3A_1437, %get3A_1438, %get3A_1439] : memref<12x1536x192xbf16, #tpu.memory_space<vmem>>, vector<1x1536x192xbf16>
    %get3A_1441 = vector.shape_cast %get3A_1440 : vector<1x1536x192xbf16> to vector<1536x192xbf16>
    %dot_general3A_1442 = arith.constant dense<0.000000e+00> : vector<256x192xf32>
    %dot_general3A_1443 = tpu.matmul %concatenate3A_1436, %get3A_1441, %dot_general3A_1442 {dimension_numbers = #tpu.dot_dimension_numbers<[1], [0], [0], [1], [0, 0, 1, 1], [], []>, transpose_lhs_hint = false} : vector<256x1536xbf16>, vector<1536x192xbf16>, vector<256x192xf32> -> vector<256x192xf32>
    %dot_general3A_1444 = arith.constant dense<0.000000e+00> : vector<256x16xf32>
    %dot_general3A_1445 = tpu.matmul %concatenate3A_1436, %get3A_14, %dot_general3A_1444 {dimension_numbers = #tpu.dot_dimension_numbers<[1], [0], [0], [1], [0, 0, 1, 1], [], []>, transpose_lhs_hint = false} : vector<256x1536xbf16>, vector<1536x16xbf16>, vector<256x16xf32> -> vector<256x16xf32>
    %div3A_1446 = arith.constant 1.000000e+00 : f32
    %div3A_1447 = vector.broadcast %div3A_1446 : f32 to vector<256x16xf32>
    %div3A_1448 = arith.divf %div3A_1447, %dot_general3A_1445 : vector<256x16xf32>
    %dot_general3A_1449 = arith.constant dense<0.000000e+00> : vector<256x192xf32>
    %dot_general3A_1450 = tpu.matmul %div3A_1448, %get3A_11, %dot_general3A_1449 {dimension_numbers = #tpu.dot_dimension_numbers<[1], [0], [0], [1], [0, 0, 1, 1], [], []>, transpose_lhs_hint = false} : vector<256x16xf32>, vector<16x192xf32>, vector<256x192xf32> -> vector<256x192xf32>
    %mul3A_1451 = arith.mulf %dot_general3A_1443, %dot_general3A_1450 : vector<256x192xf32>
    %add3A_1452 = arith.addf %slice3A_1315, %mul3A_1451 : vector<256x192xf32>
    %dot_general3A_1453 = arith.constant dense<0.000000e+00> : vector<256x192xf32>
    %dot_general3A_1454 = tpu.matmul %add3A_1452, %get3A_5, %dot_general3A_1453 {dimension_numbers = #tpu.dot_dimension_numbers<[1], [1], [0], [0], [0, 0, 1, 0], [], []>, transpose_lhs_hint = false} : vector<256x192xf32>, vector<192x192xf32>, vector<256x192xf32> -> vector<256x192xf32>
    %add3A_1455 = vector.broadcast %get3A_8 : vector<1x192xf32> to vector<256x192xf32>
    %add3A_1456 = arith.addf %dot_general3A_1454, %add3A_1455 : vector<256x192xf32>
    %swap3A_1457 = arith.constant 8 : index
    %swap3A_1458 = arith.constant 0 : index
    %swap3A_1459 = arith.constant 0 : index
    %swap3A_1460 = vector.load %arg8[%swap3A_1457, %swap3A_1458, %swap3A_1459] : memref<12x256x192xf32, #tpu.memory_space<vmem>>, vector<1x256x192xf32>
    %swap3A_1461 = vector.shape_cast %swap3A_1460 : vector<1x256x192xf32> to vector<256x192xf32>
    %swap3A_1462 = vector.shape_cast %add3A_1456 : vector<256x192xf32> to vector<1x256x192xf32>
    tpu.vector_store %arg8[%swap3A_1457, %swap3A_1458, %swap3A_1459], %swap3A_1462 {strides = array<i32>} : memref<12x256x192xf32, #tpu.memory_space<vmem>>, vector<1x256x192xf32>,
    %get3A_1463 = arith.constant 9 : index
    %get3A_1464 = arith.constant 0 : index
    %get3A_1465 = arith.constant 0 : index
    %get3A_1466 = vector.load %arg1[%get3A_1463, %get3A_1464, %get3A_1465] : memref<12x256x768xf32, #tpu.memory_space<vmem>>, vector<1x256x768xf32>
    %get3A_1467 = vector.shape_cast %get3A_1466 : vector<1x256x768xf32> to vector<256x768xf32>
    %slice3A_1468 = vector.extract_strided_slice %get3A_1467 {offsets = [0, 0], sizes = [256, 192], strides = [1, 1]} : vector<256x768xf32> to vector<256x192xf32>
    %mul3A_1469 = arith.constant 0.176776692 : f32
    %mul3A_1470 = vector.broadcast %mul3A_1469 : f32 to vector<256x192xf32>
    %mul3A_1471 = arith.mulf %slice3A_1468, %mul3A_1470 : vector<256x192xf32>
    %convert_element_type3A_1472 = arith.truncf %mul3A_1471 : vector<256x192xf32> to vector<256x192xbf16>
    %slice3A_1473 = vector.extract_strided_slice %get3A_1467 {offsets = [0, 192], sizes = [256, 192], strides = [1, 1]} : vector<256x768xf32> to vector<256x192xf32>
    %convert_element_type3A_1474 = arith.truncf %slice3A_1473 : vector<256x192xf32> to vector<256x192xbf16>
    %slice3A_1475 = vector.extract_strided_slice %get3A_1467 {offsets = [0, 384], sizes = [256, 192], strides = [1, 1]} : vector<256x768xf32> to vector<256x192xf32>
    %convert_element_type3A_1476 = arith.truncf %slice3A_1475 : vector<256x192xf32> to vector<256x192xbf16>
    %slice3A_1477 = vector.extract_strided_slice %get3A_1467 {offsets = [0, 576], sizes = [256, 192], strides = [1, 1]} : vector<256x768xf32> to vector<256x192xf32>
    %get3A_1478 = arith.constant 0 : index
    %get3A_1479 = arith.constant 0 : index
    %get3A_1480 = vector.load %arg3[%get3A_1478, %get3A_1479] : memref<16x192xbf16, #tpu.memory_space<vmem>>, vector<1x192xbf16>
    %mul3A_1481 = vector.broadcast %get3A_1480 : vector<1x192xbf16> to vector<256x192xbf16>
    %mul3A_1482 = arith.mulf %convert_element_type3A_1474, %mul3A_1481 : vector<256x192xbf16>
    %dot_general3A_1483 = arith.constant dense<0.000000e+00> : vector<256x256xf32>
    %dot_general3A_1484 = tpu.matmul %convert_element_type3A_1472, %mul3A_1482, %dot_general3A_1483 {dimension_numbers = #tpu.dot_dimension_numbers<[1], [1], [0], [0], [0, 0, 1, 0], [], []>, transpose_lhs_hint = false} : vector<256x192xbf16>, vector<256x192xbf16>, vector<256x256xf32> -> vector<256x256xf32>
    %slice3A_1485 = vector.extract_strided_slice %get3A_2 {offsets = [0, 0, 0], sizes = [1, 256, 256], strides = [1, 1, 1]} : vector<6x256x256xf32> to vector<1x256x256xf32>
    %squeeze3A_1486 = vector.shape_cast %slice3A_1485 : vector<1x256x256xf32> to vector<256x256xf32>
    %add3A_1487 = arith.addf %dot_general3A_1484, %squeeze3A_1486 : vector<256x256xf32>
    %exp3A_1488 = math.exp %add3A_1487 : vector<256x256xf32>
    %convert_element_type3A_1489 = arith.truncf %exp3A_1488 : vector<256x256xf32> to vector<256x256xbf16>
    %mul3A_1490 = vector.broadcast %get3A_1480 : vector<1x192xbf16> to vector<256x192xbf16>
    %mul3A_1491 = arith.mulf %convert_element_type3A_1476, %mul3A_1490 : vector<256x192xbf16>
    %swap3A_1492 = arith.constant 9 : index
    %swap3A_1493 = arith.constant 0 : index
    %swap3A_1494 = arith.constant 0 : index
    %swap3A_1495 = vector.load %arg9[%swap3A_1492, %swap3A_1493, %swap3A_1494] : memref<12x1536x192xbf16, #tpu.memory_space<vmem>>, vector<1x256x192xbf16>
    %swap3A_1496 = vector.shape_cast %swap3A_1495 : vector<1x256x192xbf16> to vector<256x192xbf16>
    %swap3A_1497 = vector.shape_cast %mul3A_1491 : vector<256x192xbf16> to vector<1x256x192xbf16>
    tpu.vector_store %arg9[%swap3A_1492, %swap3A_1493, %swap3A_1494], %swap3A_1497 {strides = array<i32>} : memref<12x1536x192xbf16, #tpu.memory_space<vmem>>, vector<1x256x192xbf16>,
    %get3A_1498 = arith.constant 1 : index
    %get3A_1499 = arith.constant 0 : index
    %get3A_1500 = vector.load %arg3[%get3A_1498, %get3A_1499] : memref<16x192xbf16, #tpu.memory_space<vmem>>, vector<1x192xbf16>
    %mul3A_1501 = vector.broadcast %get3A_1500 : vector<1x192xbf16> to vector<256x192xbf16>
    %mul3A_1502 = arith.mulf %convert_element_type3A_1474, %mul3A_1501 : vector<256x192xbf16>
    %dot_general3A_1503 = arith.constant dense<0.000000e+00> : vector<256x256xf32>
    %dot_general3A_1504 = tpu.matmul %convert_element_type3A_1472, %mul3A_1502, %dot_general3A_1503 {dimension_numbers = #tpu.dot_dimension_numbers<[1], [1], [0], [0], [0, 0, 1, 0], [], []>, transpose_lhs_hint = false} : vector<256x192xbf16>, vector<256x192xbf16>, vector<256x256xf32> -> vector<256x256xf32>
    %slice3A_1505 = vector.extract_strided_slice %get3A_2 {offsets = [1, 0, 0], sizes = [1, 256, 256], strides = [1, 1, 1]} : vector<6x256x256xf32> to vector<1x256x256xf32>
    %squeeze3A_1506 = vector.shape_cast %slice3A_1505 : vector<1x256x256xf32> to vector<256x256xf32>
    %add3A_1507 = arith.addf %dot_general3A_1504, %squeeze3A_1506 : vector<256x256xf32>
    %exp3A_1508 = math.exp %add3A_1507 : vector<256x256xf32>
    %convert_element_type3A_1509 = arith.truncf %exp3A_1508 : vector<256x256xf32> to vector<256x256xbf16>
    %mul3A_1510 = vector.broadcast %get3A_1500 : vector<1x192xbf16> to vector<256x192xbf16>
    %mul3A_1511 = arith.mulf %convert_element_type3A_1476, %mul3A_1510 : vector<256x192xbf16>
    %swap3A_1512 = arith.constant 9 : index
    %swap3A_1513 = arith.constant 256 : index
    %swap3A_1514 = arith.constant 0 : index
    %swap3A_1515 = vector.load %arg9[%swap3A_1512, %swap3A_1513, %swap3A_1514] : memref<12x1536x192xbf16, #tpu.memory_space<vmem>>, vector<1x256x192xbf16>
    %swap3A_1516 = vector.shape_cast %swap3A_1515 : vector<1x256x192xbf16> to vector<256x192xbf16>
    %swap3A_1517 = vector.shape_cast %mul3A_1511 : vector<256x192xbf16> to vector<1x256x192xbf16>
    tpu.vector_store %arg9[%swap3A_1512, %swap3A_1513, %swap3A_1514], %swap3A_1517 {strides = array<i32>} : memref<12x1536x192xbf16, #tpu.memory_space<vmem>>, vector<1x256x192xbf16>,
    %get3A_1518 = arith.constant 2 : index
    %get3A_1519 = arith.constant 0 : index
    %get3A_1520 = vector.load %arg3[%get3A_1518, %get3A_1519] : memref<16x192xbf16, #tpu.memory_space<vmem>>, vector<1x192xbf16>
    %mul3A_1521 = vector.broadcast %get3A_1520 : vector<1x192xbf16> to vector<256x192xbf16>
    %mul3A_1522 = arith.mulf %convert_element_type3A_1474, %mul3A_1521 : vector<256x192xbf16>
    %dot_general3A_1523 = arith.constant dense<0.000000e+00> : vector<256x256xf32>
    %dot_general3A_1524 = tpu.matmul %convert_element_type3A_1472, %mul3A_1522, %dot_general3A_1523 {dimension_numbers = #tpu.dot_dimension_numbers<[1], [1], [0], [0], [0, 0, 1, 0], [], []>, transpose_lhs_hint = false} : vector<256x192xbf16>, vector<256x192xbf16>, vector<256x256xf32> -> vector<256x256xf32>
    %slice3A_1525 = vector.extract_strided_slice %get3A_2 {offsets = [2, 0, 0], sizes = [1, 256, 256], strides = [1, 1, 1]} : vector<6x256x256xf32> to vector<1x256x256xf32>
    %squeeze3A_1526 = vector.shape_cast %slice3A_1525 : vector<1x256x256xf32> to vector<256x256xf32>
    %add3A_1527 = arith.addf %dot_general3A_1524, %squeeze3A_1526 : vector<256x256xf32>
    %exp3A_1528 = math.exp %add3A_1527 : vector<256x256xf32>
    %convert_element_type3A_1529 = arith.truncf %exp3A_1528 : vector<256x256xf32> to vector<256x256xbf16>
    %mul3A_1530 = vector.broadcast %get3A_1520 : vector<1x192xbf16> to vector<256x192xbf16>
    %mul3A_1531 = arith.mulf %convert_element_type3A_1476, %mul3A_1530 : vector<256x192xbf16>
    %swap3A_1532 = arith.constant 9 : index
    %swap3A_1533 = arith.constant 512 : index
    %swap3A_1534 = arith.constant 0 : index
    %swap3A_1535 = vector.load %arg9[%swap3A_1532, %swap3A_1533, %swap3A_1534] : memref<12x1536x192xbf16, #tpu.memory_space<vmem>>, vector<1x256x192xbf16>
    %swap3A_1536 = vector.shape_cast %swap3A_1535 : vector<1x256x192xbf16> to vector<256x192xbf16>
    %swap3A_1537 = vector.shape_cast %mul3A_1531 : vector<256x192xbf16> to vector<1x256x192xbf16>
    tpu.vector_store %arg9[%swap3A_1532, %swap3A_1533, %swap3A_1534], %swap3A_1537 {strides = array<i32>} : memref<12x1536x192xbf16, #tpu.memory_space<vmem>>, vector<1x256x192xbf16>,
    %get3A_1538 = arith.constant 3 : index
    %get3A_1539 = arith.constant 0 : index
    %get3A_1540 = vector.load %arg3[%get3A_1538, %get3A_1539] : memref<16x192xbf16, #tpu.memory_space<vmem>>, vector<1x192xbf16>
    %mul3A_1541 = vector.broadcast %get3A_1540 : vector<1x192xbf16> to vector<256x192xbf16>
    %mul3A_1542 = arith.mulf %convert_element_type3A_1474, %mul3A_1541 : vector<256x192xbf16>
    %dot_general3A_1543 = arith.constant dense<0.000000e+00> : vector<256x256xf32>
    %dot_general3A_1544 = tpu.matmul %convert_element_type3A_1472, %mul3A_1542, %dot_general3A_1543 {dimension_numbers = #tpu.dot_dimension_numbers<[1], [1], [0], [0], [0, 0, 1, 0], [], []>, transpose_lhs_hint = false} : vector<256x192xbf16>, vector<256x192xbf16>, vector<256x256xf32> -> vector<256x256xf32>
    %slice3A_1545 = vector.extract_strided_slice %get3A_2 {offsets = [3, 0, 0], sizes = [1, 256, 256], strides = [1, 1, 1]} : vector<6x256x256xf32> to vector<1x256x256xf32>
    %squeeze3A_1546 = vector.shape_cast %slice3A_1545 : vector<1x256x256xf32> to vector<256x256xf32>
    %add3A_1547 = arith.addf %dot_general3A_1544, %squeeze3A_1546 : vector<256x256xf32>
    %exp3A_1548 = math.exp %add3A_1547 : vector<256x256xf32>
    %convert_element_type3A_1549 = arith.truncf %exp3A_1548 : vector<256x256xf32> to vector<256x256xbf16>
    %mul3A_1550 = vector.broadcast %get3A_1540 : vector<1x192xbf16> to vector<256x192xbf16>
    %mul3A_1551 = arith.mulf %convert_element_type3A_1476, %mul3A_1550 : vector<256x192xbf16>
    %swap3A_1552 = arith.constant 9 : index
    %swap3A_1553 = arith.constant 768 : index
    %swap3A_1554 = arith.constant 0 : index
    %swap3A_1555 = vector.load %arg9[%swap3A_1552, %swap3A_1553, %swap3A_1554] : memref<12x1536x192xbf16, #tpu.memory_space<vmem>>, vector<1x256x192xbf16>
    %swap3A_1556 = vector.shape_cast %swap3A_1555 : vector<1x256x192xbf16> to vector<256x192xbf16>
    %swap3A_1557 = vector.shape_cast %mul3A_1551 : vector<256x192xbf16> to vector<1x256x192xbf16>
    tpu.vector_store %arg9[%swap3A_1552, %swap3A_1553, %swap3A_1554], %swap3A_1557 {strides = array<i32>} : memref<12x1536x192xbf16, #tpu.memory_space<vmem>>, vector<1x256x192xbf16>,
    %get3A_1558 = arith.constant 4 : index
    %get3A_1559 = arith.constant 0 : index
    %get3A_1560 = vector.load %arg3[%get3A_1558, %get3A_1559] : memref<16x192xbf16, #tpu.memory_space<vmem>>, vector<1x192xbf16>
    %mul3A_1561 = vector.broadcast %get3A_1560 : vector<1x192xbf16> to vector<256x192xbf16>
    %mul3A_1562 = arith.mulf %convert_element_type3A_1474, %mul3A_1561 : vector<256x192xbf16>
    %dot_general3A_1563 = arith.constant dense<0.000000e+00> : vector<256x256xf32>
    %dot_general3A_1564 = tpu.matmul %convert_element_type3A_1472, %mul3A_1562, %dot_general3A_1563 {dimension_numbers = #tpu.dot_dimension_numbers<[1], [1], [0], [0], [0, 0, 1, 0], [], []>, transpose_lhs_hint = false} : vector<256x192xbf16>, vector<256x192xbf16>, vector<256x256xf32> -> vector<256x256xf32>
    %slice3A_1565 = vector.extract_strided_slice %get3A_2 {offsets = [4, 0, 0], sizes = [1, 256, 256], strides = [1, 1, 1]} : vector<6x256x256xf32> to vector<1x256x256xf32>
    %squeeze3A_1566 = vector.shape_cast %slice3A_1565 : vector<1x256x256xf32> to vector<256x256xf32>
    %add3A_1567 = arith.addf %dot_general3A_1564, %squeeze3A_1566 : vector<256x256xf32>
    %exp3A_1568 = math.exp %add3A_1567 : vector<256x256xf32>
    %convert_element_type3A_1569 = arith.truncf %exp3A_1568 : vector<256x256xf32> to vector<256x256xbf16>
    %mul3A_1570 = vector.broadcast %get3A_1560 : vector<1x192xbf16> to vector<256x192xbf16>
    %mul3A_1571 = arith.mulf %convert_element_type3A_1476, %mul3A_1570 : vector<256x192xbf16>
    %swap3A_1572 = arith.constant 9 : index
    %swap3A_1573 = arith.constant 1024 : index
    %swap3A_1574 = arith.constant 0 : index
    %swap3A_1575 = vector.load %arg9[%swap3A_1572, %swap3A_1573, %swap3A_1574] : memref<12x1536x192xbf16, #tpu.memory_space<vmem>>, vector<1x256x192xbf16>
    %swap3A_1576 = vector.shape_cast %swap3A_1575 : vector<1x256x192xbf16> to vector<256x192xbf16>
    %swap3A_1577 = vector.shape_cast %mul3A_1571 : vector<256x192xbf16> to vector<1x256x192xbf16>
    tpu.vector_store %arg9[%swap3A_1572, %swap3A_1573, %swap3A_1574], %swap3A_1577 {strides = array<i32>} : memref<12x1536x192xbf16, #tpu.memory_space<vmem>>, vector<1x256x192xbf16>,
    %get3A_1578 = arith.constant 5 : index
    %get3A_1579 = arith.constant 0 : index
    %get3A_1580 = vector.load %arg3[%get3A_1578, %get3A_1579] : memref<16x192xbf16, #tpu.memory_space<vmem>>, vector<1x192xbf16>
    %mul3A_1581 = vector.broadcast %get3A_1580 : vector<1x192xbf16> to vector<256x192xbf16>
    %mul3A_1582 = arith.mulf %convert_element_type3A_1474, %mul3A_1581 : vector<256x192xbf16>
    %dot_general3A_1583 = arith.constant dense<0.000000e+00> : vector<256x256xf32>
    %dot_general3A_1584 = tpu.matmul %convert_element_type3A_1472, %mul3A_1582, %dot_general3A_1583 {dimension_numbers = #tpu.dot_dimension_numbers<[1], [1], [0], [0], [0, 0, 1, 0], [], []>, transpose_lhs_hint = false} : vector<256x192xbf16>, vector<256x192xbf16>, vector<256x256xf32> -> vector<256x256xf32>
    %slice3A_1585 = vector.extract_strided_slice %get3A_2 {offsets = [5, 0, 0], sizes = [1, 256, 256], strides = [1, 1, 1]} : vector<6x256x256xf32> to vector<1x256x256xf32>
    %squeeze3A_1586 = vector.shape_cast %slice3A_1585 : vector<1x256x256xf32> to vector<256x256xf32>
    %add3A_1587 = arith.addf %dot_general3A_1584, %squeeze3A_1586 : vector<256x256xf32>
    %exp3A_1588 = math.exp %add3A_1587 : vector<256x256xf32>
    %convert_element_type3A_1589 = arith.truncf %exp3A_1588 : vector<256x256xf32> to vector<256x256xbf16>
    %mul3A_1590 = vector.broadcast %get3A_1580 : vector<1x192xbf16> to vector<256x192xbf16>
    %mul3A_1591 = arith.mulf %convert_element_type3A_1476, %mul3A_1590 : vector<256x192xbf16>
    %swap3A_1592 = arith.constant 9 : index
    %swap3A_1593 = arith.constant 1280 : index
    %swap3A_1594 = arith.constant 0 : index
    %swap3A_1595 = vector.load %arg9[%swap3A_1592, %swap3A_1593, %swap3A_1594] : memref<12x1536x192xbf16, #tpu.memory_space<vmem>>, vector<1x256x192xbf16>
    %swap3A_1596 = vector.shape_cast %swap3A_1595 : vector<1x256x192xbf16> to vector<256x192xbf16>
    %swap3A_1597 = vector.shape_cast %mul3A_1591 : vector<256x192xbf16> to vector<1x256x192xbf16>
    tpu.vector_store %arg9[%swap3A_1592, %swap3A_1593, %swap3A_1594], %swap3A_1597 {strides = array<i32>} : memref<12x1536x192xbf16, #tpu.memory_space<vmem>>, vector<1x256x192xbf16>,
    %concatenate3A_1598 = tpu.concatenate %convert_element_type3A_1489, %convert_element_type3A_1509, %convert_element_type3A_1529, %convert_element_type3A_1549, %convert_element_type3A_1569, %convert_element_type3A_1589 in 1 : vector<256x256xbf16>, vector<256x256xbf16>, vector<256x256xbf16>, vector<256x256xbf16>, vector<256x256xbf16>, vector<256x256xbf16> -> vector<256x1536xbf16>
    %get3A_1599 = arith.constant 9 : index
    %get3A_1600 = arith.constant 0 : index
    %get3A_1601 = arith.constant 0 : index
    %get3A_1602 = vector.load %arg9[%get3A_1599, %get3A_1600, %get3A_1601] : memref<12x1536x192xbf16, #tpu.memory_space<vmem>>, vector<1x1536x192xbf16>
    %get3A_1603 = vector.shape_cast %get3A_1602 : vector<1x1536x192xbf16> to vector<1536x192xbf16>
    %dot_general3A_1604 = arith.constant dense<0.000000e+00> : vector<256x192xf32>
    %dot_general3A_1605 = tpu.matmul %concatenate3A_1598, %get3A_1603, %dot_general3A_1604 {dimension_numbers = #tpu.dot_dimension_numbers<[1], [0], [0], [1], [0, 0, 1, 1], [], []>, transpose_lhs_hint = false} : vector<256x1536xbf16>, vector<1536x192xbf16>, vector<256x192xf32> -> vector<256x192xf32>
    %dot_general3A_1606 = arith.constant dense<0.000000e+00> : vector<256x16xf32>
    %dot_general3A_1607 = tpu.matmul %concatenate3A_1598, %get3A_14, %dot_general3A_1606 {dimension_numbers = #tpu.dot_dimension_numbers<[1], [0], [0], [1], [0, 0, 1, 1], [], []>, transpose_lhs_hint = false} : vector<256x1536xbf16>, vector<1536x16xbf16>, vector<256x16xf32> -> vector<256x16xf32>
    %div3A_1608 = arith.constant 1.000000e+00 : f32
    %div3A_1609 = vector.broadcast %div3A_1608 : f32 to vector<256x16xf32>
    %div3A_1610 = arith.divf %div3A_1609, %dot_general3A_1607 : vector<256x16xf32>
    %dot_general3A_1611 = arith.constant dense<0.000000e+00> : vector<256x192xf32>
    %dot_general3A_1612 = tpu.matmul %div3A_1610, %get3A_11, %dot_general3A_1611 {dimension_numbers = #tpu.dot_dimension_numbers<[1], [0], [0], [1], [0, 0, 1, 1], [], []>, transpose_lhs_hint = false} : vector<256x16xf32>, vector<16x192xf32>, vector<256x192xf32> -> vector<256x192xf32>
    %mul3A_1613 = arith.mulf %dot_general3A_1605, %dot_general3A_1612 : vector<256x192xf32>
    %add3A_1614 = arith.addf %slice3A_1477, %mul3A_1613 : vector<256x192xf32>
    %dot_general3A_1615 = arith.constant dense<0.000000e+00> : vector<256x192xf32>
    %dot_general3A_1616 = tpu.matmul %add3A_1614, %get3A_5, %dot_general3A_1615 {dimension_numbers = #tpu.dot_dimension_numbers<[1], [1], [0], [0], [0, 0, 1, 0], [], []>, transpose_lhs_hint = false} : vector<256x192xf32>, vector<192x192xf32>, vector<256x192xf32> -> vector<256x192xf32>
    %add3A_1617 = vector.broadcast %get3A_8 : vector<1x192xf32> to vector<256x192xf32>
    %add3A_1618 = arith.addf %dot_general3A_1616, %add3A_1617 : vector<256x192xf32>
    %swap3A_1619 = arith.constant 9 : index
    %swap3A_1620 = arith.constant 0 : index
    %swap3A_1621 = arith.constant 0 : index
    %swap3A_1622 = vector.load %arg8[%swap3A_1619, %swap3A_1620, %swap3A_1621] : memref<12x256x192xf32, #tpu.memory_space<vmem>>, vector<1x256x192xf32>
    %swap3A_1623 = vector.shape_cast %swap3A_1622 : vector<1x256x192xf32> to vector<256x192xf32>
    %swap3A_1624 = vector.shape_cast %add3A_1618 : vector<256x192xf32> to vector<1x256x192xf32>
    tpu.vector_store %arg8[%swap3A_1619, %swap3A_1620, %swap3A_1621], %swap3A_1624 {strides = array<i32>} : memref<12x256x192xf32, #tpu.memory_space<vmem>>, vector<1x256x192xf32>,
    %get3A_1625 = arith.constant 10 : index
    %get3A_1626 = arith.constant 0 : index
    %get3A_1627 = arith.constant 0 : index
    %get3A_1628 = vector.load %arg1[%get3A_1625, %get3A_1626, %get3A_1627] : memref<12x256x768xf32, #tpu.memory_space<vmem>>, vector<1x256x768xf32>
    %get3A_1629 = vector.shape_cast %get3A_1628 : vector<1x256x768xf32> to vector<256x768xf32>
    %slice3A_1630 = vector.extract_strided_slice %get3A_1629 {offsets = [0, 0], sizes = [256, 192], strides = [1, 1]} : vector<256x768xf32> to vector<256x192xf32>
    %mul3A_1631 = arith.constant 0.176776692 : f32
    %mul3A_1632 = vector.broadcast %mul3A_1631 : f32 to vector<256x192xf32>
    %mul3A_1633 = arith.mulf %slice3A_1630, %mul3A_1632 : vector<256x192xf32>
    %convert_element_type3A_1634 = arith.truncf %mul3A_1633 : vector<256x192xf32> to vector<256x192xbf16>
    %slice3A_1635 = vector.extract_strided_slice %get3A_1629 {offsets = [0, 192], sizes = [256, 192], strides = [1, 1]} : vector<256x768xf32> to vector<256x192xf32>
    %convert_element_type3A_1636 = arith.truncf %slice3A_1635 : vector<256x192xf32> to vector<256x192xbf16>
    %slice3A_1637 = vector.extract_strided_slice %get3A_1629 {offsets = [0, 384], sizes = [256, 192], strides = [1, 1]} : vector<256x768xf32> to vector<256x192xf32>
    %convert_element_type3A_1638 = arith.truncf %slice3A_1637 : vector<256x192xf32> to vector<256x192xbf16>
    %slice3A_1639 = vector.extract_strided_slice %get3A_1629 {offsets = [0, 576], sizes = [256, 192], strides = [1, 1]} : vector<256x768xf32> to vector<256x192xf32>
    %get3A_1640 = arith.constant 0 : index
    %get3A_1641 = arith.constant 0 : index
    %get3A_1642 = vector.load %arg3[%get3A_1640, %get3A_1641] : memref<16x192xbf16, #tpu.memory_space<vmem>>, vector<1x192xbf16>
    %mul3A_1643 = vector.broadcast %get3A_1642 : vector<1x192xbf16> to vector<256x192xbf16>
    %mul3A_1644 = arith.mulf %convert_element_type3A_1636, %mul3A_1643 : vector<256x192xbf16>
    %dot_general3A_1645 = arith.constant dense<0.000000e+00> : vector<256x256xf32>
    %dot_general3A_1646 = tpu.matmul %convert_element_type3A_1634, %mul3A_1644, %dot_general3A_1645 {dimension_numbers = #tpu.dot_dimension_numbers<[1], [1], [0], [0], [0, 0, 1, 0], [], []>, transpose_lhs_hint = false} : vector<256x192xbf16>, vector<256x192xbf16>, vector<256x256xf32> -> vector<256x256xf32>
    %slice3A_1647 = vector.extract_strided_slice %get3A_2 {offsets = [0, 0, 0], sizes = [1, 256, 256], strides = [1, 1, 1]} : vector<6x256x256xf32> to vector<1x256x256xf32>
    %squeeze3A_1648 = vector.shape_cast %slice3A_1647 : vector<1x256x256xf32> to vector<256x256xf32>
    %add3A_1649 = arith.addf %dot_general3A_1646, %squeeze3A_1648 : vector<256x256xf32>
    %exp3A_1650 = math.exp %add3A_1649 : vector<256x256xf32>
    %convert_element_type3A_1651 = arith.truncf %exp3A_1650 : vector<256x256xf32> to vector<256x256xbf16>
    %mul3A_1652 = vector.broadcast %get3A_1642 : vector<1x192xbf16> to vector<256x192xbf16>
    %mul3A_1653 = arith.mulf %convert_element_type3A_1638, %mul3A_1652 : vector<256x192xbf16>
    %swap3A_1654 = arith.constant 10 : index
    %swap3A_1655 = arith.constant 0 : index
    %swap3A_1656 = arith.constant 0 : index
    %swap3A_1657 = vector.load %arg9[%swap3A_1654, %swap3A_1655, %swap3A_1656] : memref<12x1536x192xbf16, #tpu.memory_space<vmem>>, vector<1x256x192xbf16>
    %swap3A_1658 = vector.shape_cast %swap3A_1657 : vector<1x256x192xbf16> to vector<256x192xbf16>
    %swap3A_1659 = vector.shape_cast %mul3A_1653 : vector<256x192xbf16> to vector<1x256x192xbf16>
    tpu.vector_store %arg9[%swap3A_1654, %swap3A_1655, %swap3A_1656], %swap3A_1659 {strides = array<i32>} : memref<12x1536x192xbf16, #tpu.memory_space<vmem>>, vector<1x256x192xbf16>,
    %get3A_1660 = arith.constant 1 : index
    %get3A_1661 = arith.constant 0 : index
    %get3A_1662 = vector.load %arg3[%get3A_1660, %get3A_1661] : memref<16x192xbf16, #tpu.memory_space<vmem>>, vector<1x192xbf16>
    %mul3A_1663 = vector.broadcast %get3A_1662 : vector<1x192xbf16> to vector<256x192xbf16>
    %mul3A_1664 = arith.mulf %convert_element_type3A_1636, %mul3A_1663 : vector<256x192xbf16>
    %dot_general3A_1665 = arith.constant dense<0.000000e+00> : vector<256x256xf32>
    %dot_general3A_1666 = tpu.matmul %convert_element_type3A_1634, %mul3A_1664, %dot_general3A_1665 {dimension_numbers = #tpu.dot_dimension_numbers<[1], [1], [0], [0], [0, 0, 1, 0], [], []>, transpose_lhs_hint = false} : vector<256x192xbf16>, vector<256x192xbf16>, vector<256x256xf32> -> vector<256x256xf32>
    %slice3A_1667 = vector.extract_strided_slice %get3A_2 {offsets = [1, 0, 0], sizes = [1, 256, 256], strides = [1, 1, 1]} : vector<6x256x256xf32> to vector<1x256x256xf32>
    %squeeze3A_1668 = vector.shape_cast %slice3A_1667 : vector<1x256x256xf32> to vector<256x256xf32>
    %add3A_1669 = arith.addf %dot_general3A_1666, %squeeze3A_1668 : vector<256x256xf32>
    %exp3A_1670 = math.exp %add3A_1669 : vector<256x256xf32>
    %convert_element_type3A_1671 = arith.truncf %exp3A_1670 : vector<256x256xf32> to vector<256x256xbf16>
    %mul3A_1672 = vector.broadcast %get3A_1662 : vector<1x192xbf16> to vector<256x192xbf16>
    %mul3A_1673 = arith.mulf %convert_element_type3A_1638, %mul3A_1672 : vector<256x192xbf16>
    %swap3A_1674 = arith.constant 10 : index
    %swap3A_1675 = arith.constant 256 : index
    %swap3A_1676 = arith.constant 0 : index
    %swap3A_1677 = vector.load %arg9[%swap3A_1674, %swap3A_1675, %swap3A_1676] : memref<12x1536x192xbf16, #tpu.memory_space<vmem>>, vector<1x256x192xbf16>
    %swap3A_1678 = vector.shape_cast %swap3A_1677 : vector<1x256x192xbf16> to vector<256x192xbf16>
    %swap3A_1679 = vector.shape_cast %mul3A_1673 : vector<256x192xbf16> to vector<1x256x192xbf16>
    tpu.vector_store %arg9[%swap3A_1674, %swap3A_1675, %swap3A_1676], %swap3A_1679 {strides = array<i32>} : memref<12x1536x192xbf16, #tpu.memory_space<vmem>>, vector<1x256x192xbf16>,
    %get3A_1680 = arith.constant 2 : index
    %get3A_1681 = arith.constant 0 : index
    %get3A_1682 = vector.load %arg3[%get3A_1680, %get3A_1681] : memref<16x192xbf16, #tpu.memory_space<vmem>>, vector<1x192xbf16>
    %mul3A_1683 = vector.broadcast %get3A_1682 : vector<1x192xbf16> to vector<256x192xbf16>
    %mul3A_1684 = arith.mulf %convert_element_type3A_1636, %mul3A_1683 : vector<256x192xbf16>
    %dot_general3A_1685 = arith.constant dense<0.000000e+00> : vector<256x256xf32>
    %dot_general3A_1686 = tpu.matmul %convert_element_type3A_1634, %mul3A_1684, %dot_general3A_1685 {dimension_numbers = #tpu.dot_dimension_numbers<[1], [1], [0], [0], [0, 0, 1, 0], [], []>, transpose_lhs_hint = false} : vector<256x192xbf16>, vector<256x192xbf16>, vector<256x256xf32> -> vector<256x256xf32>
    %slice3A_1687 = vector.extract_strided_slice %get3A_2 {offsets = [2, 0, 0], sizes = [1, 256, 256], strides = [1, 1, 1]} : vector<6x256x256xf32> to vector<1x256x256xf32>
    %squeeze3A_1688 = vector.shape_cast %slice3A_1687 : vector<1x256x256xf32> to vector<256x256xf32>
    %add3A_1689 = arith.addf %dot_general3A_1686, %squeeze3A_1688 : vector<256x256xf32>
    %exp3A_1690 = math.exp %add3A_1689 : vector<256x256xf32>
    %convert_element_type3A_1691 = arith.truncf %exp3A_1690 : vector<256x256xf32> to vector<256x256xbf16>
    %mul3A_1692 = vector.broadcast %get3A_1682 : vector<1x192xbf16> to vector<256x192xbf16>
    %mul3A_1693 = arith.mulf %convert_element_type3A_1638, %mul3A_1692 : vector<256x192xbf16>
    %swap3A_1694 = arith.constant 10 : index
    %swap3A_1695 = arith.constant 512 : index
    %swap3A_1696 = arith.constant 0 : index
    %swap3A_1697 = vector.load %arg9[%swap3A_1694, %swap3A_1695, %swap3A_1696] : memref<12x1536x192xbf16, #tpu.memory_space<vmem>>, vector<1x256x192xbf16>
    %swap3A_1698 = vector.shape_cast %swap3A_1697 : vector<1x256x192xbf16> to vector<256x192xbf16>
    %swap3A_1699 = vector.shape_cast %mul3A_1693 : vector<256x192xbf16> to vector<1x256x192xbf16>
    tpu.vector_store %arg9[%swap3A_1694, %swap3A_1695, %swap3A_1696], %swap3A_1699 {strides = array<i32>} : memref<12x1536x192xbf16, #tpu.memory_space<vmem>>, vector<1x256x192xbf16>,
    %get3A_1700 = arith.constant 3 : index
    %get3A_1701 = arith.constant 0 : index
    %get3A_1702 = vector.load %arg3[%get3A_1700, %get3A_1701] : memref<16x192xbf16, #tpu.memory_space<vmem>>, vector<1x192xbf16>
    %mul3A_1703 = vector.broadcast %get3A_1702 : vector<1x192xbf16> to vector<256x192xbf16>
    %mul3A_1704 = arith.mulf %convert_element_type3A_1636, %mul3A_1703 : vector<256x192xbf16>
    %dot_general3A_1705 = arith.constant dense<0.000000e+00> : vector<256x256xf32>
    %dot_general3A_1706 = tpu.matmul %convert_element_type3A_1634, %mul3A_1704, %dot_general3A_1705 {dimension_numbers = #tpu.dot_dimension_numbers<[1], [1], [0], [0], [0, 0, 1, 0], [], []>, transpose_lhs_hint = false} : vector<256x192xbf16>, vector<256x192xbf16>, vector<256x256xf32> -> vector<256x256xf32>
    %slice3A_1707 = vector.extract_strided_slice %get3A_2 {offsets = [3, 0, 0], sizes = [1, 256, 256], strides = [1, 1, 1]} : vector<6x256x256xf32> to vector<1x256x256xf32>
    %squeeze3A_1708 = vector.shape_cast %slice3A_1707 : vector<1x256x256xf32> to vector<256x256xf32>
    %add3A_1709 = arith.addf %dot_general3A_1706, %squeeze3A_1708 : vector<256x256xf32>
    %exp3A_1710 = math.exp %add3A_1709 : vector<256x256xf32>
    %convert_element_type3A_1711 = arith.truncf %exp3A_1710 : vector<256x256xf32> to vector<256x256xbf16>
    %mul3A_1712 = vector.broadcast %get3A_1702 : vector<1x192xbf16> to vector<256x192xbf16>
    %mul3A_1713 = arith.mulf %convert_element_type3A_1638, %mul3A_1712 : vector<256x192xbf16>
    %swap3A_1714 = arith.constant 10 : index
    %swap3A_1715 = arith.constant 768 : index
    %swap3A_1716 = arith.constant 0 : index
    %swap3A_1717 = vector.load %arg9[%swap3A_1714, %swap3A_1715, %swap3A_1716] : memref<12x1536x192xbf16, #tpu.memory_space<vmem>>, vector<1x256x192xbf16>
    %swap3A_1718 = vector.shape_cast %swap3A_1717 : vector<1x256x192xbf16> to vector<256x192xbf16>
    %swap3A_1719 = vector.shape_cast %mul3A_1713 : vector<256x192xbf16> to vector<1x256x192xbf16>
    tpu.vector_store %arg9[%swap3A_1714, %swap3A_1715, %swap3A_1716], %swap3A_1719 {strides = array<i32>} : memref<12x1536x192xbf16, #tpu.memory_space<vmem>>, vector<1x256x192xbf16>,
    %get3A_1720 = arith.constant 4 : index
    %get3A_1721 = arith.constant 0 : index
    %get3A_1722 = vector.load %arg3[%get3A_1720, %get3A_1721] : memref<16x192xbf16, #tpu.memory_space<vmem>>, vector<1x192xbf16>
    %mul3A_1723 = vector.broadcast %get3A_1722 : vector<1x192xbf16> to vector<256x192xbf16>
    %mul3A_1724 = arith.mulf %convert_element_type3A_1636, %mul3A_1723 : vector<256x192xbf16>
    %dot_general3A_1725 = arith.constant dense<0.000000e+00> : vector<256x256xf32>
    %dot_general3A_1726 = tpu.matmul %convert_element_type3A_1634, %mul3A_1724, %dot_general3A_1725 {dimension_numbers = #tpu.dot_dimension_numbers<[1], [1], [0], [0], [0, 0, 1, 0], [], []>, transpose_lhs_hint = false} : vector<256x192xbf16>, vector<256x192xbf16>, vector<256x256xf32> -> vector<256x256xf32>
    %slice3A_1727 = vector.extract_strided_slice %get3A_2 {offsets = [4, 0, 0], sizes = [1, 256, 256], strides = [1, 1, 1]} : vector<6x256x256xf32> to vector<1x256x256xf32>
    %squeeze3A_1728 = vector.shape_cast %slice3A_1727 : vector<1x256x256xf32> to vector<256x256xf32>
    %add3A_1729 = arith.addf %dot_general3A_1726, %squeeze3A_1728 : vector<256x256xf32>
    %exp3A_1730 = math.exp %add3A_1729 : vector<256x256xf32>
    %convert_element_type3A_1731 = arith.truncf %exp3A_1730 : vector<256x256xf32> to vector<256x256xbf16>
    %mul3A_1732 = vector.broadcast %get3A_1722 : vector<1x192xbf16> to vector<256x192xbf16>
    %mul3A_1733 = arith.mulf %convert_element_type3A_1638, %mul3A_1732 : vector<256x192xbf16>
    %swap3A_1734 = arith.constant 10 : index
    %swap3A_1735 = arith.constant 1024 : index
    %swap3A_1736 = arith.constant 0 : index
    %swap3A_1737 = vector.load %arg9[%swap3A_1734, %swap3A_1735, %swap3A_1736] : memref<12x1536x192xbf16, #tpu.memory_space<vmem>>, vector<1x256x192xbf16>
    %swap3A_1738 = vector.shape_cast %swap3A_1737 : vector<1x256x192xbf16> to vector<256x192xbf16>
    %swap3A_1739 = vector.shape_cast %mul3A_1733 : vector<256x192xbf16> to vector<1x256x192xbf16>
    tpu.vector_store %arg9[%swap3A_1734, %swap3A_1735, %swap3A_1736], %swap3A_1739 {strides = array<i32>} : memref<12x1536x192xbf16, #tpu.memory_space<vmem>>, vector<1x256x192xbf16>,
    %get3A_1740 = arith.constant 5 : index
    %get3A_1741 = arith.constant 0 : index
    %get3A_1742 = vector.load %arg3[%get3A_1740, %get3A_1741] : memref<16x192xbf16, #tpu.memory_space<vmem>>, vector<1x192xbf16>
    %mul3A_1743 = vector.broadcast %get3A_1742 : vector<1x192xbf16> to vector<256x192xbf16>
    %mul3A_1744 = arith.mulf %convert_element_type3A_1636, %mul3A_1743 : vector<256x192xbf16>
    %dot_general3A_1745 = arith.constant dense<0.000000e+00> : vector<256x256xf32>
    %dot_general3A_1746 = tpu.matmul %convert_element_type3A_1634, %mul3A_1744, %dot_general3A_1745 {dimension_numbers = #tpu.dot_dimension_numbers<[1], [1], [0], [0], [0, 0, 1, 0], [], []>, transpose_lhs_hint = false} : vector<256x192xbf16>, vector<256x192xbf16>, vector<256x256xf32> -> vector<256x256xf32>
    %slice3A_1747 = vector.extract_strided_slice %get3A_2 {offsets = [5, 0, 0], sizes = [1, 256, 256], strides = [1, 1, 1]} : vector<6x256x256xf32> to vector<1x256x256xf32>
    %squeeze3A_1748 = vector.shape_cast %slice3A_1747 : vector<1x256x256xf32> to vector<256x256xf32>
    %add3A_1749 = arith.addf %dot_general3A_1746, %squeeze3A_1748 : vector<256x256xf32>
    %exp3A_1750 = math.exp %add3A_1749 : vector<256x256xf32>
    %convert_element_type3A_1751 = arith.truncf %exp3A_1750 : vector<256x256xf32> to vector<256x256xbf16>
    %mul3A_1752 = vector.broadcast %get3A_1742 : vector<1x192xbf16> to vector<256x192xbf16>
    %mul3A_1753 = arith.mulf %convert_element_type3A_1638, %mul3A_1752 : vector<256x192xbf16>
    %swap3A_1754 = arith.constant 10 : index
    %swap3A_1755 = arith.constant 1280 : index
    %swap3A_1756 = arith.constant 0 : index
    %swap3A_1757 = vector.load %arg9[%swap3A_1754, %swap3A_1755, %swap3A_1756] : memref<12x1536x192xbf16, #tpu.memory_space<vmem>>, vector<1x256x192xbf16>
    %swap3A_1758 = vector.shape_cast %swap3A_1757 : vector<1x256x192xbf16> to vector<256x192xbf16>
    %swap3A_1759 = vector.shape_cast %mul3A_1753 : vector<256x192xbf16> to vector<1x256x192xbf16>
    tpu.vector_store %arg9[%swap3A_1754, %swap3A_1755, %swap3A_1756], %swap3A_1759 {strides = array<i32>} : memref<12x1536x192xbf16, #tpu.memory_space<vmem>>, vector<1x256x192xbf16>,
    %concatenate3A_1760 = tpu.concatenate %convert_element_type3A_1651, %convert_element_type3A_1671, %convert_element_type3A_1691, %convert_element_type3A_1711, %convert_element_type3A_1731, %convert_element_type3A_1751 in 1 : vector<256x256xbf16>, vector<256x256xbf16>, vector<256x256xbf16>, vector<256x256xbf16>, vector<256x256xbf16>, vector<256x256xbf16> -> vector<256x1536xbf16>
    %get3A_1761 = arith.constant 10 : index
    %get3A_1762 = arith.constant 0 : index
    %get3A_1763 = arith.constant 0 : index
    %get3A_1764 = vector.load %arg9[%get3A_1761, %get3A_1762, %get3A_1763] : memref<12x1536x192xbf16, #tpu.memory_space<vmem>>, vector<1x1536x192xbf16>
    %get3A_1765 = vector.shape_cast %get3A_1764 : vector<1x1536x192xbf16> to vector<1536x192xbf16>
    %dot_general3A_1766 = arith.constant dense<0.000000e+00> : vector<256x192xf32>
    %dot_general3A_1767 = tpu.matmul %concatenate3A_1760, %get3A_1765, %dot_general3A_1766 {dimension_numbers = #tpu.dot_dimension_numbers<[1], [0], [0], [1], [0, 0, 1, 1], [], []>, transpose_lhs_hint = false} : vector<256x1536xbf16>, vector<1536x192xbf16>, vector<256x192xf32> -> vector<256x192xf32>
    %dot_general3A_1768 = arith.constant dense<0.000000e+00> : vector<256x16xf32>
    %dot_general3A_1769 = tpu.matmul %concatenate3A_1760, %get3A_14, %dot_general3A_1768 {dimension_numbers = #tpu.dot_dimension_numbers<[1], [0], [0], [1], [0, 0, 1, 1], [], []>, transpose_lhs_hint = false} : vector<256x1536xbf16>, vector<1536x16xbf16>, vector<256x16xf32> -> vector<256x16xf32>
    %div3A_1770 = arith.constant 1.000000e+00 : f32
    %div3A_1771 = vector.broadcast %div3A_1770 : f32 to vector<256x16xf32>
    %div3A_1772 = arith.divf %div3A_1771, %dot_general3A_1769 : vector<256x16xf32>
    %dot_general3A_1773 = arith.constant dense<0.000000e+00> : vector<256x192xf32>
    %dot_general3A_1774 = tpu.matmul %div3A_1772, %get3A_11, %dot_general3A_1773 {dimension_numbers = #tpu.dot_dimension_numbers<[1], [0], [0], [1], [0, 0, 1, 1], [], []>, transpose_lhs_hint = false} : vector<256x16xf32>, vector<16x192xf32>, vector<256x192xf32> -> vector<256x192xf32>
    %mul3A_1775 = arith.mulf %dot_general3A_1767, %dot_general3A_1774 : vector<256x192xf32>
    %add3A_1776 = arith.addf %slice3A_1639, %mul3A_1775 : vector<256x192xf32>
    %dot_general3A_1777 = arith.constant dense<0.000000e+00> : vector<256x192xf32>
    %dot_general3A_1778 = tpu.matmul %add3A_1776, %get3A_5, %dot_general3A_1777 {dimension_numbers = #tpu.dot_dimension_numbers<[1], [1], [0], [0], [0, 0, 1, 0], [], []>, transpose_lhs_hint = false} : vector<256x192xf32>, vector<192x192xf32>, vector<256x192xf32> -> vector<256x192xf32>
    %add3A_1779 = vector.broadcast %get3A_8 : vector<1x192xf32> to vector<256x192xf32>
    %add3A_1780 = arith.addf %dot_general3A_1778, %add3A_1779 : vector<256x192xf32>
    %swap3A_1781 = arith.constant 10 : index
    %swap3A_1782 = arith.constant 0 : index
    %swap3A_1783 = arith.constant 0 : index
    %swap3A_1784 = vector.load %arg8[%swap3A_1781, %swap3A_1782, %swap3A_1783] : memref<12x256x192xf32, #tpu.memory_space<vmem>>, vector<1x256x192xf32>
    %swap3A_1785 = vector.shape_cast %swap3A_1784 : vector<1x256x192xf32> to vector<256x192xf32>
    %swap3A_1786 = vector.shape_cast %add3A_1780 : vector<256x192xf32> to vector<1x256x192xf32>
    tpu.vector_store %arg8[%swap3A_1781, %swap3A_1782, %swap3A_1783], %swap3A_1786 {strides = array<i32>} : memref<12x256x192xf32, #tpu.memory_space<vmem>>, vector<1x256x192xf32>,
    %get3A_1787 = arith.constant 11 : index
    %get3A_1788 = arith.constant 0 : index
    %get3A_1789 = arith.constant 0 : index
    %get3A_1790 = vector.load %arg1[%get3A_1787, %get3A_1788, %get3A_1789] : memref<12x256x768xf32, #tpu.memory_space<vmem>>, vector<1x256x768xf32>
    %get3A_1791 = vector.shape_cast %get3A_1790 : vector<1x256x768xf32> to vector<256x768xf32>
    %slice3A_1792 = vector.extract_strided_slice %get3A_1791 {offsets = [0, 0], sizes = [256, 192], strides = [1, 1]} : vector<256x768xf32> to vector<256x192xf32>
    %mul3A_1793 = arith.constant 0.176776692 : f32
    %mul3A_1794 = vector.broadcast %mul3A_1793 : f32 to vector<256x192xf32>
    %mul3A_1795 = arith.mulf %slice3A_1792, %mul3A_1794 : vector<256x192xf32>
    %convert_element_type3A_1796 = arith.truncf %mul3A_1795 : vector<256x192xf32> to vector<256x192xbf16>
    %slice3A_1797 = vector.extract_strided_slice %get3A_1791 {offsets = [0, 192], sizes = [256, 192], strides = [1, 1]} : vector<256x768xf32> to vector<256x192xf32>
    %convert_element_type3A_1798 = arith.truncf %slice3A_1797 : vector<256x192xf32> to vector<256x192xbf16>
    %slice3A_1799 = vector.extract_strided_slice %get3A_1791 {offsets = [0, 384], sizes = [256, 192], strides = [1, 1]} : vector<256x768xf32> to vector<256x192xf32>
    %convert_element_type3A_1800 = arith.truncf %slice3A_1799 : vector<256x192xf32> to vector<256x192xbf16>
    %slice3A_1801 = vector.extract_strided_slice %get3A_1791 {offsets = [0, 576], sizes = [256, 192], strides = [1, 1]} : vector<256x768xf32> to vector<256x192xf32>
    %get3A_1802 = arith.constant 0 : index
    %get3A_1803 = arith.constant 0 : index
    %get3A_1804 = vector.load %arg3[%get3A_1802, %get3A_1803] : memref<16x192xbf16, #tpu.memory_space<vmem>>, vector<1x192xbf16>
    %mul3A_1805 = vector.broadcast %get3A_1804 : vector<1x192xbf16> to vector<256x192xbf16>
    %mul3A_1806 = arith.mulf %convert_element_type3A_1798, %mul3A_1805 : vector<256x192xbf16>
    %dot_general3A_1807 = arith.constant dense<0.000000e+00> : vector<256x256xf32>
    %dot_general3A_1808 = tpu.matmul %convert_element_type3A_1796, %mul3A_1806, %dot_general3A_1807 {dimension_numbers = #tpu.dot_dimension_numbers<[1], [1], [0], [0], [0, 0, 1, 0], [], []>, transpose_lhs_hint = false} : vector<256x192xbf16>, vector<256x192xbf16>, vector<256x256xf32> -> vector<256x256xf32>
    %slice3A_1809 = vector.extract_strided_slice %get3A_2 {offsets = [0, 0, 0], sizes = [1, 256, 256], strides = [1, 1, 1]} : vector<6x256x256xf32> to vector<1x256x256xf32>
    %squeeze3A_1810 = vector.shape_cast %slice3A_1809 : vector<1x256x256xf32> to vector<256x256xf32>
    %add3A_1811 = arith.addf %dot_general3A_1808, %squeeze3A_1810 : vector<256x256xf32>
    %exp3A_1812 = math.exp %add3A_1811 : vector<256x256xf32>
    %convert_element_type3A_1813 = arith.truncf %exp3A_1812 : vector<256x256xf32> to vector<256x256xbf16>
    %mul3A_1814 = vector.broadcast %get3A_1804 : vector<1x192xbf16> to vector<256x192xbf16>
    %mul3A_1815 = arith.mulf %convert_element_type3A_1800, %mul3A_1814 : vector<256x192xbf16>
    %swap3A_1816 = arith.constant 11 : index
    %swap3A_1817 = arith.constant 0 : index
    %swap3A_1818 = arith.constant 0 : index
    %swap3A_1819 = vector.load %arg9[%swap3A_1816, %swap3A_1817, %swap3A_1818] : memref<12x1536x192xbf16, #tpu.memory_space<vmem>>, vector<1x256x192xbf16>
    %swap3A_1820 = vector.shape_cast %swap3A_1819 : vector<1x256x192xbf16> to vector<256x192xbf16>
    %swap3A_1821 = vector.shape_cast %mul3A_1815 : vector<256x192xbf16> to vector<1x256x192xbf16>
    tpu.vector_store %arg9[%swap3A_1816, %swap3A_1817, %swap3A_1818], %swap3A_1821 {strides = array<i32>} : memref<12x1536x192xbf16, #tpu.memory_space<vmem>>, vector<1x256x192xbf16>,
    %get3A_1822 = arith.constant 1 : index
    %get3A_1823 = arith.constant 0 : index
    %get3A_1824 = vector.load %arg3[%get3A_1822, %get3A_1823] : memref<16x192xbf16, #tpu.memory_space<vmem>>, vector<1x192xbf16>
    %mul3A_1825 = vector.broadcast %get3A_1824 : vector<1x192xbf16> to vector<256x192xbf16>
    %mul3A_1826 = arith.mulf %convert_element_type3A_1798, %mul3A_1825 : vector<256x192xbf16>
    %dot_general3A_1827 = arith.constant dense<0.000000e+00> : vector<256x256xf32>
    %dot_general3A_1828 = tpu.matmul %convert_element_type3A_1796, %mul3A_1826, %dot_general3A_1827 {dimension_numbers = #tpu.dot_dimension_numbers<[1], [1], [0], [0], [0, 0, 1, 0], [], []>, transpose_lhs_hint = false} : vector<256x192xbf16>, vector<256x192xbf16>, vector<256x256xf32> -> vector<256x256xf32>
    %slice3A_1829 = vector.extract_strided_slice %get3A_2 {offsets = [1, 0, 0], sizes = [1, 256, 256], strides = [1, 1, 1]} : vector<6x256x256xf32> to vector<1x256x256xf32>
    %squeeze3A_1830 = vector.shape_cast %slice3A_1829 : vector<1x256x256xf32> to vector<256x256xf32>
    %add3A_1831 = arith.addf %dot_general3A_1828, %squeeze3A_1830 : vector<256x256xf32>
    %exp3A_1832 = math.exp %add3A_1831 : vector<256x256xf32>
    %convert_element_type3A_1833 = arith.truncf %exp3A_1832 : vector<256x256xf32> to vector<256x256xbf16>
    %mul3A_1834 = vector.broadcast %get3A_1824 : vector<1x192xbf16> to vector<256x192xbf16>
    %mul3A_1835 = arith.mulf %convert_element_type3A_1800, %mul3A_1834 : vector<256x192xbf16>
    %swap3A_1836 = arith.constant 11 : index
    %swap3A_1837 = arith.constant 256 : index
    %swap3A_1838 = arith.constant 0 : index
    %swap3A_1839 = vector.load %arg9[%swap3A_1836, %swap3A_1837, %swap3A_1838] : memref<12x1536x192xbf16, #tpu.memory_space<vmem>>, vector<1x256x192xbf16>
    %swap3A_1840 = vector.shape_cast %swap3A_1839 : vector<1x256x192xbf16> to vector<256x192xbf16>
    %swap3A_1841 = vector.shape_cast %mul3A_1835 : vector<256x192xbf16> to vector<1x256x192xbf16>
    tpu.vector_store %arg9[%swap3A_1836, %swap3A_1837, %swap3A_1838], %swap3A_1841 {strides = array<i32>} : memref<12x1536x192xbf16, #tpu.memory_space<vmem>>, vector<1x256x192xbf16>,
    %get3A_1842 = arith.constant 2 : index
    %get3A_1843 = arith.constant 0 : index
    %get3A_1844 = vector.load %arg3[%get3A_1842, %get3A_1843] : memref<16x192xbf16, #tpu.memory_space<vmem>>, vector<1x192xbf16>
    %mul3A_1845 = vector.broadcast %get3A_1844 : vector<1x192xbf16> to vector<256x192xbf16>
    %mul3A_1846 = arith.mulf %convert_element_type3A_1798, %mul3A_1845 : vector<256x192xbf16>
    %dot_general3A_1847 = arith.constant dense<0.000000e+00> : vector<256x256xf32>
    %dot_general3A_1848 = tpu.matmul %convert_element_type3A_1796, %mul3A_1846, %dot_general3A_1847 {dimension_numbers = #tpu.dot_dimension_numbers<[1], [1], [0], [0], [0, 0, 1, 0], [], []>, transpose_lhs_hint = false} : vector<256x192xbf16>, vector<256x192xbf16>, vector<256x256xf32> -> vector<256x256xf32>
    %slice3A_1849 = vector.extract_strided_slice %get3A_2 {offsets = [2, 0, 0], sizes = [1, 256, 256], strides = [1, 1, 1]} : vector<6x256x256xf32> to vector<1x256x256xf32>
    %squeeze3A_1850 = vector.shape_cast %slice3A_1849 : vector<1x256x256xf32> to vector<256x256xf32>
    %add3A_1851 = arith.addf %dot_general3A_1848, %squeeze3A_1850 : vector<256x256xf32>
    %exp3A_1852 = math.exp %add3A_1851 : vector<256x256xf32>
    %convert_element_type3A_1853 = arith.truncf %exp3A_1852 : vector<256x256xf32> to vector<256x256xbf16>
    %mul3A_1854 = vector.broadcast %get3A_1844 : vector<1x192xbf16> to vector<256x192xbf16>
    %mul3A_1855 = arith.mulf %convert_element_type3A_1800, %mul3A_1854 : vector<256x192xbf16>
    %swap3A_1856 = arith.constant 11 : index
    %swap3A_1857 = arith.constant 512 : index
    %swap3A_1858 = arith.constant 0 : index
    %swap3A_1859 = vector.load %arg9[%swap3A_1856, %swap3A_1857, %swap3A_1858] : memref<12x1536x192xbf16, #tpu.memory_space<vmem>>, vector<1x256x192xbf16>
    %swap3A_1860 = vector.shape_cast %swap3A_1859 : vector<1x256x192xbf16> to vector<256x192xbf16>
    %swap3A_1861 = vector.shape_cast %mul3A_1855 : vector<256x192xbf16> to vector<1x256x192xbf16>
    tpu.vector_store %arg9[%swap3A_1856, %swap3A_1857, %swap3A_1858], %swap3A_1861 {strides = array<i32>} : memref<12x1536x192xbf16, #tpu.memory_space<vmem>>, vector<1x256x192xbf16>,
    %get3A_1862 = arith.constant 3 : index
    %get3A_1863 = arith.constant 0 : index
    %get3A_1864 = vector.load %arg3[%get3A_1862, %get3A_1863] : memref<16x192xbf16, #tpu.memory_space<vmem>>, vector<1x192xbf16>
    %mul3A_1865 = vector.broadcast %get3A_1864 : vector<1x192xbf16> to vector<256x192xbf16>
    %mul3A_1866 = arith.mulf %convert_element_type3A_1798, %mul3A_1865 : vector<256x192xbf16>
    %dot_general3A_1867 = arith.constant dense<0.000000e+00> : vector<256x256xf32>
    %dot_general3A_1868 = tpu.matmul %convert_element_type3A_1796, %mul3A_1866, %dot_general3A_1867 {dimension_numbers = #tpu.dot_dimension_numbers<[1], [1], [0], [0], [0, 0, 1, 0], [], []>, transpose_lhs_hint = false} : vector<256x192xbf16>, vector<256x192xbf16>, vector<256x256xf32> -> vector<256x256xf32>
    %slice3A_1869 = vector.extract_strided_slice %get3A_2 {offsets = [3, 0, 0], sizes = [1, 256, 256], strides = [1, 1, 1]} : vector<6x256x256xf32> to vector<1x256x256xf32>
    %squeeze3A_1870 = vector.shape_cast %slice3A_1869 : vector<1x256x256xf32> to vector<256x256xf32>
    %add3A_1871 = arith.addf %dot_general3A_1868, %squeeze3A_1870 : vector<256x256xf32>
    %exp3A_1872 = math.exp %add3A_1871 : vector<256x256xf32>
    %convert_element_type3A_1873 = arith.truncf %exp3A_1872 : vector<256x256xf32> to vector<256x256xbf16>
    %mul3A_1874 = vector.broadcast %get3A_1864 : vector<1x192xbf16> to vector<256x192xbf16>
    %mul3A_1875 = arith.mulf %convert_element_type3A_1800, %mul3A_1874 : vector<256x192xbf16>
    %swap3A_1876 = arith.constant 11 : index
    %swap3A_1877 = arith.constant 768 : index
    %swap3A_1878 = arith.constant 0 : index
    %swap3A_1879 = vector.load %arg9[%swap3A_1876, %swap3A_1877, %swap3A_1878] : memref<12x1536x192xbf16, #tpu.memory_space<vmem>>, vector<1x256x192xbf16>
    %swap3A_1880 = vector.shape_cast %swap3A_1879 : vector<1x256x192xbf16> to vector<256x192xbf16>
    %swap3A_1881 = vector.shape_cast %mul3A_1875 : vector<256x192xbf16> to vector<1x256x192xbf16>
    tpu.vector_store %arg9[%swap3A_1876, %swap3A_1877, %swap3A_1878], %swap3A_1881 {strides = array<i32>} : memref<12x1536x192xbf16, #tpu.memory_space<vmem>>, vector<1x256x192xbf16>,
    %get3A_1882 = arith.constant 4 : index
    %get3A_1883 = arith.constant 0 : index
    %get3A_1884 = vector.load %arg3[%get3A_1882, %get3A_1883] : memref<16x192xbf16, #tpu.memory_space<vmem>>, vector<1x192xbf16>
    %mul3A_1885 = vector.broadcast %get3A_1884 : vector<1x192xbf16> to vector<256x192xbf16>
    %mul3A_1886 = arith.mulf %convert_element_type3A_1798, %mul3A_1885 : vector<256x192xbf16>
    %dot_general3A_1887 = arith.constant dense<0.000000e+00> : vector<256x256xf32>
    %dot_general3A_1888 = tpu.matmul %convert_element_type3A_1796, %mul3A_1886, %dot_general3A_1887 {dimension_numbers = #tpu.dot_dimension_numbers<[1], [1], [0], [0], [0, 0, 1, 0], [], []>, transpose_lhs_hint = false} : vector<256x192xbf16>, vector<256x192xbf16>, vector<256x256xf32> -> vector<256x256xf32>
    %slice3A_1889 = vector.extract_strided_slice %get3A_2 {offsets = [4, 0, 0], sizes = [1, 256, 256], strides = [1, 1, 1]} : vector<6x256x256xf32> to vector<1x256x256xf32>
    %squeeze3A_1890 = vector.shape_cast %slice3A_1889 : vector<1x256x256xf32> to vector<256x256xf32>
    %add3A_1891 = arith.addf %dot_general3A_1888, %squeeze3A_1890 : vector<256x256xf32>
    %exp3A_1892 = math.exp %add3A_1891 : vector<256x256xf32>
    %convert_element_type3A_1893 = arith.truncf %exp3A_1892 : vector<256x256xf32> to vector<256x256xbf16>
    %mul3A_1894 = vector.broadcast %get3A_1884 : vector<1x192xbf16> to vector<256x192xbf16>
    %mul3A_1895 = arith.mulf %convert_element_type3A_1800, %mul3A_1894 : vector<256x192xbf16>
    %swap3A_1896 = arith.constant 11 : index
    %swap3A_1897 = arith.constant 1024 : index
    %swap3A_1898 = arith.constant 0 : index
    %swap3A_1899 = vector.load %arg9[%swap3A_1896, %swap3A_1897, %swap3A_1898] : memref<12x1536x192xbf16, #tpu.memory_space<vmem>>, vector<1x256x192xbf16>
    %swap3A_1900 = vector.shape_cast %swap3A_1899 : vector<1x256x192xbf16> to vector<256x192xbf16>
    %swap3A_1901 = vector.shape_cast %mul3A_1895 : vector<256x192xbf16> to vector<1x256x192xbf16>
    tpu.vector_store %arg9[%swap3A_1896, %swap3A_1897, %swap3A_1898], %swap3A_1901 {strides = array<i32>} : memref<12x1536x192xbf16, #tpu.memory_space<vmem>>, vector<1x256x192xbf16>,
    %get3A_1902 = arith.constant 5 : index
    %get3A_1903 = arith.constant 0 : index
    %get3A_1904 = vector.load %arg3[%get3A_1902, %get3A_1903] : memref<16x192xbf16, #tpu.memory_space<vmem>>, vector<1x192xbf16>
    %mul3A_1905 = vector.broadcast %get3A_1904 : vector<1x192xbf16> to vector<256x192xbf16>
    %mul3A_1906 = arith.mulf %convert_element_type3A_1798, %mul3A_1905 : vector<256x192xbf16>
    %dot_general3A_1907 = arith.constant dense<0.000000e+00> : vector<256x256xf32>
    %dot_general3A_1908 = tpu.matmul %convert_element_type3A_1796, %mul3A_1906, %dot_general3A_1907 {dimension_numbers = #tpu.dot_dimension_numbers<[1], [1], [0], [0], [0, 0, 1, 0], [], []>, transpose_lhs_hint = false} : vector<256x192xbf16>, vector<256x192xbf16>, vector<256x256xf32> -> vector<256x256xf32>
    %slice3A_1909 = vector.extract_strided_slice %get3A_2 {offsets = [5, 0, 0], sizes = [1, 256, 256], strides = [1, 1, 1]} : vector<6x256x256xf32> to vector<1x256x256xf32>
    %squeeze3A_1910 = vector.shape_cast %slice3A_1909 : vector<1x256x256xf32> to vector<256x256xf32>
    %add3A_1911 = arith.addf %dot_general3A_1908, %squeeze3A_1910 : vector<256x256xf32>
    %exp3A_1912 = math.exp %add3A_1911 : vector<256x256xf32>
    %convert_element_type3A_1913 = arith.truncf %exp3A_1912 : vector<256x256xf32> to vector<256x256xbf16>
    %mul3A_1914 = vector.broadcast %get3A_1904 : vector<1x192xbf16> to vector<256x192xbf16>
    %mul3A_1915 = arith.mulf %convert_element_type3A_1800, %mul3A_1914 : vector<256x192xbf16>
    %swap3A_1916 = arith.constant 11 : index
    %swap3A_1917 = arith.constant 1280 : index
    %swap3A_1918 = arith.constant 0 : index
    %swap3A_1919 = vector.load %arg9[%swap3A_1916, %swap3A_1917, %swap3A_1918] : memref<12x1536x192xbf16, #tpu.memory_space<vmem>>, vector<1x256x192xbf16>
    %swap3A_1920 = vector.shape_cast %swap3A_1919 : vector<1x256x192xbf16> to vector<256x192xbf16>
    %swap3A_1921 = vector.shape_cast %mul3A_1915 : vector<256x192xbf16> to vector<1x256x192xbf16>
    tpu.vector_store %arg9[%swap3A_1916, %swap3A_1917, %swap3A_1918], %swap3A_1921 {strides = array<i32>} : memref<12x1536x192xbf16, #tpu.memory_space<vmem>>, vector<1x256x192xbf16>,
    %concatenate3A_1922 = tpu.concatenate %convert_element_type3A_1813, %convert_element_type3A_1833, %convert_element_type3A_1853, %convert_element_type3A_1873, %convert_element_type3A_1893, %convert_element_type3A_1913 in 1 : vector<256x256xbf16>, vector<256x256xbf16>, vector<256x256xbf16>, vector<256x256xbf16>, vector<256x256xbf16>, vector<256x256xbf16> -> vector<256x1536xbf16>
    %get3A_1923 = arith.constant 11 : index
    %get3A_1924 = arith.constant 0 : index
    %get3A_1925 = arith.constant 0 : index
    %get3A_1926 = vector.load %arg9[%get3A_1923, %get3A_1924, %get3A_1925] : memref<12x1536x192xbf16, #tpu.memory_space<vmem>>, vector<1x1536x192xbf16>
    %get3A_1927 = vector.shape_cast %get3A_1926 : vector<1x1536x192xbf16> to vector<1536x192xbf16>
    %dot_general3A_1928 = arith.constant dense<0.000000e+00> : vector<256x192xf32>
    %dot_general3A_1929 = tpu.matmul %concatenate3A_1922, %get3A_1927, %dot_general3A_1928 {dimension_numbers = #tpu.dot_dimension_numbers<[1], [0], [0], [1], [0, 0, 1, 1], [], []>, transpose_lhs_hint = false} : vector<256x1536xbf16>, vector<1536x192xbf16>, vector<256x192xf32> -> vector<256x192xf32>
    %dot_general3A_1930 = arith.constant dense<0.000000e+00> : vector<256x16xf32>
    %dot_general3A_1931 = tpu.matmul %concatenate3A_1922, %get3A_14, %dot_general3A_1930 {dimension_numbers = #tpu.dot_dimension_numbers<[1], [0], [0], [1], [0, 0, 1, 1], [], []>, transpose_lhs_hint = false} : vector<256x1536xbf16>, vector<1536x16xbf16>, vector<256x16xf32> -> vector<256x16xf32>
    %div3A_1932 = arith.constant 1.000000e+00 : f32
    %div3A_1933 = vector.broadcast %div3A_1932 : f32 to vector<256x16xf32>
    %div3A_1934 = arith.divf %div3A_1933, %dot_general3A_1931 : vector<256x16xf32>
    %dot_general3A_1935 = arith.constant dense<0.000000e+00> : vector<256x192xf32>
    %dot_general3A_1936 = tpu.matmul %div3A_1934, %get3A_11, %dot_general3A_1935 {dimension_numbers = #tpu.dot_dimension_numbers<[1], [0], [0], [1], [0, 0, 1, 1], [], []>, transpose_lhs_hint = false} : vector<256x16xf32>, vector<16x192xf32>, vector<256x192xf32> -> vector<256x192xf32>
    %mul3A_1937 = arith.mulf %dot_general3A_1929, %dot_general3A_1936 : vector<256x192xf32>
    %add3A_1938 = arith.addf %slice3A_1801, %mul3A_1937 : vector<256x192xf32>
    %dot_general3A_1939 = arith.constant dense<0.000000e+00> : vector<256x192xf32>
    %dot_general3A_1940 = tpu.matmul %add3A_1938, %get3A_5, %dot_general3A_1939 {dimension_numbers = #tpu.dot_dimension_numbers<[1], [1], [0], [0], [0, 0, 1, 0], [], []>, transpose_lhs_hint = false} : vector<256x192xf32>, vector<192x192xf32>, vector<256x192xf32> -> vector<256x192xf32>
    %add3A_1941 = vector.broadcast %get3A_8 : vector<1x192xf32> to vector<256x192xf32>
    %add3A_1942 = arith.addf %dot_general3A_1940, %add3A_1941 : vector<256x192xf32>
    %swap3A_1943 = arith.constant 11 : index
    %swap3A_1944 = arith.constant 0 : index
    %swap3A_1945 = arith.constant 0 : index
    %swap3A_1946 = vector.load %arg8[%swap3A_1943, %swap3A_1944, %swap3A_1945] : memref<12x256x192xf32, #tpu.memory_space<vmem>>, vector<1x256x192xf32>
    %swap3A_1947 = vector.shape_cast %swap3A_1946 : vector<1x256x192xf32> to vector<256x192xf32>
    %swap3A_1948 = vector.shape_cast %add3A_1942 : vector<256x192xf32> to vector<1x256x192xf32>
    tpu.vector_store %arg8[%swap3A_1943, %swap3A_1944, %swap3A_1945], %swap3A_1948 {strides = array<i32>} : memref<12x256x192xf32, #tpu.memory_space<vmem>>, vector<1x256x192xf32>,
    return
  }
  func.func @transform_0(%arg0: i32) -> (i32, i32, i32) {
    %c0_i32 = arith.constant 0 : i32
    %c0_i32_0 = arith.constant 0 : i32
    %c0_i32_1 = arith.constant 0 : i32
    return %arg0, %c0_i32, %c0_i32_0 : i32, i32, i32
  }
  func.func @transform_1(%arg0: i32) -> (i32, i32, i32) {
    %c0_i32 = arith.constant 0 : i32
    %c0_i32_0 = arith.constant 0 : i32
    %c0_i32_1 = arith.constant 0 : i32
    %c0_i32_2 = arith.constant 0 : i32
    return %c0_i32, %c0_i32_0, %c0_i32_1 : i32, i32, i32
  }
  func.func @transform_2(%arg0: i32) -> (i32, i32) {
    %c0_i32 = arith.constant 0 : i32
    %c0_i32_0 = arith.constant 0 : i32
    %c0_i32_1 = arith.constant 0 : i32
    return %c0_i32, %c0_i32_0 : i32, i32
  }
  func.func @transform_3(%arg0: i32) -> (i32, i32) {
    %c0_i32 = arith.constant 0 : i32
    %c0_i32_0 = arith.constant 0 : i32
    %c0_i32_1 = arith.constant 0 : i32
    return %c0_i32, %c0_i32_0 : i32, i32
  }
  func.func @transform_4(%arg0: i32) -> (i32, i32) {
    %c0_i32 = arith.constant 0 : i32
    %c0_i32_0 = arith.constant 0 : i32
    %c0_i32_1 = arith.constant 0 : i32
    return %c0_i32, %c0_i32_0 : i32, i32
  }
  func.func @transform_5(%arg0: i32) -> (i32, i32) {
    %c0_i32 = arith.constant 0 : i32
    %c0_i32_0 = arith.constant 0 : i32
    %c0_i32_1 = arith.constant 0 : i32
    return %c0_i32, %c0_i32_0 : i32, i32
  }
  func.func @transform_6(%arg0: i32) -> (i32, i32) {
    %c0_i32 = arith.constant 0 : i32
    %c0_i32_0 = arith.constant 0 : i32
    %c0_i32_1 = arith.constant 0 : i32
    return %c0_i32, %c0_i32_0 : i32, i32
  }
  func.func @transform_7(%arg0: i32) -> (i32, i32, i32) {
    %c0_i32 = arith.constant 0 : i32
    %c0_i32_0 = arith.constant 0 : i32
    %c0_i32_1 = arith.constant 0 : i32
    return %arg0, %c0_i32, %c0_i32_0 : i32, i32, i32
  }
}

</mosaic_0001>

<sc_bundles>
// kernel: kernel.4.cloned.1.call-start
scs
__scs_entry_jumppad:
0x0: {  	(pc) =	sbr.rel $0x88, $3  }
0x1: {  	(tag) =	ssettag $0x0;
	lr =	simm.s32 $0x1  }
0x2: {  	[smem:$0x3F9C] =	sst lr;
	_ =	strace $0xD0000000  }
0x3: {  	_ = 	snop  }
0x4: {  	_ = 	snop  }
0x5: {  	_ = 	snop  }
0x6: {  	_ = 	snop  }
0x7: {  	_ = 	snop  }
__scs_overlays_trampoline_lowered:
0x8: {  	[smem:$0x3FAB] =	sst s0  }
0x9: {  	[smem:$0x3FAC] =	sst s1  }
0xa: {  	[smem:$0x3FAD] =	sst s2  }
0xb: {  	[smem:$0x3FAE] =	sst s3  }
0xc: {  	[smem:$0x3FAF] =	sst s4  }
0xd: {  	[smem:$0x3FB0] =	sst s5  }
0xe: {  	[smem:$0x3FB1] =	sst s6  }
0xf: {  	[smem:$0x3FB2] =	sst s7  }
0x10: {  	[smem:$0x3FB3] =	sst s8  }
0x11: {  	[smem:$0x3FB4] =	sst s9;
	s0 =	simm.s32 @!p0 $0x0  }
0x12: {  	s1 =	sld [smem:$0x3F9A];
	s0 =	simm.s32 @p0 $0x1  }
0x13: {  	[smem:$0x3FB5] =	sst s0;
	s0 =	simm.s32 @!p1 $0x0  }
0x14: {  	s2 =	sld [smem:$0x3F99];
	s0 =	simm.s32 @p1 $0x1  }
0x15: {  	[smem:$0x3FB6] =	sst s0;
	s0 =	simm.s32 @!p2 $0x0  }
0x16: {  	s3 =	sld [smem:$0x3FDB];
	s0 =	simm.s32 @p2 $0x1  }
0x17: {  	s4 =	simm.s32 $0x1BF5;
	[smem:$0x3FB8] =	sst s0  }
0x18: {  	s0 =	sld [smem:$0x3F9B];
	_ =	swait.ge [sflag:s4], $0x0  }
0x19: {  	s7 =	sld [smem:$0x3F9C]  }
0x1a: {  	s8 =	sadd.s32 $0xFFFFE003, lr  }
0x1b: {  	s9 =	sadd.s32 $0xFFFFFEF7, lr;
	s5 =	simm.s32 $0xFFFFFFFF;
	p2 =	slt.u32 s8, $0xFFFFF086  }
0x1c: {  	p1 =	slt.u32 s9, $0xF7A;
	s5 =	simm.s32 @!p2 $0x0  }
0x1d: {  	s5 =	simm.s32 @p1 $0x1;
	p0 =	seq.s32 s7, s2  }
0x1e: {  	s7 =	smul.u32 @!p0 $0xF7A, s2;
	p2 =	seq.s32 @!p0 s5, $0x0  }
0x1f: {  	s9 =	smul.u32 $0xF7A, s1;
	s8 =	simm.s32 @!p0 $0x1BF5;
	p2 =	por !p2, p0  }
0x20: {  	[sflag:s8] =	ssyncset.s32 @!p0 $0xFFFFF086;
	s6 =	sadd.s32 @!p0 s3, s7;
	s7 =	simm.s32 @!p0 $0x108  }
0x21: {  	s3 =	sadd.s32 s3, s9;
	s6 =	sadd.s32 @!p0 $0x88, s6;
	s7 =	simm.s32 @p2 $0x1082  }
0x22: {  	[simem:s7], [sflag:s8] =	dma.local @!p0 [hbm:s6], $0xF7A  }
0x23: {  	s9 =	sor.u32 $0xD0000000, s2;
	s6 =	simm.s32 $0x108;
	_ =	swait.ge @!p0 [sflag:s8], $0x0  }
0x24: {  	s3 =	sadd.s32 $0x88, s3;
	s6 =	simm.s32 @!p1 $0x1082;
	[sflag:s4] =	ssyncset.s32 $0xFFFFF086  }
0x25: {  	[simem:s6], [sflag:s4] =	dma.local [hbm:s3], $0xF7A  }
0x26: {  	[smem:$0x3F9C] =	sst s1;
	(tag) =	ssettag s2;
	_ =	strace s9  }
0x27: {  	s1 =	sld [smem:$0x3FAC]  }
0x28: {  	s2 =	sld [smem:$0x3FAD]  }
0x29: {  	s4 =	sld [smem:$0x3FAF]  }
0x2a: {  	p0 =	seq.s32 s5, $0x0;
	s5 =	sld [smem:$0x3FB0]  }
0x2b: {  	s6 =	sld [smem:$0x3FB1]  }
0x2c: {  	s7 =	sld [smem:$0x3FB2]  }
0x2d: {  	s3 =	simm.s32 $0x108;
	s8 =	sld [smem:$0x3FB3]  }
0x2e: {  	s3 =	simm.s32 @!p0 $0x1082;
	s9 =	sld [smem:$0x3FB4]  }
0x2f: {  	lr =	sadd.s32 s0, s3;
	s0 =	sld [smem:$0x3FAB]  }
0x30: {  	s3 =	sld [smem:$0x3FAE]  }
0x31: {  	[smem:$0x3FB7] =	sst s10  }
0x32: {  	s10 =	sld [smem:$0x3FB5];
	_ =	sdelay $0x3  }
0x33: {  	p0 =	seq.s32 s10, $0x1;
	s10 =	sld [smem:$0x3FB7];
	_ =	sdelay $0x3  }
0x34: {  	[smem:$0x3FB7] =	sst s10  }
0x35: {  	s10 =	sld [smem:$0x3FB6];
	_ =	sdelay $0x3  }
0x36: {  	p1 =	seq.s32 s10, $0x1;
	s10 =	sld [smem:$0x3FB7];
	_ =	sdelay $0x3  }
0x37: {  	[smem:$0x3FB7] =	sst s10  }
0x38: {  	s10 =	sld [smem:$0x3FB8]  }
0x39: {  	_ = 	snop;
	(pc) =	sbr.ind lr, $3  }
0x3a: {  	_ = 	snop  }
0x3b: {  	_ = 	snop  }
0x3c: {  	p2 =	seq.s32 s10, $0x1;
	s10 =	sld [smem:$0x3FB7]  }
0x3d: {  	_ =	shalt  }
0x3e: {  	_ =	shalt  }
0x3f: {  	_ =	shalt  }
0x40: {  	_ =	shalt  }
0x41: {  	_ =	shalt  }
0x42: {  	_ =	shalt  }
0x43: {  	_ =	shalt  }
0x44: {  	_ =	shalt  }
0x45: {  	_ =	shalt  }
0x46: {  	_ =	shalt  }
0x47: {  	_ =	shalt  }
0x48: {  	_ =	shalt  }
0x49: {  	_ =	shalt  }
0x4a: {  	_ =	shalt  }
0x4b: {  	_ =	shalt  }
0x4c: {  	_ =	shalt  }
0x4d: {  	_ =	shalt  }
0x4e: {  	_ =	shalt  }
0x4f: {  	_ =	shalt  }
0x50: {  	_ =	shalt  }
0x51: {  	_ =	shalt  }
0x52: {  	_ =	shalt  }
0x53: {  	_ =	shalt  }
0x54: {  	_ =	shalt  }
0x55: {  	_ =	shalt  }
0x56: {  	_ =	shalt  }
0x57: {  	_ =	shalt  }
0x58: {  	_ =	shalt  }
0x59: {  	_ =	shalt  }
0x5a: {  	_ =	shalt  }
0x5b: {  	_ =	shalt  }
0x5c: {  	_ =	shalt  }
0x5d: {  	_ =	shalt  }
0x5e: {  	_ =	shalt  }
0x5f: {  	_ =	shalt  }
0x60: {  	_ =	shalt  }
0x61: {  	_ =	shalt  }
0x62: {  	_ =	shalt  }
0x63: {  	_ =	shalt  }
0x64: {  	_ =	shalt  }
0x65: {  	_ =	shalt  }
0x66: {  	_ =	shalt  }
0x67: {  	_ =	shalt  }
0x68: {  	_ =	shalt  }
0x69: {  	_ =	shalt  }
0x6a: {  	_ =	shalt  }
0x6b: {  	_ =	shalt  }
0x6c: {  	_ =	shalt  }
0x6d: {  	_ =	shalt  }
0x6e: {  	_ =	shalt  }
0x6f: {  	_ =	shalt  }
0x70: {  	_ =	shalt  }
0x71: {  	_ =	shalt  }
0x72: {  	_ =	shalt  }
0x73: {  	_ =	shalt  }
0x74: {  	_ =	shalt  }
0x75: {  	_ =	shalt  }
0x76: {  	_ =	shalt  }
0x77: {  	_ =	shalt  }
0x78: {  	_ =	shalt  }
0x79: {  	_ =	shalt  }
0x7a: {  	_ =	shalt  }
0x7b: {  	_ =	shalt  }
0x7c: {  	_ =	shalt  }
0x7d: {  	_ =	shalt  }
0x7e: {  	_ =	shalt  }
0x7f: {  	_ =	shalt  }
0x80: {  	_ =	shalt  }
0x81: {  	_ =	shalt  }
0x82: {  	_ =	shalt  }
0x83: {  	_ =	shalt  }
0x84: {  	_ =	shalt  }
0x85: {  	_ =	shalt  }
0x86: {  	_ =	shalt  }
0x87: {  	_ =	shalt  }
.Lfunc_end0:
.L_simem_size_0:
called_computation_lowered:
.L_overlay_start_0:
0x88: {  	s2 =	sld [smem:$0x3FD9]  }
0x89: {  	s3 =	sld [smem:$0x3FFE];
	_ =	sdelay $0x1  }
0x8a: {  	s1 =	srdreg.scid  }
0x8b: {  	s0 =	sand.u32 $0x1, s1  }
0x8c: {  	s17 =	sshll.u32 s0, $0xA;
	s2 =	sadd.s32 s3, s2  }
0x8d: {  	s2 =	sadd.s32 s2, s17  }
0x8e: {  	[smem:$0x3FC3] =	sst s2  }
0x8f: {  	_ = 	snop  }
0x90: {  	s2 =	sld [smem:$0x3FD0];
	(tm) =	ssettm $0x1  }
0x91: {  	s18 =	sld [smem:$0x3FFB];
	_ =	sdelay $0x3  }
0x92: {  	_ =	strace s18  }
0x93: {  	s3 =	sld [smem:$0x3FFC];
	_ =	sdelay $0x3  }
0x94: {  	_ =	strace s3  }
0x95: {  	s3 =	sld [smem:$0x3FFD];
	_ =	sdelay $0x3  }
0x96: {  	_ =	strace s3  }
0x97: {  	_ =	strace $0x8FFFFFFF  }
0x98: {  	s19 =	sld [smem:$0x3FDB];
	_ =	sdelay $0x1  }
0x99: {  	s4 =	simm.s32 $_scs_section_size  }
0x9a: {  	s5 =	simm.s32 $_size__tile_overlayer_lowered;
	s6 =	simm.s32 $_tile_overlayer_lowered  }
0x9b: {  	s22 =	simm.s32 $0x1BFF;
	s21 =	sshll.u32 s6, $0x1;
	s3 =	sadd.s32 s4, s19  }
0x9c: {  	s7 =	simm.s32 $0x0;
	s20 =	sshll.u32 s5, $0x1;
	s5 =	sadd.s32 s21, s3  }
0x9d: {  	[timem:s7], [sflag:s22] =	dma.local [hbm:s5], s20  }
0x9e: {  	_ =	swait.ge [sflag:s22], s20  }
0x9f: {  	s4 =	ssub.s32 $0x0, s20;
	[sflag:s22] =	ssyncset.done $0x0  }
0xa0: {  	[sflag:s22] =	ssyncadd.s32 s4;
	_ =	sdelay $0x1  }
0xa1: {  	s23 =	simm.s32 $0x1B8B  }
0xa2: {  	_ =	swait.ge [sflag:s23], $0x1  }
0xa3: {  	[sflag:s23] =	ssyncset.done $0x0  }
0xa4: {  	s25 =	simm.s32 $0x1B8E;
	s24 =	sld [smem:$0x3FFE];
	[sflag:s23] =	ssyncadd.s32 $0xFFFFFFFF  }
0xa5: {  	s26 =	simm.s32 $execute0_lowered;
	[smem:$0x3FD2] =	sst s25  }
0xa6: {  	s5 =	sshll.u32 s26, $0x1;
	_ =	strace $0x80000046;
	[dreg:$0x1] =	wrdreg $0xFFFFFFFF  }
0xa7: {  	s28 =	simm.s32 $_size_execute0_lowered;
	s3 =	sadd.s32 s3, s5;
	[dreg:$0x0] =	wrdreg $0x0  }
0xa8: {  	s5 =	sshll.u32 s28, $0x1;
	[dreg:$0x2] =	wrdreg s3  }
0xa9: {  	[dreg:$0x3] =	wrdreg s5  }
0xaa: {  	[dreg:$0x4] =	wrdreg $0xC0  }
0xab: {  	_ =	task [dreg:s7], $0x5FFFF  }
0xac: {  	[dreg:$0x1] =	wrdreg $0xFFFFFFFF  }
0xad: {  	[dreg:$0x0] =	wrdreg $0x60  }
0xae: {  	[dreg:$0x2] =	wrdreg s24  }
0xaf: {  	[dreg:$0x3] =	wrdreg s2  }
0xb0: {  	[dreg:$0x4] =	wrdreg $0x0  }
0xb1: {  	[dreg:$0x5] =	wrdreg $0x9  }
0xb2: {  	_ =	task.clear_ibuf [dreg:s7], $0x6FFFF;
	_ =	strace $0x90000046  }
0xb3: {  	s29 =	simm.s32 $0x9;
	_ =	strace $0x80000048  }
0xb4: {  	_ =	swait.ge [sflag:s29], $0x1  }
0xb5: {  	[sflag:s29] =	ssyncadd.s32 $0xFFFFFFFF  }
0xb6: {  	_ =	strace $0x90000048  }
0xb7: {  	_ =	sfence  }
0xb8: {  	s30 =	sld [smem:$0x0];
	_ =	sdelay $0x2  }
0xb9: {  	s31 =	sshll.u32 s1, $0xD;
	s1 =	sshrl.u32 s1, $0x2  }
0xba: {  	s3 =	sand.u32 $0x4000, s31;
	s1 =	sadd.s32 s1, s30  }
0xbb: {  	s0 =	sor.u32 s3, s0;
	s1 =	sshll.u32 s1, $0x11  }
0xbc: {  	s0 =	sor.u32 s1, s0  }
0xbd: {  	s0 =	sadd.s32 $0x8F2B, s0  }
0xbe: {  	[sflag:s0] =	ssyncadd.remote.s32 $0x1  }
0xbf: {  	_ =	sfence.sel $0xFFFF  }
0xc0: {  	[dreg:$0x0] =	wrdreg $0xFFFFFFFF;
	(pc) =	sbr.abs _section_cstart, $3  }
0xc1: {  	[dreg:$0x1] =	wrdreg $0xFFFFFFFF  }
0xc2: {  	_ =	task.clear_ibuf [dreg:s7], $0x2FFFF;
	_ =	strace $0x9FFFFFFF  }
0xc3: {  	(tm) =	ssettm $0x7FFFFFFF  }
tec
execute0_lowered:
.L_overlay_start_1:
0x0: {  	(tag) =	ssettag $0x1  }
0x1: {  	s5 =	srdreg.scid  }
0x2: {  	s3 =	rddreg [dreg:$0x0];
	s6 =	sand.u32 $0x1, s5  }
0x3: {  	s4 =	rddreg [dreg:$0x1];
	s9 =	sshll.u32 s6, $0xB;
	s6 =	ssub.s32 $0x2, s6  }
0x4: {  	s2 =	rddreg [dreg:$0x2];
	s10 =	sshrl.u32 s6, $0x1  }
0x5: {  	s0 =	rddreg [dreg:$0x3];
	s30 =	ssub.s32 s6, s10  }
0x6: {  	s1 =	simm.s32 $0x0;
	s7 =	stileid.u32;
	s31 =	smax.u32 s30, $0x1  }
0x7: {  	p1 =	por $0x0, $0x0;
	[smem:$0x7FF] =	sst s1;
	s14 =	sadd.s32 $0xFFFFFFFF, s31  }
0x8: {  	s8 =	sshll.u32 s7, $0xC;
	s5 =	sadd.s32 $0x600, s3;
	p2 =	sne.s32 s14, $0x0  }
.Ltmp0:
0x9: {  	p0 =	sne.s32 s7, $0x0;
	s7 =	simm.s32 $0x3C8;
	(pc) =	sbr.rel @!p2 .LBB2_3-.Ltmp0, $4  }
0xa: {  	_ =	strace $0x80000047;
	s11 =	sshrl.u32 @!p0 s2, $0x3;
	s8 =	sor.u32 s9, s8  }
0xb: {  	s9 =	sshll.u32 s8, $0x1;
	s8 =	sshrl.u32 s8, $0x3;
	s10 =	simm.s32 $0x1  }
0xc: {  	s3 =	sadd.s32 s9, s3;
	s6 =	sadd.s32 s4, s8;
	s4 =	simm.s32 $0x2  }
0xd: {  	s9 =	simm.s32 $0x800;
	s8 =	simm.s32 $0xBC8;
	s3 =	sadd.s32 $0xE00, s3  }
0xe: {  	s12 =	simm.s32 @!p0 $0x1C02;
	s13 =	simm.s32 @!p0 $0x2  }
0xf: {  	[spmem:s11], [sflag:s12] =	dma.local @!p0 [hbm:s5], $0x782  }
0x10: {  	_ =	swait.ge @!p0 [sflag:s13], $0x782  }
0x11: {  	[sflag:s13] =	ssyncset.done @!p0 $0x0  }
0x12: {  	[sflag:s13] =	ssyncadd.s32 @!p0 $0xFFFFF87E  }
0x13: {  	[bflag:$0x0] =	sbarrier.arrive $0xFFFF  }
0x14: {  	[tilespmem:s7], [sflag:$0x2] =	stream.linear.gather [hbm4b:s6+s1], $0x800, $0x38;
	[tilespmem:$0x8BC8] =	vst v63  }
0x15: {  	_ =	swait.ge [sflag:s4], $0x800  }
0x16: {  	[sflag:s4] =	ssyncset.done $0x0  }
0x17: {  	s14 =	sadd.s32 $0xFFFFFFFF, s14;
	[sflag:s4] =	ssyncadd.s32 $0xFFFFF800  }
0x18: {  	[tilespmem:s8], [sflag:$0x1] =	stream.indirect.gather [spmem:s2], $0x10, s7, s9, $0xb8;
	[tilespmem:$0x8BC8] =	vst v63  }
0x19: {  	p2 =	sne.s32 s14, $0x0;
	_ =	swait.ge [sflag:s10], $0x8000  }
.Ltmp1:
0x1a: {  	[sflag:s10] =	ssyncset.done $0x0;
	(pc) =	sbr.rel @!p2 .LBB2_3-.Ltmp1, $4  }
0x1b: {  	[sflag:s10] =	ssyncadd.s32 $0xFFFF8000  }
0x1c: {  	[hbm4b:s3+s1] =	stream.linear.scatter [tilespmem:s8], [sflag:$0x2], $0x8000, $0x38;
	[tilespmem:$0x8BC8] =	vst v63  }
0x1d: {  	_ =	swait.ge [sflag:s4], $0x8000  }
0x1e: {  	p1 =	por $0x1, $0x1;
	[sflag:s4] =	ssyncset.done $0x0  }
.LBB2_2:
0x1f: {  	[sflag:s4] =	ssyncadd.s32 $0xFFFF8000  }
0x20: {  	[spmem:s11], [sflag:s12] =	dma.local @!p0 [hbm:s5], $0x782  }
0x21: {  	s14 =	sadd.s32 $0xFFFFFFFF, s14;
	_ =	swait.ge @!p0 [sflag:s13], $0x782  }
0x22: {  	p2 =	sne.s32 s14, $0x0;
	[sflag:s13] =	ssyncset.done @!p0 $0x0  }
0x23: {  	[sflag:s13] =	ssyncadd.s32 @!p0 $0xFFFFF87E  }
0x24: {  	[bflag:$0x0] =	sbarrier.arrive $0xFFFF  }
0x25: {  	[tilespmem:s7], [sflag:$0x2] =	stream.linear.gather [hbm4b:s6+s1], $0x800, $0x38;
	[tilespmem:$0x8BC8] =	vst v63  }
0x26: {  	_ =	swait.ge [sflag:s4], $0x800  }
0x27: {  	[sflag:s4] =	ssyncset.done $0x0  }
0x28: {  	[sflag:s4] =	ssyncadd.s32 $0xFFFFF800  }
0x29: {  	[tilespmem:s8], [sflag:$0x1] =	stream.indirect.gather [spmem:s2], $0x10, s7, s9, $0xb8;
	[tilespmem:$0x8BC8] =	vst v63  }
0x2a: {  	_ =	swait.ge [sflag:s10], $0x8000  }
.Ltmp2:
0x2b: {  	[sflag:s10] =	ssyncset.done $0x0;
	(pc) =	sbr.rel @p2 .LBB2_2-.Ltmp2, $4  }
0x2c: {  	[sflag:s10] =	ssyncadd.s32 $0xFFFF8000  }
0x2d: {  	[hbm4b:s3+s1] =	stream.linear.scatter [tilespmem:s8], [sflag:$0x2], $0x8000, $0x38;
	[tilespmem:$0x8BC8] =	vst v63  }
0x2e: {  	_ =	swait.ge [sflag:s4], $0x8000  }
0x2f: {  	[sflag:s4] =	ssyncset.done $0x0  }
.LBB2_3:
0x30: {  	s12 =	simm.s32 @!p0 $0x1C02;
	s13 =	simm.s32 @!p0 $0x2;
	[sflag:s4] =	ssyncadd.s32 @p1 $0xFFFF8000  }
0x31: {  	[spmem:s11], [sflag:s12] =	dma.local @!p0 [hbm:s5], $0x782  }
0x32: {  	_ =	swait.ge @!p0 [sflag:s13], $0x782  }
0x33: {  	[sflag:s13] =	ssyncset.done @!p0 $0x0  }
0x34: {  	[sflag:s13] =	ssyncadd.s32 @!p0 $0xFFFFF87E  }
0x35: {  	[bflag:$0x0] =	sbarrier.arrive $0xFFFF  }
0x36: {  	[tilespmem:s7], [sflag:$0x2] =	stream.linear.gather [hbm4b:s6+s1], $0x800, $0x38;
	[tilespmem:$0x8BC8] =	vst v63  }
0x37: {  	_ =	swait.ge [sflag:s4], $0x800  }
0x38: {  	[sflag:s4] =	ssyncset.done $0x0  }
0x39: {  	[sflag:s4] =	ssyncadd.s32 $0xFFFFF800  }
0x3a: {  	[tilespmem:s8], [sflag:$0x1] =	stream.indirect.gather [spmem:s2], $0x10, s7, s9, $0xb8;
	[tilespmem:$0x8BC8] =	vst v63  }
0x3b: {  	_ =	swait.ge [sflag:s10], $0x8000  }
0x3c: {  	[sflag:s10] =	ssyncset.done $0x0  }
0x3d: {  	[sflag:s10] =	ssyncadd.s32 $0xFFFF8000  }
0x3e: {  	[hbm4b:s3+s1] =	stream.linear.scatter [tilespmem:s8], [sflag:$0x2], $0x8000, $0x38;
	[tilespmem:$0x8BC8] =	vst v63  }
0x3f: {  	_ =	swait.ge [sflag:s4], $0x8000  }
0x40: {  	[sflag:s4] =	ssyncset.done $0x0  }
0x41: {  	[sflag:s4] =	ssyncadd.s32 $0xFFFF8000  }
0x42: {  	_ =	sfence.sel $0x180000  }
0x43: {  	[bflag:$0x0] =	sbarrier.arrive $0xFFFF  }
0x44: {  	_ =	strace $0x90000047  }
0x45: {  	s0 =	sadd.s32 @!p0 $0x100000, s0;
	[bflag:$0x2] =	sbarrier.arrive $0xFFFF  }
0x46: {  	[sflag:s0] =	ssyncadd.tile.s32 @!p0 $0x1;
	_ =	shalt  }
.Lfunc_end2:
_tile_overlayer_lowered:
.L_overlay_start_2:
0x47: {  	(tag) =	ssettag $0x2  }
0x48: {  	s0 =	rddreg [dreg:$0x0];
	s2 =	stileid.u32  }
0x49: {  	s1 =	rddreg [dreg:$0x1];
	p0 =	sne.s32 s2, $0x0  }
0x4a: {  	s3 =	rddreg [dreg:$0x2];
	[bflag:$0x3] =	sbarrier.arrive $0xFFFF;
	s2 =	simm.s32 @!p0 $0x1C02  }
0x4b: {  	[timem:s3], [sflag:s2] =	dma.local @!p0 [hbm:s0], s1  }
0x4c: {  	s0 =	simm.s32 @!p0 $0x2  }
0x4d: {  	_ =	swait.ge @!p0 [sflag:s0], s1  }
0x4e: {  	s1 =	ssub.s32 @!p0 $0x0, s1;
	[sflag:s0] =	ssyncset.done @!p0 $0x0  }
0x4f: {  	[sflag:s0] =	ssyncadd.s32 @!p0 s1  }
0x50: {  	[bflag:$0x3] =	sbarrier.arrive $0xFFFF  }
0x51: {  	_ =	shalt  }

</sc_bundles>
